<compile_context>
chip_gen: v7x
topology: tpu7x:2x2x1
jax: 0.10.2.dev20260603
libtpu: 0.0.44.dev20260713+nightly
codegen_flags: <defaults>
</compile_context>

<pallas_src>
import functools

import jax
import jax.numpy as jnp
from jax import lax
from jax.experimental import pallas as pl
from jax.experimental.pallas import tpu as pltpu
from jax.experimental.pallas import tpu_sc as plsc

VOCAB = 100000
MAX_LEN = 200
EMB = 128
B = 1024
T = 200

NC = 2
NS = 16
NW = NC * NS

BPW = B // NW
GS0 = 104
GS1 = T - GS0

TOK_BLK = 25000
GRID = VOCAB // TOK_BLK
SUB = TOK_BLK // 8

_BF16_ONE = 0x3F80


def _prep_body(tok_ref, pos_ref, m_ref, qpos_ref, acc_ref):
    i = pl.program_id(0)

    @pl.when(i == 0)
    def _():
        acc_ref[...] = jnp.zeros((8, 128), jnp.float32)

    acc_ref[...] += jnp.sum(
        tok_ref[...].reshape(SUB, 8, 128), axis=0)

    @pl.when(i == GRID - 1)
    def _():
        m_tok = jnp.sum(acc_ref[...]) / float(VOCAB * EMB)
        m_ref[...] = jnp.full((8, 128), m_tok, jnp.float32)
        pos = pos_ref[...]
        m_pos = jnp.sum(pos) / float(MAX_LEN * EMB)
        qbits = jnp.where(pos > m_pos, jnp.int32(_BF16_ONE), jnp.int32(0))
        qpos_ref[...] = qbits[:, :64] | (qbits[:, 64:] << 16)


def _prep(token_table, pos_table):
    return pl.pallas_call(
        _prep_body,
        grid=(GRID,),
        in_specs=[
            pl.BlockSpec((TOK_BLK, EMB), lambda i: (i, 0)),
            pl.BlockSpec((MAX_LEN, EMB), lambda i: (0, 0)),
        ],
        out_specs=[
            pl.BlockSpec((8, 128), lambda i: (0, 0)),
            pl.BlockSpec((MAX_LEN, EMB // 2), lambda i: (0, 0)),
        ],
        out_shape=[
            jax.ShapeDtypeStruct((8, 128), jnp.float32),
            jax.ShapeDtypeStruct((MAX_LEN, EMB // 2), jnp.int32),
        ],
        scratch_shapes=[pltpu.VMEM((8, 128), jnp.float32)],
    )(token_table, pos_table)


_mesh = plsc.VectorSubcoreMesh(
    core_axis_name="c", subcore_axis_name="s", num_cores=NC, num_subcores=NS
)


@functools.partial(
    pl.kernel,
    out_type=jax.ShapeDtypeStruct((B, T, EMB), jnp.float32),
    mesh=_mesh,
    scratch_types=[
        pltpu.VMEM((2 * BPW, GS0), jnp.int32),
        pltpu.VMEM((T, EMB), jnp.float32),
        pltpu.VMEM((T, EMB), jnp.float32),
        pltpu.VMEM((T, EMB), jnp.float32),
        pltpu.VMEM((MAX_LEN, EMB // 2), jnp.int32),
        pltpu.VMEM((16,), jnp.float32),
        pltpu.SemaphoreType.DMA,
        pltpu.SemaphoreType.DMA,
        pltpu.SemaphoreType.DMA,
        pltpu.SemaphoreType.DMA,
        pltpu.SemaphoreType.DMA,
        pltpu.SemaphoreType.DMA,
    ],
)
def _sc_lookup(seq_hbm, tok_hbm, m_hbm, qpos_hbm, out_hbm,
               idx_all, g0, g1, g2, qpos_v, m_v,
               gsem0, gsem1, gsem2, osem0, osem1, osem2):
    wid = lax.axis_index("s") * NC + lax.axis_index("c")
    base_b = wid * BPW

    pltpu.sync_copy(seq_hbm.at[pl.ds(2 * base_b, 2 * BPW)], idx_all)
    pltpu.sync_copy(qpos_hbm, qpos_v)
    pltpu.sync_copy(m_hbm, m_v)
    vm = m_v[...]

    def gstart(i, g, gsem):
        pltpu.async_copy(
            tok_hbm.at[idx_all.at[2 * i]], g.at[pl.ds(0, GS0)], gsem)
        pltpu.async_copy(
            tok_hbm.at[idx_all.at[2 * i + 1]], g.at[pl.ds(GS1, GS0)], gsem)

    def gwait(g, gsem):
        pltpu.make_async_copy(
            tok_hbm.at[idx_all.at[0]], g.at[pl.ds(0, GS0)], gsem).wait()
        pltpu.make_async_copy(
            tok_hbm.at[idx_all.at[0]], g.at[pl.ds(GS1, GS0)], gsem).wait()

    def ostart(i, o, osem):
        pltpu.async_copy(o, out_hbm.at[base_b + i], osem)

    def owait(o, osem):
        pltpu.make_async_copy(o, out_hbm.at[base_b], osem).wait()

    def compute(g):
        def body_r(r, c):
            for p in range(4):
                xq = qpos_v[r, pl.ds(16 * p, 16)]
                qa = lax.bitcast_convert_type(xq << 16, jnp.float32)
                qb = lax.bitcast_convert_type(xq & jnp.int32(-65536), jnp.float32)
                sa = pl.ds(16 * p, 16)
                sb = pl.ds(64 + 16 * p, 16)
                va = g[r, sa]
                g[r, sa] = jnp.where(va > vm, 1.0, 0.0) + qa
                vb = g[r, sb]
                g[r, sb] = jnp.where(vb > vm, 1.0, 0.0) + qb
            return c

        lax.fori_loop(0, T, body_r, 0)

    slots = ((g0, gsem0, osem0), (g1, gsem1, osem1), (g2, gsem2, osem2))

    def step(i, cur, nxt, prefetch, drain):
        g, gsem, osem = cur
        if prefetch:
            gn, gsemn, osemn = nxt
            if drain:
                owait(gn, osemn)
            gstart(i + 1, gn, gsemn)
        gwait(g, gsem)
        compute(g)
        ostart(i, g, osem)

    gstart(0, g0, gsem0)
    step(0, slots[0], slots[1], True, False)
    step(1, slots[1], slots[2], True, False)

    def group(k, carry):
        c = 3 * k + 2
        step(c + 0, slots[2], slots[0], True, True)
        step(c + 1, slots[0], slots[1], True, True)
        step(c + 2, slots[1], slots[2], True, True)
        return carry

    lax.fori_loop(0, (BPW - 5) // 3, group, 0)
    step(BPW - 3, slots[2], slots[0], True, True)
    step(BPW - 2, slots[0], slots[1], True, True)
    step(BPW - 1, slots[1], slots[2], False, False)
    owait(g2, osem2)
    owait(g0, osem0)
    owait(g1, osem1)


def kernel(seq, token_table, pos_table):
    m8, qpos = _prep(token_table, pos_table)
    mvec = m8[0, :16]
    s = seq.astype(jnp.int32)
    seq3 = jnp.stack([s[:, :GS0], s[:, GS1:]], axis=1).reshape(2 * B, GS0)
    return _sc_lookup(seq3, token_table, mvec, qpos)

# --- scband reference (transcript-rebuilt; emitter-appended) ---
"""Pipeline reference for scband-binary-embedding-33981781246445 (READ-ONLY COPY).

The authoritative reference and input builder live on the scoring server;
editing this copy changes nothing except your own understanding.
"""

import jax, jax.numpy as jnp
import numpy as np

VOCAB = 100000
MAX_LEN = 200
EMB = 128
B = 1024
T = 200


def quantize_to_01(t):
    m = jnp.mean(t)
    return (t > m).astype(t.dtype)


def setup_inputs(seed: int = 0) -> dict:
    key = jax.random.key(seed)
    k1, k2, k3 = jax.random.split(key, 3)
    seq = jax.random.randint(k1, (B, T), 0, VOCAB, dtype=jnp.int64 if jax.config.jax_enable_x64 else jnp.int32)
    # xavier-uniform-ish init for tables
    bound_tok = float(np.sqrt(6.0 / (VOCAB + EMB)))
    bound_pos = float(np.sqrt(6.0 / (MAX_LEN + EMB)))
    token_table = jax.random.uniform(k2, (VOCAB, EMB), minval=-bound_tok, maxval=bound_tok, dtype=jnp.float32)
    pos_table = jax.random.uniform(k3, (MAX_LEN, EMB), minval=-bound_pos, maxval=bound_pos, dtype=jnp.float32)
    return {"seq": seq, "token_table": token_table, "pos_table": pos_table}


def reference(seq, token_table, pos_table):
    # train_mode=True path: STE quantization
    token_table_q = token_table + jax.lax.stop_gradient(quantize_to_01(token_table) - token_table)
    pos_table_q = pos_table + jax.lax.stop_gradient(quantize_to_01(pos_table) - pos_table)
    tk_emb = jnp.take(token_table_q, seq, axis=0)  # (B, T, E)
    seq_len = seq.shape[1]
    pos_idx = jnp.broadcast_to(jnp.arange(seq_len)[None, :], seq.shape)
    pos_emb = jnp.take(pos_table_q, pos_idx, axis=0)  # (B, T, E)
    return tk_emb + pos_emb

if __name__ == "__main__":
    import jax
    _d = setup_inputs()
    print(jax.jit(kernel)(*tuple(_d.values())))

</pallas_src>

<mosaic_0001>
#map = affine_map<(d0, d1) -> (0, 0)>
#map1 = affine_map<(d0, d1) -> (0)>
#map2 = affine_map<(d0, d1) -> (0, 0, 0)>
module attributes {stable_mosaic.version = 14 : i64} {
  func.func @_sc_lookup(%arg0: i32, %arg1: i32, %arg2: memref<2048x104xi32, #tpu.memory_space<hbm>>, %arg3: memref<100000x128xf32, #tpu.memory_space<hbm>>, %arg4: memref<16xf32, #tpu.memory_space<hbm>>, %arg5: memref<200x64xi32, #tpu.memory_space<hbm>>, %arg6: memref<1024x200x128xf32, #tpu.memory_space<hbm>>, %arg7: memref<64x104xi32, #tpu.memory_space<vmem>>, %arg8: memref<200x128xf32, #tpu.memory_space<vmem>>, %arg9: memref<200x128xf32, #tpu.memory_space<vmem>>, %arg10: memref<200x128xf32, #tpu.memory_space<vmem>>, %arg11: memref<200x64xi32, #tpu.memory_space<vmem>>, %arg12: memref<16xf32, #tpu.memory_space<vmem>>, %arg13: memref<!tpu.dma_semaphore, #tpu.memory_space<semaphore_mem>>, %arg14: memref<!tpu.dma_semaphore, #tpu.memory_space<semaphore_mem>>, %arg15: memref<!tpu.dma_semaphore, #tpu.memory_space<semaphore_mem>>, %arg16: memref<!tpu.dma_semaphore, #tpu.memory_space<semaphore_mem>>, %arg17: memref<!tpu.dma_semaphore, #tpu.memory_space<semaphore_mem>>, %arg18: memref<!tpu.dma_semaphore, #tpu.memory_space<semaphore_mem>>) attributes {dimension_semantics = [#tpu.dimension_semantics<core_parallel>, #tpu.dimension_semantics<subcore_parallel>], iteration_bounds = array<i64: 2, 16>, scalar_prefetch = 0 : i64, scratch_operands = 12 : i64, tpu.core_type = #tpu.core_type<sc_vector_subcore>, window_params = [{transform_indices = #map}, {transform_indices = #map}, {transform_indices = #map1}, {transform_indices = #map}, {transform_indices = #map2}]} {
    %mul3A = arith.constant 2 : i32
    %mul3A_0 = arith.muli %arg1, %mul3A : i32
    %add3A = arith.addi %mul3A_0, %arg0 : i32
    %mul3A_1 = arith.constant 32 : i32
    %mul3A_2 = arith.muli %add3A, %mul3A_1 : i32
    %mul3A_3 = arith.constant 2 : i32
    %mul3A_4 = arith.muli %mul3A_3, %mul3A_2 : i32
    "tpu.region"() ({
      %run_scoped3A = tpu.sem_alloc : memref<!tpu.dma_semaphore, #tpu.memory_space<semaphore_mem>>
      %dma_start3A_330 = arith.constant 0 : i32
      %dma_start3A_331 = tpu.memref_slice %arg2[%mul3A_4, %dma_start3A_330] : memref<2048x104xi32, #tpu.memory_space<hbm>> -> memref<64x104xi32, #tpu.memory_space<hbm>>
      %dma_start3A_332 = arith.constant 0 : i32
      %dma_start3A_333 = tpu.memref_slice %arg2[%mul3A_4, %dma_start3A_332] : memref<2048x104xi32, #tpu.memory_space<hbm>> -> memref<64x104xi32, #tpu.memory_space<hbm>>
      tpu.enqueue_dma source(%dma_start3A_333 : memref<64x104xi32, #tpu.memory_space<hbm>>) target(%arg7 : memref<64x104xi32, #tpu.memory_space<vmem>>) target_semaphore(%run_scoped3A : memref<!tpu.dma_semaphore, #tpu.memory_space<semaphore_mem>>)
      %dma_wait3A_334 = arith.constant 0 : i32
      %dma_wait3A_335 = tpu.memref_slice %arg2[%mul3A_4, %dma_wait3A_334] : memref<2048x104xi32, #tpu.memory_space<hbm>> -> memref<64x104xi32, #tpu.memory_space<hbm>>
      %dma_wait3A_336 = arith.constant 0 : i32
      %dma_wait3A_337 = tpu.memref_slice %arg2[%mul3A_4, %dma_wait3A_336] : memref<2048x104xi32, #tpu.memory_space<hbm>> -> memref<64x104xi32, #tpu.memory_space<hbm>>
      tpu.wait_dma2 semaphore(%run_scoped3A : memref<!tpu.dma_semaphore, #tpu.memory_space<semaphore_mem>>) src(%dma_wait3A_337 : memref<64x104xi32, #tpu.memory_space<hbm>>) dst(%arg7 : memref<64x104xi32, #tpu.memory_space<vmem>>)
      tpu.yield
    }) : () -> ()
    "tpu.region"() ({
      %run_scoped3A = tpu.sem_alloc : memref<!tpu.dma_semaphore, #tpu.memory_space<semaphore_mem>>
      tpu.enqueue_dma source(%arg5 : memref<200x64xi32, #tpu.memory_space<hbm>>) target(%arg11 : memref<200x64xi32, #tpu.memory_space<vmem>>) target_semaphore(%run_scoped3A : memref<!tpu.dma_semaphore, #tpu.memory_space<semaphore_mem>>)
      tpu.wait_dma2 semaphore(%run_scoped3A : memref<!tpu.dma_semaphore, #tpu.memory_space<semaphore_mem>>) src(%arg5 : memref<200x64xi32, #tpu.memory_space<hbm>>) dst(%arg11 : memref<200x64xi32, #tpu.memory_space<vmem>>)
      tpu.yield
    }) : () -> ()
    "tpu.region"() ({
      %run_scoped3A = tpu.sem_alloc : memref<!tpu.dma_semaphore, #tpu.memory_space<semaphore_mem>>
      tpu.enqueue_dma source(%arg4 : memref<16xf32, #tpu.memory_space<hbm>>) target(%arg12 : memref<16xf32, #tpu.memory_space<vmem>>) target_semaphore(%run_scoped3A : memref<!tpu.dma_semaphore, #tpu.memory_space<semaphore_mem>>)
      tpu.wait_dma2 semaphore(%run_scoped3A : memref<!tpu.dma_semaphore, #tpu.memory_space<semaphore_mem>>) src(%arg4 : memref<16xf32, #tpu.memory_space<hbm>>) dst(%arg12 : memref<16xf32, #tpu.memory_space<vmem>>)
      tpu.yield
    }) : () -> ()
    %get3A = arith.constant 0 : index
    %get3A_5 = tpu.vector_load %arg12[%get3A] {strides = array<i32>} : memref<16xf32, #tpu.memory_space<vmem>>, vector<16xf32>,
    %get3A_6 = vector.shape_cast %get3A_5 : vector<16xf32> to vector<16xf32>
    %dma_start3A = arith.constant 0 : i32
    %dma_start3A_7 = arith.constant 0 : i32
    %dma_start3A_8 = arith.constant 0 : i32
    %dma_start3A_9 = tpu.memref_slice %arg8[%dma_start3A_7, %dma_start3A_8] : memref<200x128xf32, #tpu.memory_space<vmem>> -> memref<104x128xf32, #tpu.memory_space<vmem>>
    %dma_start3A_10 = arith.constant 0 : i32
    %dma_start3A_11 = tpu.memref_slice %arg7[%dma_start3A, %dma_start3A_10] : memref<64x104xi32, #tpu.memory_space<vmem>> -> memref<1x104xi32, #tpu.memory_space<vmem>>
    %dma_start3A_12 = tpu.memref_squeeze %dma_start3A_11 : memref<1x104xi32, #tpu.memory_space<vmem>> -> memref<104xi32, #tpu.memory_space<vmem>>
    %dma_start3A_13 = arith.constant 0 : i32
    %dma_start3A_14 = arith.constant 0 : i32
    %dma_start3A_15 = tpu.memref_slice %arg3[%dma_start3A_13, %dma_start3A_14] : memref<100000x128xf32, #tpu.memory_space<hbm>> -> memref<100000x128xf32, #tpu.memory_space<hbm>>
    tpu.enqueue_indirect_dma source(%dma_start3A_15 : memref<100000x128xf32, #tpu.memory_space<hbm>>) target(%dma_start3A_9 : memref<104x128xf32, #tpu.memory_space<vmem>>) offsets(%dma_start3A_12 : memref<104xi32, #tpu.memory_space<vmem>>) semaphore(%arg13 : memref<!tpu.dma_semaphore, #tpu.memory_space<semaphore_mem>>)
    %dma_start3A_16 = arith.constant 1 : i32
    %dma_start3A_17 = arith.constant 96 : i32
    %dma_start3A_18 = arith.constant 0 : i32
    %dma_start3A_19 = tpu.memref_slice %arg8[%dma_start3A_17, %dma_start3A_18] : memref<200x128xf32, #tpu.memory_space<vmem>> -> memref<104x128xf32, #tpu.memory_space<vmem>>
    %dma_start3A_20 = arith.constant 0 : i32
    %dma_start3A_21 = tpu.memref_slice %arg7[%dma_start3A_16, %dma_start3A_20] : memref<64x104xi32, #tpu.memory_space<vmem>> -> memref<1x104xi32, #tpu.memory_space<vmem>>
    %dma_start3A_22 = tpu.memref_squeeze %dma_start3A_21 : memref<1x104xi32, #tpu.memory_space<vmem>> -> memref<104xi32, #tpu.memory_space<vmem>>
    %dma_start3A_23 = arith.constant 0 : i32
    %dma_start3A_24 = arith.constant 0 : i32
    %dma_start3A_25 = tpu.memref_slice %arg3[%dma_start3A_23, %dma_start3A_24] : memref<100000x128xf32, #tpu.memory_space<hbm>> -> memref<100000x128xf32, #tpu.memory_space<hbm>>
    tpu.enqueue_indirect_dma source(%dma_start3A_25 : memref<100000x128xf32, #tpu.memory_space<hbm>>) target(%dma_start3A_19 : memref<104x128xf32, #tpu.memory_space<vmem>>) offsets(%dma_start3A_22 : memref<104xi32, #tpu.memory_space<vmem>>) semaphore(%arg13 : memref<!tpu.dma_semaphore, #tpu.memory_space<semaphore_mem>>)
    %dma_start3A_26 = arith.constant 2 : i32
    %dma_start3A_27 = arith.constant 0 : i32
    %dma_start3A_28 = arith.constant 0 : i32
    %dma_start3A_29 = tpu.memref_slice %arg9[%dma_start3A_27, %dma_start3A_28] : memref<200x128xf32, #tpu.memory_space<vmem>> -> memref<104x128xf32, #tpu.memory_space<vmem>>
    %dma_start3A_30 = arith.constant 0 : i32
    %dma_start3A_31 = tpu.memref_slice %arg7[%dma_start3A_26, %dma_start3A_30] : memref<64x104xi32, #tpu.memory_space<vmem>> -> memref<1x104xi32, #tpu.memory_space<vmem>>
    %dma_start3A_32 = tpu.memref_squeeze %dma_start3A_31 : memref<1x104xi32, #tpu.memory_space<vmem>> -> memref<104xi32, #tpu.memory_space<vmem>>
    %dma_start3A_33 = arith.constant 0 : i32
    %dma_start3A_34 = arith.constant 0 : i32
    %dma_start3A_35 = tpu.memref_slice %arg3[%dma_start3A_33, %dma_start3A_34] : memref<100000x128xf32, #tpu.memory_space<hbm>> -> memref<100000x128xf32, #tpu.memory_space<hbm>>
    tpu.enqueue_indirect_dma source(%dma_start3A_35 : memref<100000x128xf32, #tpu.memory_space<hbm>>) target(%dma_start3A_29 : memref<104x128xf32, #tpu.memory_space<vmem>>) offsets(%dma_start3A_32 : memref<104xi32, #tpu.memory_space<vmem>>) semaphore(%arg14 : memref<!tpu.dma_semaphore, #tpu.memory_space<semaphore_mem>>)
    %dma_start3A_36 = arith.constant 3 : i32
    %dma_start3A_37 = arith.constant 96 : i32
    %dma_start3A_38 = arith.constant 0 : i32
    %dma_start3A_39 = tpu.memref_slice %arg9[%dma_start3A_37, %dma_start3A_38] : memref<200x128xf32, #tpu.memory_space<vmem>> -> memref<104x128xf32, #tpu.memory_space<vmem>>
    %dma_start3A_40 = arith.constant 0 : i32
    %dma_start3A_41 = tpu.memref_slice %arg7[%dma_start3A_36, %dma_start3A_40] : memref<64x104xi32, #tpu.memory_space<vmem>> -> memref<1x104xi32, #tpu.memory_space<vmem>>
    %dma_start3A_42 = tpu.memref_squeeze %dma_start3A_41 : memref<1x104xi32, #tpu.memory_space<vmem>> -> memref<104xi32, #tpu.memory_space<vmem>>
    %dma_start3A_43 = arith.constant 0 : i32
    %dma_start3A_44 = arith.constant 0 : i32
    %dma_start3A_45 = tpu.memref_slice %arg3[%dma_start3A_43, %dma_start3A_44] : memref<100000x128xf32, #tpu.memory_space<hbm>> -> memref<100000x128xf32, #tpu.memory_space<hbm>>
    tpu.enqueue_indirect_dma source(%dma_start3A_45 : memref<100000x128xf32, #tpu.memory_space<hbm>>) target(%dma_start3A_39 : memref<104x128xf32, #tpu.memory_space<vmem>>) offsets(%dma_start3A_42 : memref<104xi32, #tpu.memory_space<vmem>>) semaphore(%arg14 : memref<!tpu.dma_semaphore, #tpu.memory_space<semaphore_mem>>)
    %dma_wait3A = arith.constant 0 : i32
    %dma_wait3A_46 = arith.constant 0 : i32
    %dma_wait3A_47 = arith.constant 0 : i32
    %dma_wait3A_48 = tpu.memref_slice %arg8[%dma_wait3A_46, %dma_wait3A_47] : memref<200x128xf32, #tpu.memory_space<vmem>> -> memref<104x128xf32, #tpu.memory_space<vmem>>
    %dma_wait3A_49 = arith.constant 0 : i32
    %dma_wait3A_50 = tpu.memref_slice %arg7[%dma_wait3A, %dma_wait3A_49] : memref<64x104xi32, #tpu.memory_space<vmem>> -> memref<1x104xi32, #tpu.memory_space<vmem>>
    %dma_wait3A_51 = tpu.memref_squeeze %dma_wait3A_50 : memref<1x104xi32, #tpu.memory_space<vmem>> -> memref<104xi32, #tpu.memory_space<vmem>>
    %dma_wait3A_52 = arith.constant 0 : i32
    %dma_wait3A_53 = arith.constant 0 : i32
    %dma_wait3A_54 = tpu.memref_slice %arg3[%dma_wait3A_52, %dma_wait3A_53] : memref<100000x128xf32, #tpu.memory_space<hbm>> -> memref<100000x128xf32, #tpu.memory_space<hbm>>
    tpu.wait_indirect_dma semaphore(%arg13 : memref<!tpu.dma_semaphore, #tpu.memory_space<semaphore_mem>>) src(%dma_wait3A_54 : memref<100000x128xf32, #tpu.memory_space<hbm>>) dst(%dma_wait3A_48 : memref<104x128xf32, #tpu.memory_space<vmem>>)
    %dma_wait3A_55 = arith.constant 0 : i32
    %dma_wait3A_56 = arith.constant 96 : i32
    %dma_wait3A_57 = arith.constant 0 : i32
    %dma_wait3A_58 = tpu.memref_slice %arg8[%dma_wait3A_56, %dma_wait3A_57] : memref<200x128xf32, #tpu.memory_space<vmem>> -> memref<104x128xf32, #tpu.memory_space<vmem>>
    %dma_wait3A_59 = arith.constant 0 : i32
    %dma_wait3A_60 = tpu.memref_slice %arg7[%dma_wait3A_55, %dma_wait3A_59] : memref<64x104xi32, #tpu.memory_space<vmem>> -> memref<1x104xi32, #tpu.memory_space<vmem>>
    %dma_wait3A_61 = tpu.memref_squeeze %dma_wait3A_60 : memref<1x104xi32, #tpu.memory_space<vmem>> -> memref<104xi32, #tpu.memory_space<vmem>>
    %dma_wait3A_62 = arith.constant 0 : i32
    %dma_wait3A_63 = arith.constant 0 : i32
    %dma_wait3A_64 = tpu.memref_slice %arg3[%dma_wait3A_62, %dma_wait3A_63] : memref<100000x128xf32, #tpu.memory_space<hbm>> -> memref<100000x128xf32, #tpu.memory_space<hbm>>
    tpu.wait_indirect_dma semaphore(%arg13 : memref<!tpu.dma_semaphore, #tpu.memory_space<semaphore_mem>>) src(%dma_wait3A_64 : memref<100000x128xf32, #tpu.memory_space<hbm>>) dst(%dma_wait3A_58 : memref<104x128xf32, #tpu.memory_space<vmem>>)
    %scan3A = arith.constant 0 : i32
    %scan3A_65 = arith.constant 0 : i32
    %scan3A_66 = arith.constant 200 : i32
    %scan3A_67 = arith.addi %scan3A_65, %scan3A_66 : i32
    %scan3A_68 = arith.constant 1 : i32
    scf.for %scan3A_330 = %scan3A_65 to %scan3A_67 step %scan3A_68  : i32 {
      %get3A_331 = arith.index_cast %scan3A_330 : i32 to index
      %get3A_332 = arith.constant 0 : index
      %get3A_333 = tpu.vector_load %arg11[%get3A_331, %get3A_332] {strides = array<i32>} : memref<200x64xi32, #tpu.memory_space<vmem>>, vector<1x16xi32>,
      %get3A_334 = vector.shape_cast %get3A_333 : vector<1x16xi32> to vector<16xi32>
      %shift_left3A = arith.constant 16 : i32
      %shift_left3A_335 = vector.broadcast %shift_left3A : i32 to vector<16xi32>
      %shift_left3A_336 = arith.shli %get3A_334, %shift_left3A_335 : vector<16xi32>
      %bitcast_convert_type3A = tpu.bitcast %shift_left3A_336 : vector<16xi32> -> vector<16xf32>
      %and3A = arith.constant -65536 : i32
      %and3A_337 = vector.broadcast %and3A : i32 to vector<16xi32>
      %and3A_338 = arith.andi %get3A_334, %and3A_337 : vector<16xi32>
      %bitcast_convert_type3A_339 = tpu.bitcast %and3A_338 : vector<16xi32> -> vector<16xf32>
      %get3A_340 = arith.index_cast %scan3A_330 : i32 to index
      %get3A_341 = arith.constant 0 : index
      %get3A_342 = tpu.vector_load %arg8[%get3A_340, %get3A_341] {strides = array<i32>} : memref<200x128xf32, #tpu.memory_space<vmem>>, vector<1x16xf32>,
      %get3A_343 = vector.shape_cast %get3A_342 : vector<1x16xf32> to vector<16xf32>
      %gt3A = arith.cmpf ogt, %get3A_343, %get3A_6 : vector<16xf32>
      %jit3A = arith.constant 1.000000e+00 : f32
      %jit3A_344 = arith.constant 0.000000e+00 : f32
      %broadcast_in_dim3A = vector.broadcast %jit3A : f32 to vector<16xf32>
      %broadcast_in_dim3A_345 = vector.broadcast %jit3A_344 : f32 to vector<16xf32>
      %select_n3A = arith.select %gt3A, %broadcast_in_dim3A, %broadcast_in_dim3A_345 : vector<16xi1>, vector<16xf32>
      %add3A_346 = arith.addf %select_n3A, %bitcast_convert_type3A : vector<16xf32>
      %swap3A = arith.index_cast %scan3A_330 : i32 to index
      %swap3A_347 = arith.constant 0 : index
      %swap3A_348 = tpu.vector_load %arg8[%swap3A, %swap3A_347] {strides = array<i32>} : memref<200x128xf32, #tpu.memory_space<vmem>>, vector<1x16xf32>,
      %swap3A_349 = vector.shape_cast %swap3A_348 : vector<1x16xf32> to vector<16xf32>
      %swap3A_350 = vector.shape_cast %add3A_346 : vector<16xf32> to vector<1x16xf32>
      tpu.vector_store %arg8[%swap3A, %swap3A_347], %swap3A_350 {strides = array<i32>} : memref<200x128xf32, #tpu.memory_space<vmem>>, vector<1x16xf32>,
      %get3A_351 = arith.index_cast %scan3A_330 : i32 to index
      %get3A_352 = arith.constant 64 : index
      %get3A_353 = tpu.vector_load %arg8[%get3A_351, %get3A_352] {strides = array<i32>} : memref<200x128xf32, #tpu.memory_space<vmem>>, vector<1x16xf32>,
      %get3A_354 = vector.shape_cast %get3A_353 : vector<1x16xf32> to vector<16xf32>
      %gt3A_355 = arith.cmpf ogt, %get3A_354, %get3A_6 : vector<16xf32>
      %jit3A_356 = arith.constant 1.000000e+00 : f32
      %jit3A_357 = arith.constant 0.000000e+00 : f32
      %broadcast_in_dim3A_358 = vector.broadcast %jit3A_356 : f32 to vector<16xf32>
      %broadcast_in_dim3A_359 = vector.broadcast %jit3A_357 : f32 to vector<16xf32>
      %select_n3A_360 = arith.select %gt3A_355, %broadcast_in_dim3A_358, %broadcast_in_dim3A_359 : vector<16xi1>, vector<16xf32>
      %add3A_361 = arith.addf %select_n3A_360, %bitcast_convert_type3A_339 : vector<16xf32>
      %swap3A_362 = arith.index_cast %scan3A_330 : i32 to index
      %swap3A_363 = arith.constant 64 : index
      %swap3A_364 = tpu.vector_load %arg8[%swap3A_362, %swap3A_363] {strides = array<i32>} : memref<200x128xf32, #tpu.memory_space<vmem>>, vector<1x16xf32>,
      %swap3A_365 = vector.shape_cast %swap3A_364 : vector<1x16xf32> to vector<16xf32>
      %swap3A_366 = vector.shape_cast %add3A_361 : vector<16xf32> to vector<1x16xf32>
      tpu.vector_store %arg8[%swap3A_362, %swap3A_363], %swap3A_366 {strides = array<i32>} : memref<200x128xf32, #tpu.memory_space<vmem>>, vector<1x16xf32>,
      %get3A_367 = arith.index_cast %scan3A_330 : i32 to index
      %get3A_368 = arith.constant 16 : index
      %get3A_369 = tpu.vector_load %arg11[%get3A_367, %get3A_368] {strides = array<i32>} : memref<200x64xi32, #tpu.memory_space<vmem>>, vector<1x16xi32>,
      %get3A_370 = vector.shape_cast %get3A_369 : vector<1x16xi32> to vector<16xi32>
      %shift_left3A_371 = arith.constant 16 : i32
      %shift_left3A_372 = vector.broadcast %shift_left3A_371 : i32 to vector<16xi32>
      %shift_left3A_373 = arith.shli %get3A_370, %shift_left3A_372 : vector<16xi32>
      %bitcast_convert_type3A_374 = tpu.bitcast %shift_left3A_373 : vector<16xi32> -> vector<16xf32>
      %and3A_375 = arith.constant -65536 : i32
      %and3A_376 = vector.broadcast %and3A_375 : i32 to vector<16xi32>
      %and3A_377 = arith.andi %get3A_370, %and3A_376 : vector<16xi32>
      %bitcast_convert_type3A_378 = tpu.bitcast %and3A_377 : vector<16xi32> -> vector<16xf32>
      %get3A_379 = arith.index_cast %scan3A_330 : i32 to index
      %get3A_380 = arith.constant 16 : index
      %get3A_381 = tpu.vector_load %arg8[%get3A_379, %get3A_380] {strides = array<i32>} : memref<200x128xf32, #tpu.memory_space<vmem>>, vector<1x16xf32>,
      %get3A_382 = vector.shape_cast %get3A_381 : vector<1x16xf32> to vector<16xf32>
      %gt3A_383 = arith.cmpf ogt, %get3A_382, %get3A_6 : vector<16xf32>
      %jit3A_384 = arith.constant 1.000000e+00 : f32
      %jit3A_385 = arith.constant 0.000000e+00 : f32
      %broadcast_in_dim3A_386 = vector.broadcast %jit3A_384 : f32 to vector<16xf32>
      %broadcast_in_dim3A_387 = vector.broadcast %jit3A_385 : f32 to vector<16xf32>
      %select_n3A_388 = arith.select %gt3A_383, %broadcast_in_dim3A_386, %broadcast_in_dim3A_387 : vector<16xi1>, vector<16xf32>
      %add3A_389 = arith.addf %select_n3A_388, %bitcast_convert_type3A_374 : vector<16xf32>
      %swap3A_390 = arith.index_cast %scan3A_330 : i32 to index
      %swap3A_391 = arith.constant 16 : index
      %swap3A_392 = tpu.vector_load %arg8[%swap3A_390, %swap3A_391] {strides = array<i32>} : memref<200x128xf32, #tpu.memory_space<vmem>>, vector<1x16xf32>,
      %swap3A_393 = vector.shape_cast %swap3A_392 : vector<1x16xf32> to vector<16xf32>
      %swap3A_394 = vector.shape_cast %add3A_389 : vector<16xf32> to vector<1x16xf32>
      tpu.vector_store %arg8[%swap3A_390, %swap3A_391], %swap3A_394 {strides = array<i32>} : memref<200x128xf32, #tpu.memory_space<vmem>>, vector<1x16xf32>,
      %get3A_395 = arith.index_cast %scan3A_330 : i32 to index
      %get3A_396 = arith.constant 80 : index
      %get3A_397 = tpu.vector_load %arg8[%get3A_395, %get3A_396] {strides = array<i32>} : memref<200x128xf32, #tpu.memory_space<vmem>>, vector<1x16xf32>,
      %get3A_398 = vector.shape_cast %get3A_397 : vector<1x16xf32> to vector<16xf32>
      %gt3A_399 = arith.cmpf ogt, %get3A_398, %get3A_6 : vector<16xf32>
      %jit3A_400 = arith.constant 1.000000e+00 : f32
      %jit3A_401 = arith.constant 0.000000e+00 : f32
      %broadcast_in_dim3A_402 = vector.broadcast %jit3A_400 : f32 to vector<16xf32>
      %broadcast_in_dim3A_403 = vector.broadcast %jit3A_401 : f32 to vector<16xf32>
      %select_n3A_404 = arith.select %gt3A_399, %broadcast_in_dim3A_402, %broadcast_in_dim3A_403 : vector<16xi1>, vector<16xf32>
      %add3A_405 = arith.addf %select_n3A_404, %bitcast_convert_type3A_378 : vector<16xf32>
      %swap3A_406 = arith.index_cast %scan3A_330 : i32 to index
      %swap3A_407 = arith.constant 80 : index
      %swap3A_408 = tpu.vector_load %arg8[%swap3A_406, %swap3A_407] {strides = array<i32>} : memref<200x128xf32, #tpu.memory_space<vmem>>, vector<1x16xf32>,
      %swap3A_409 = vector.shape_cast %swap3A_408 : vector<1x16xf32> to vector<16xf32>
      %swap3A_410 = vector.shape_cast %add3A_405 : vector<16xf32> to vector<1x16xf32>
      tpu.vector_store %arg8[%swap3A_406, %swap3A_407], %swap3A_410 {strides = array<i32>} : memref<200x128xf32, #tpu.memory_space<vmem>>, vector<1x16xf32>,
      %get3A_411 = arith.index_cast %scan3A_330 : i32 to index
      %get3A_412 = arith.constant 32 : index
      %get3A_413 = tpu.vector_load %arg11[%get3A_411, %get3A_412] {strides = array<i32>} : memref<200x64xi32, #tpu.memory_space<vmem>>, vector<1x16xi32>,
      %get3A_414 = vector.shape_cast %get3A_413 : vector<1x16xi32> to vector<16xi32>
      %shift_left3A_415 = arith.constant 16 : i32
      %shift_left3A_416 = vector.broadcast %shift_left3A_415 : i32 to vector<16xi32>
      %shift_left3A_417 = arith.shli %get3A_414, %shift_left3A_416 : vector<16xi32>
      %bitcast_convert_type3A_418 = tpu.bitcast %shift_left3A_417 : vector<16xi32> -> vector<16xf32>
      %and3A_419 = arith.constant -65536 : i32
      %and3A_420 = vector.broadcast %and3A_419 : i32 to vector<16xi32>
      %and3A_421 = arith.andi %get3A_414, %and3A_420 : vector<16xi32>
      %bitcast_convert_type3A_422 = tpu.bitcast %and3A_421 : vector<16xi32> -> vector<16xf32>
      %get3A_423 = arith.index_cast %scan3A_330 : i32 to index
      %get3A_424 = arith.constant 32 : index
      %get3A_425 = tpu.vector_load %arg8[%get3A_423, %get3A_424] {strides = array<i32>} : memref<200x128xf32, #tpu.memory_space<vmem>>, vector<1x16xf32>,
      %get3A_426 = vector.shape_cast %get3A_425 : vector<1x16xf32> to vector<16xf32>
      %gt3A_427 = arith.cmpf ogt, %get3A_426, %get3A_6 : vector<16xf32>
      %jit3A_428 = arith.constant 1.000000e+00 : f32
      %jit3A_429 = arith.constant 0.000000e+00 : f32
      %broadcast_in_dim3A_430 = vector.broadcast %jit3A_428 : f32 to vector<16xf32>
      %broadcast_in_dim3A_431 = vector.broadcast %jit3A_429 : f32 to vector<16xf32>
      %select_n3A_432 = arith.select %gt3A_427, %broadcast_in_dim3A_430, %broadcast_in_dim3A_431 : vector<16xi1>, vector<16xf32>
      %add3A_433 = arith.addf %select_n3A_432, %bitcast_convert_type3A_418 : vector<16xf32>
      %swap3A_434 = arith.index_cast %scan3A_330 : i32 to index
      %swap3A_435 = arith.constant 32 : index
      %swap3A_436 = tpu.vector_load %arg8[%swap3A_434, %swap3A_435] {strides = array<i32>} : memref<200x128xf32, #tpu.memory_space<vmem>>, vector<1x16xf32>,
      %swap3A_437 = vector.shape_cast %swap3A_436 : vector<1x16xf32> to vector<16xf32>
      %swap3A_438 = vector.shape_cast %add3A_433 : vector<16xf32> to vector<1x16xf32>
      tpu.vector_store %arg8[%swap3A_434, %swap3A_435], %swap3A_438 {strides = array<i32>} : memref<200x128xf32, #tpu.memory_space<vmem>>, vector<1x16xf32>,
      %get3A_439 = arith.index_cast %scan3A_330 : i32 to index
      %get3A_440 = arith.constant 96 : index
      %get3A_441 = tpu.vector_load %arg8[%get3A_439, %get3A_440] {strides = array<i32>} : memref<200x128xf32, #tpu.memory_space<vmem>>, vector<1x16xf32>,
      %get3A_442 = vector.shape_cast %get3A_441 : vector<1x16xf32> to vector<16xf32>
      %gt3A_443 = arith.cmpf ogt, %get3A_442, %get3A_6 : vector<16xf32>
      %jit3A_444 = arith.constant 1.000000e+00 : f32
      %jit3A_445 = arith.constant 0.000000e+00 : f32
      %broadcast_in_dim3A_446 = vector.broadcast %jit3A_444 : f32 to vector<16xf32>
      %broadcast_in_dim3A_447 = vector.broadcast %jit3A_445 : f32 to vector<16xf32>
      %select_n3A_448 = arith.select %gt3A_443, %broadcast_in_dim3A_446, %broadcast_in_dim3A_447 : vector<16xi1>, vector<16xf32>
      %add3A_449 = arith.addf %select_n3A_448, %bitcast_convert_type3A_422 : vector<16xf32>
      %swap3A_450 = arith.index_cast %scan3A_330 : i32 to index
      %swap3A_451 = arith.constant 96 : index
      %swap3A_452 = tpu.vector_load %arg8[%swap3A_450, %swap3A_451] {strides = array<i32>} : memref<200x128xf32, #tpu.memory_space<vmem>>, vector<1x16xf32>,
      %swap3A_453 = vector.shape_cast %swap3A_452 : vector<1x16xf32> to vector<16xf32>
      %swap3A_454 = vector.shape_cast %add3A_449 : vector<16xf32> to vector<1x16xf32>
      tpu.vector_store %arg8[%swap3A_450, %swap3A_451], %swap3A_454 {strides = array<i32>} : memref<200x128xf32, #tpu.memory_space<vmem>>, vector<1x16xf32>,
      %get3A_455 = arith.index_cast %scan3A_330 : i32 to index
      %get3A_456 = arith.constant 48 : index
      %get3A_457 = tpu.vector_load %arg11[%get3A_455, %get3A_456] {strides = array<i32>} : memref<200x64xi32, #tpu.memory_space<vmem>>, vector<1x16xi32>,
      %get3A_458 = vector.shape_cast %get3A_457 : vector<1x16xi32> to vector<16xi32>
      %shift_left3A_459 = arith.constant 16 : i32
      %shift_left3A_460 = vector.broadcast %shift_left3A_459 : i32 to vector<16xi32>
      %shift_left3A_461 = arith.shli %get3A_458, %shift_left3A_460 : vector<16xi32>
      %bitcast_convert_type3A_462 = tpu.bitcast %shift_left3A_461 : vector<16xi32> -> vector<16xf32>
      %and3A_463 = arith.constant -65536 : i32
      %and3A_464 = vector.broadcast %and3A_463 : i32 to vector<16xi32>
      %and3A_465 = arith.andi %get3A_458, %and3A_464 : vector<16xi32>
      %bitcast_convert_type3A_466 = tpu.bitcast %and3A_465 : vector<16xi32> -> vector<16xf32>
      %get3A_467 = arith.index_cast %scan3A_330 : i32 to index
      %get3A_468 = arith.constant 48 : index
      %get3A_469 = tpu.vector_load %arg8[%get3A_467, %get3A_468] {strides = array<i32>} : memref<200x128xf32, #tpu.memory_space<vmem>>, vector<1x16xf32>,
      %get3A_470 = vector.shape_cast %get3A_469 : vector<1x16xf32> to vector<16xf32>
      %gt3A_471 = arith.cmpf ogt, %get3A_470, %get3A_6 : vector<16xf32>
      %jit3A_472 = arith.constant 1.000000e+00 : f32
      %jit3A_473 = arith.constant 0.000000e+00 : f32
      %broadcast_in_dim3A_474 = vector.broadcast %jit3A_472 : f32 to vector<16xf32>
      %broadcast_in_dim3A_475 = vector.broadcast %jit3A_473 : f32 to vector<16xf32>
      %select_n3A_476 = arith.select %gt3A_471, %broadcast_in_dim3A_474, %broadcast_in_dim3A_475 : vector<16xi1>, vector<16xf32>
      %add3A_477 = arith.addf %select_n3A_476, %bitcast_convert_type3A_462 : vector<16xf32>
      %swap3A_478 = arith.index_cast %scan3A_330 : i32 to index
      %swap3A_479 = arith.constant 48 : index
      %swap3A_480 = tpu.vector_load %arg8[%swap3A_478, %swap3A_479] {strides = array<i32>} : memref<200x128xf32, #tpu.memory_space<vmem>>, vector<1x16xf32>,
      %swap3A_481 = vector.shape_cast %swap3A_480 : vector<1x16xf32> to vector<16xf32>
      %swap3A_482 = vector.shape_cast %add3A_477 : vector<16xf32> to vector<1x16xf32>
      tpu.vector_store %arg8[%swap3A_478, %swap3A_479], %swap3A_482 {strides = array<i32>} : memref<200x128xf32, #tpu.memory_space<vmem>>, vector<1x16xf32>,
      %get3A_483 = arith.index_cast %scan3A_330 : i32 to index
      %get3A_484 = arith.constant 112 : index
      %get3A_485 = tpu.vector_load %arg8[%get3A_483, %get3A_484] {strides = array<i32>} : memref<200x128xf32, #tpu.memory_space<vmem>>, vector<1x16xf32>,
      %get3A_486 = vector.shape_cast %get3A_485 : vector<1x16xf32> to vector<16xf32>
      %gt3A_487 = arith.cmpf ogt, %get3A_486, %get3A_6 : vector<16xf32>
      %jit3A_488 = arith.constant 1.000000e+00 : f32
      %jit3A_489 = arith.constant 0.000000e+00 : f32
      %broadcast_in_dim3A_490 = vector.broadcast %jit3A_488 : f32 to vector<16xf32>
      %broadcast_in_dim3A_491 = vector.broadcast %jit3A_489 : f32 to vector<16xf32>
      %select_n3A_492 = arith.select %gt3A_487, %broadcast_in_dim3A_490, %broadcast_in_dim3A_491 : vector<16xi1>, vector<16xf32>
      %add3A_493 = arith.addf %select_n3A_492, %bitcast_convert_type3A_466 : vector<16xf32>
      %swap3A_494 = arith.index_cast %scan3A_330 : i32 to index
      %swap3A_495 = arith.constant 112 : index
      %swap3A_496 = tpu.vector_load %arg8[%swap3A_494, %swap3A_495] {strides = array<i32>} : memref<200x128xf32, #tpu.memory_space<vmem>>, vector<1x16xf32>,
      %swap3A_497 = vector.shape_cast %swap3A_496 : vector<1x16xf32> to vector<16xf32>
      %swap3A_498 = vector.shape_cast %add3A_493 : vector<16xf32> to vector<1x16xf32>
      tpu.vector_store %arg8[%swap3A_494, %swap3A_495], %swap3A_498 {strides = array<i32>} : memref<200x128xf32, #tpu.memory_space<vmem>>, vector<1x16xf32>,
    }
    %scan3A_69 = arith.constant 200 : i32
    %add3A_70 = arith.constant 0 : i32
    %add3A_71 = arith.addi %mul3A_2, %add3A_70 : i32
    %dma_start3A_72 = arith.constant 0 : i32
    %dma_start3A_73 = arith.constant 0 : i32
    %dma_start3A_74 = tpu.memref_slice %arg6[%add3A_71, %dma_start3A_72, %dma_start3A_73] : memref<1024x200x128xf32, #tpu.memory_space<hbm>> -> memref<1x200x128xf32, #tpu.memory_space<hbm>>
    %dma_start3A_75 = tpu.memref_squeeze %dma_start3A_74 : memref<1x200x128xf32, #tpu.memory_space<hbm>> -> memref<200x128xf32, #tpu.memory_space<hbm>>
    %dma_start3A_76 = arith.constant 0 : i32
    %dma_start3A_77 = arith.constant 0 : i32
    %dma_start3A_78 = tpu.memref_slice %arg6[%add3A_71, %dma_start3A_76, %dma_start3A_77] : memref<1024x200x128xf32, #tpu.memory_space<hbm>> -> memref<1x200x128xf32, #tpu.memory_space<hbm>>
    %dma_start3A_79 = tpu.memref_squeeze %dma_start3A_78 : memref<1x200x128xf32, #tpu.memory_space<hbm>> -> memref<200x128xf32, #tpu.memory_space<hbm>>
    tpu.enqueue_dma source(%arg8 : memref<200x128xf32, #tpu.memory_space<vmem>>) target(%dma_start3A_79 : memref<200x128xf32, #tpu.memory_space<hbm>>) target_semaphore(%arg16 : memref<!tpu.dma_semaphore, #tpu.memory_space<semaphore_mem>>)
    %dma_start3A_80 = arith.constant 4 : i32
    %dma_start3A_81 = arith.constant 0 : i32
    %dma_start3A_82 = arith.constant 0 : i32
    %dma_start3A_83 = tpu.memref_slice %arg10[%dma_start3A_81, %dma_start3A_82] : memref<200x128xf32, #tpu.memory_space<vmem>> -> memref<104x128xf32, #tpu.memory_space<vmem>>
    %dma_start3A_84 = arith.constant 0 : i32
    %dma_start3A_85 = tpu.memref_slice %arg7[%dma_start3A_80, %dma_start3A_84] : memref<64x104xi32, #tpu.memory_space<vmem>> -> memref<1x104xi32, #tpu.memory_space<vmem>>
    %dma_start3A_86 = tpu.memref_squeeze %dma_start3A_85 : memref<1x104xi32, #tpu.memory_space<vmem>> -> memref<104xi32, #tpu.memory_space<vmem>>
    %dma_start3A_87 = arith.constant 0 : i32
    %dma_start3A_88 = arith.constant 0 : i32
    %dma_start3A_89 = tpu.memref_slice %arg3[%dma_start3A_87, %dma_start3A_88] : memref<100000x128xf32, #tpu.memory_space<hbm>> -> memref<100000x128xf32, #tpu.memory_space<hbm>>
    tpu.enqueue_indirect_dma source(%dma_start3A_89 : memref<100000x128xf32, #tpu.memory_space<hbm>>) target(%dma_start3A_83 : memref<104x128xf32, #tpu.memory_space<vmem>>) offsets(%dma_start3A_86 : memref<104xi32, #tpu.memory_space<vmem>>) semaphore(%arg15 : memref<!tpu.dma_semaphore, #tpu.memory_space<semaphore_mem>>)
    %dma_start3A_90 = arith.constant 5 : i32
    %dma_start3A_91 = arith.constant 96 : i32
    %dma_start3A_92 = arith.constant 0 : i32
    %dma_start3A_93 = tpu.memref_slice %arg10[%dma_start3A_91, %dma_start3A_92] : memref<200x128xf32, #tpu.memory_space<vmem>> -> memref<104x128xf32, #tpu.memory_space<vmem>>
    %dma_start3A_94 = arith.constant 0 : i32
    %dma_start3A_95 = tpu.memref_slice %arg7[%dma_start3A_90, %dma_start3A_94] : memref<64x104xi32, #tpu.memory_space<vmem>> -> memref<1x104xi32, #tpu.memory_space<vmem>>
    %dma_start3A_96 = tpu.memref_squeeze %dma_start3A_95 : memref<1x104xi32, #tpu.memory_space<vmem>> -> memref<104xi32, #tpu.memory_space<vmem>>
    %dma_start3A_97 = arith.constant 0 : i32
    %dma_start3A_98 = arith.constant 0 : i32
    %dma_start3A_99 = tpu.memref_slice %arg3[%dma_start3A_97, %dma_start3A_98] : memref<100000x128xf32, #tpu.memory_space<hbm>> -> memref<100000x128xf32, #tpu.memory_space<hbm>>
    tpu.enqueue_indirect_dma source(%dma_start3A_99 : memref<100000x128xf32, #tpu.memory_space<hbm>>) target(%dma_start3A_93 : memref<104x128xf32, #tpu.memory_space<vmem>>) offsets(%dma_start3A_96 : memref<104xi32, #tpu.memory_space<vmem>>) semaphore(%arg15 : memref<!tpu.dma_semaphore, #tpu.memory_space<semaphore_mem>>)
    %dma_wait3A_100 = arith.constant 0 : i32
    %dma_wait3A_101 = arith.constant 0 : i32
    %dma_wait3A_102 = arith.constant 0 : i32
    %dma_wait3A_103 = tpu.memref_slice %arg9[%dma_wait3A_101, %dma_wait3A_102] : memref<200x128xf32, #tpu.memory_space<vmem>> -> memref<104x128xf32, #tpu.memory_space<vmem>>
    %dma_wait3A_104 = arith.constant 0 : i32
    %dma_wait3A_105 = tpu.memref_slice %arg7[%dma_wait3A_100, %dma_wait3A_104] : memref<64x104xi32, #tpu.memory_space<vmem>> -> memref<1x104xi32, #tpu.memory_space<vmem>>
    %dma_wait3A_106 = tpu.memref_squeeze %dma_wait3A_105 : memref<1x104xi32, #tpu.memory_space<vmem>> -> memref<104xi32, #tpu.memory_space<vmem>>
    %dma_wait3A_107 = arith.constant 0 : i32
    %dma_wait3A_108 = arith.constant 0 : i32
    %dma_wait3A_109 = tpu.memref_slice %arg3[%dma_wait3A_107, %dma_wait3A_108] : memref<100000x128xf32, #tpu.memory_space<hbm>> -> memref<100000x128xf32, #tpu.memory_space<hbm>>
    tpu.wait_indirect_dma semaphore(%arg14 : memref<!tpu.dma_semaphore, #tpu.memory_space<semaphore_mem>>) src(%dma_wait3A_109 : memref<100000x128xf32, #tpu.memory_space<hbm>>) dst(%dma_wait3A_103 : memref<104x128xf32, #tpu.memory_space<vmem>>)
    %dma_wait3A_110 = arith.constant 0 : i32
    %dma_wait3A_111 = arith.constant 96 : i32
    %dma_wait3A_112 = arith.constant 0 : i32
    %dma_wait3A_113 = tpu.memref_slice %arg9[%dma_wait3A_111, %dma_wait3A_112] : memref<200x128xf32, #tpu.memory_space<vmem>> -> memref<104x128xf32, #tpu.memory_space<vmem>>
    %dma_wait3A_114 = arith.constant 0 : i32
    %dma_wait3A_115 = tpu.memref_slice %arg7[%dma_wait3A_110, %dma_wait3A_114] : memref<64x104xi32, #tpu.memory_space<vmem>> -> memref<1x104xi32, #tpu.memory_space<vmem>>
    %dma_wait3A_116 = tpu.memref_squeeze %dma_wait3A_115 : memref<1x104xi32, #tpu.memory_space<vmem>> -> memref<104xi32, #tpu.memory_space<vmem>>
    %dma_wait3A_117 = arith.constant 0 : i32
    %dma_wait3A_118 = arith.constant 0 : i32
    %dma_wait3A_119 = tpu.memref_slice %arg3[%dma_wait3A_117, %dma_wait3A_118] : memref<100000x128xf32, #tpu.memory_space<hbm>> -> memref<100000x128xf32, #tpu.memory_space<hbm>>
    tpu.wait_indirect_dma semaphore(%arg14 : memref<!tpu.dma_semaphore, #tpu.memory_space<semaphore_mem>>) src(%dma_wait3A_119 : memref<100000x128xf32, #tpu.memory_space<hbm>>) dst(%dma_wait3A_113 : memref<104x128xf32, #tpu.memory_space<vmem>>)
    %scan3A_120 = arith.constant 0 : i32
    %scan3A_121 = arith.constant 0 : i32
    %scan3A_122 = arith.constant 200 : i32
    %scan3A_123 = arith.addi %scan3A_121, %scan3A_122 : i32
    %scan3A_124 = arith.constant 1 : i32
    scf.for %scan3A_330 = %scan3A_121 to %scan3A_123 step %scan3A_124  : i32 {
      %get3A_331 = arith.index_cast %scan3A_330 : i32 to index
      %get3A_332 = arith.constant 0 : index
      %get3A_333 = tpu.vector_load %arg11[%get3A_331, %get3A_332] {strides = array<i32>} : memref<200x64xi32, #tpu.memory_space<vmem>>, vector<1x16xi32>,
      %get3A_334 = vector.shape_cast %get3A_333 : vector<1x16xi32> to vector<16xi32>
      %shift_left3A = arith.constant 16 : i32
      %shift_left3A_335 = vector.broadcast %shift_left3A : i32 to vector<16xi32>
      %shift_left3A_336 = arith.shli %get3A_334, %shift_left3A_335 : vector<16xi32>
      %bitcast_convert_type3A = tpu.bitcast %shift_left3A_336 : vector<16xi32> -> vector<16xf32>
      %and3A = arith.constant -65536 : i32
      %and3A_337 = vector.broadcast %and3A : i32 to vector<16xi32>
      %and3A_338 = arith.andi %get3A_334, %and3A_337 : vector<16xi32>
      %bitcast_convert_type3A_339 = tpu.bitcast %and3A_338 : vector<16xi32> -> vector<16xf32>
      %get3A_340 = arith.index_cast %scan3A_330 : i32 to index
      %get3A_341 = arith.constant 0 : index
      %get3A_342 = tpu.vector_load %arg9[%get3A_340, %get3A_341] {strides = array<i32>} : memref<200x128xf32, #tpu.memory_space<vmem>>, vector<1x16xf32>,
      %get3A_343 = vector.shape_cast %get3A_342 : vector<1x16xf32> to vector<16xf32>
      %gt3A = arith.cmpf ogt, %get3A_343, %get3A_6 : vector<16xf32>
      %jit3A = arith.constant 1.000000e+00 : f32
      %jit3A_344 = arith.constant 0.000000e+00 : f32
      %broadcast_in_dim3A = vector.broadcast %jit3A : f32 to vector<16xf32>
      %broadcast_in_dim3A_345 = vector.broadcast %jit3A_344 : f32 to vector<16xf32>
      %select_n3A = arith.select %gt3A, %broadcast_in_dim3A, %broadcast_in_dim3A_345 : vector<16xi1>, vector<16xf32>
      %add3A_346 = arith.addf %select_n3A, %bitcast_convert_type3A : vector<16xf32>
      %swap3A = arith.index_cast %scan3A_330 : i32 to index
      %swap3A_347 = arith.constant 0 : index
      %swap3A_348 = tpu.vector_load %arg9[%swap3A, %swap3A_347] {strides = array<i32>} : memref<200x128xf32, #tpu.memory_space<vmem>>, vector<1x16xf32>,
      %swap3A_349 = vector.shape_cast %swap3A_348 : vector<1x16xf32> to vector<16xf32>
      %swap3A_350 = vector.shape_cast %add3A_346 : vector<16xf32> to vector<1x16xf32>
      tpu.vector_store %arg9[%swap3A, %swap3A_347], %swap3A_350 {strides = array<i32>} : memref<200x128xf32, #tpu.memory_space<vmem>>, vector<1x16xf32>,
      %get3A_351 = arith.index_cast %scan3A_330 : i32 to index
      %get3A_352 = arith.constant 64 : index
      %get3A_353 = tpu.vector_load %arg9[%get3A_351, %get3A_352] {strides = array<i32>} : memref<200x128xf32, #tpu.memory_space<vmem>>, vector<1x16xf32>,
      %get3A_354 = vector.shape_cast %get3A_353 : vector<1x16xf32> to vector<16xf32>
      %gt3A_355 = arith.cmpf ogt, %get3A_354, %get3A_6 : vector<16xf32>
      %jit3A_356 = arith.constant 1.000000e+00 : f32
      %jit3A_357 = arith.constant 0.000000e+00 : f32
      %broadcast_in_dim3A_358 = vector.broadcast %jit3A_356 : f32 to vector<16xf32>
      %broadcast_in_dim3A_359 = vector.broadcast %jit3A_357 : f32 to vector<16xf32>
      %select_n3A_360 = arith.select %gt3A_355, %broadcast_in_dim3A_358, %broadcast_in_dim3A_359 : vector<16xi1>, vector<16xf32>
      %add3A_361 = arith.addf %select_n3A_360, %bitcast_convert_type3A_339 : vector<16xf32>
      %swap3A_362 = arith.index_cast %scan3A_330 : i32 to index
      %swap3A_363 = arith.constant 64 : index
      %swap3A_364 = tpu.vector_load %arg9[%swap3A_362, %swap3A_363] {strides = array<i32>} : memref<200x128xf32, #tpu.memory_space<vmem>>, vector<1x16xf32>,
      %swap3A_365 = vector.shape_cast %swap3A_364 : vector<1x16xf32> to vector<16xf32>
      %swap3A_366 = vector.shape_cast %add3A_361 : vector<16xf32> to vector<1x16xf32>
      tpu.vector_store %arg9[%swap3A_362, %swap3A_363], %swap3A_366 {strides = array<i32>} : memref<200x128xf32, #tpu.memory_space<vmem>>, vector<1x16xf32>,
      %get3A_367 = arith.index_cast %scan3A_330 : i32 to index
      %get3A_368 = arith.constant 16 : index
      %get3A_369 = tpu.vector_load %arg11[%get3A_367, %get3A_368] {strides = array<i32>} : memref<200x64xi32, #tpu.memory_space<vmem>>, vector<1x16xi32>,
      %get3A_370 = vector.shape_cast %get3A_369 : vector<1x16xi32> to vector<16xi32>
      %shift_left3A_371 = arith.constant 16 : i32
      %shift_left3A_372 = vector.broadcast %shift_left3A_371 : i32 to vector<16xi32>
      %shift_left3A_373 = arith.shli %get3A_370, %shift_left3A_372 : vector<16xi32>
      %bitcast_convert_type3A_374 = tpu.bitcast %shift_left3A_373 : vector<16xi32> -> vector<16xf32>
      %and3A_375 = arith.constant -65536 : i32
      %and3A_376 = vector.broadcast %and3A_375 : i32 to vector<16xi32>
      %and3A_377 = arith.andi %get3A_370, %and3A_376 : vector<16xi32>
      %bitcast_convert_type3A_378 = tpu.bitcast %and3A_377 : vector<16xi32> -> vector<16xf32>
      %get3A_379 = arith.index_cast %scan3A_330 : i32 to index
      %get3A_380 = arith.constant 16 : index
      %get3A_381 = tpu.vector_load %arg9[%get3A_379, %get3A_380] {strides = array<i32>} : memref<200x128xf32, #tpu.memory_space<vmem>>, vector<1x16xf32>,
      %get3A_382 = vector.shape_cast %get3A_381 : vector<1x16xf32> to vector<16xf32>
      %gt3A_383 = arith.cmpf ogt, %get3A_382, %get3A_6 : vector<16xf32>
      %jit3A_384 = arith.constant 1.000000e+00 : f32
      %jit3A_385 = arith.constant 0.000000e+00 : f32
      %broadcast_in_dim3A_386 = vector.broadcast %jit3A_384 : f32 to vector<16xf32>
      %broadcast_in_dim3A_387 = vector.broadcast %jit3A_385 : f32 to vector<16xf32>
      %select_n3A_388 = arith.select %gt3A_383, %broadcast_in_dim3A_386, %broadcast_in_dim3A_387 : vector<16xi1>, vector<16xf32>
      %add3A_389 = arith.addf %select_n3A_388, %bitcast_convert_type3A_374 : vector<16xf32>
      %swap3A_390 = arith.index_cast %scan3A_330 : i32 to index
      %swap3A_391 = arith.constant 16 : index
      %swap3A_392 = tpu.vector_load %arg9[%swap3A_390, %swap3A_391] {strides = array<i32>} : memref<200x128xf32, #tpu.memory_space<vmem>>, vector<1x16xf32>,
      %swap3A_393 = vector.shape_cast %swap3A_392 : vector<1x16xf32> to vector<16xf32>
      %swap3A_394 = vector.shape_cast %add3A_389 : vector<16xf32> to vector<1x16xf32>
      tpu.vector_store %arg9[%swap3A_390, %swap3A_391], %swap3A_394 {strides = array<i32>} : memref<200x128xf32, #tpu.memory_space<vmem>>, vector<1x16xf32>,
      %get3A_395 = arith.index_cast %scan3A_330 : i32 to index
      %get3A_396 = arith.constant 80 : index
      %get3A_397 = tpu.vector_load %arg9[%get3A_395, %get3A_396] {strides = array<i32>} : memref<200x128xf32, #tpu.memory_space<vmem>>, vector<1x16xf32>,
      %get3A_398 = vector.shape_cast %get3A_397 : vector<1x16xf32> to vector<16xf32>
      %gt3A_399 = arith.cmpf ogt, %get3A_398, %get3A_6 : vector<16xf32>
      %jit3A_400 = arith.constant 1.000000e+00 : f32
      %jit3A_401 = arith.constant 0.000000e+00 : f32
      %broadcast_in_dim3A_402 = vector.broadcast %jit3A_400 : f32 to vector<16xf32>
      %broadcast_in_dim3A_403 = vector.broadcast %jit3A_401 : f32 to vector<16xf32>
      %select_n3A_404 = arith.select %gt3A_399, %broadcast_in_dim3A_402, %broadcast_in_dim3A_403 : vector<16xi1>, vector<16xf32>
      %add3A_405 = arith.addf %select_n3A_404, %bitcast_convert_type3A_378 : vector<16xf32>
      %swap3A_406 = arith.index_cast %scan3A_330 : i32 to index
      %swap3A_407 = arith.constant 80 : index
      %swap3A_408 = tpu.vector_load %arg9[%swap3A_406, %swap3A_407] {strides = array<i32>} : memref<200x128xf32, #tpu.memory_space<vmem>>, vector<1x16xf32>,
      %swap3A_409 = vector.shape_cast %swap3A_408 : vector<1x16xf32> to vector<16xf32>
      %swap3A_410 = vector.shape_cast %add3A_405 : vector<16xf32> to vector<1x16xf32>
      tpu.vector_store %arg9[%swap3A_406, %swap3A_407], %swap3A_410 {strides = array<i32>} : memref<200x128xf32, #tpu.memory_space<vmem>>, vector<1x16xf32>,
      %get3A_411 = arith.index_cast %scan3A_330 : i32 to index
      %get3A_412 = arith.constant 32 : index
      %get3A_413 = tpu.vector_load %arg11[%get3A_411, %get3A_412] {strides = array<i32>} : memref<200x64xi32, #tpu.memory_space<vmem>>, vector<1x16xi32>,
      %get3A_414 = vector.shape_cast %get3A_413 : vector<1x16xi32> to vector<16xi32>
      %shift_left3A_415 = arith.constant 16 : i32
      %shift_left3A_416 = vector.broadcast %shift_left3A_415 : i32 to vector<16xi32>
      %shift_left3A_417 = arith.shli %get3A_414, %shift_left3A_416 : vector<16xi32>
      %bitcast_convert_type3A_418 = tpu.bitcast %shift_left3A_417 : vector<16xi32> -> vector<16xf32>
      %and3A_419 = arith.constant -65536 : i32
      %and3A_420 = vector.broadcast %and3A_419 : i32 to vector<16xi32>
      %and3A_421 = arith.andi %get3A_414, %and3A_420 : vector<16xi32>
      %bitcast_convert_type3A_422 = tpu.bitcast %and3A_421 : vector<16xi32> -> vector<16xf32>
      %get3A_423 = arith.index_cast %scan3A_330 : i32 to index
      %get3A_424 = arith.constant 32 : index
      %get3A_425 = tpu.vector_load %arg9[%get3A_423, %get3A_424] {strides = array<i32>} : memref<200x128xf32, #tpu.memory_space<vmem>>, vector<1x16xf32>,
      %get3A_426 = vector.shape_cast %get3A_425 : vector<1x16xf32> to vector<16xf32>
      %gt3A_427 = arith.cmpf ogt, %get3A_426, %get3A_6 : vector<16xf32>
      %jit3A_428 = arith.constant 1.000000e+00 : f32
      %jit3A_429 = arith.constant 0.000000e+00 : f32
      %broadcast_in_dim3A_430 = vector.broadcast %jit3A_428 : f32 to vector<16xf32>
      %broadcast_in_dim3A_431 = vector.broadcast %jit3A_429 : f32 to vector<16xf32>
      %select_n3A_432 = arith.select %gt3A_427, %broadcast_in_dim3A_430, %broadcast_in_dim3A_431 : vector<16xi1>, vector<16xf32>
      %add3A_433 = arith.addf %select_n3A_432, %bitcast_convert_type3A_418 : vector<16xf32>
      %swap3A_434 = arith.index_cast %scan3A_330 : i32 to index
      %swap3A_435 = arith.constant 32 : index
      %swap3A_436 = tpu.vector_load %arg9[%swap3A_434, %swap3A_435] {strides = array<i32>} : memref<200x128xf32, #tpu.memory_space<vmem>>, vector<1x16xf32>,
      %swap3A_437 = vector.shape_cast %swap3A_436 : vector<1x16xf32> to vector<16xf32>
      %swap3A_438 = vector.shape_cast %add3A_433 : vector<16xf32> to vector<1x16xf32>
      tpu.vector_store %arg9[%swap3A_434, %swap3A_435], %swap3A_438 {strides = array<i32>} : memref<200x128xf32, #tpu.memory_space<vmem>>, vector<1x16xf32>,
      %get3A_439 = arith.index_cast %scan3A_330 : i32 to index
      %get3A_440 = arith.constant 96 : index
      %get3A_441 = tpu.vector_load %arg9[%get3A_439, %get3A_440] {strides = array<i32>} : memref<200x128xf32, #tpu.memory_space<vmem>>, vector<1x16xf32>,
      %get3A_442 = vector.shape_cast %get3A_441 : vector<1x16xf32> to vector<16xf32>
      %gt3A_443 = arith.cmpf ogt, %get3A_442, %get3A_6 : vector<16xf32>
      %jit3A_444 = arith.constant 1.000000e+00 : f32
      %jit3A_445 = arith.constant 0.000000e+00 : f32
      %broadcast_in_dim3A_446 = vector.broadcast %jit3A_444 : f32 to vector<16xf32>
      %broadcast_in_dim3A_447 = vector.broadcast %jit3A_445 : f32 to vector<16xf32>
      %select_n3A_448 = arith.select %gt3A_443, %broadcast_in_dim3A_446, %broadcast_in_dim3A_447 : vector<16xi1>, vector<16xf32>
      %add3A_449 = arith.addf %select_n3A_448, %bitcast_convert_type3A_422 : vector<16xf32>
      %swap3A_450 = arith.index_cast %scan3A_330 : i32 to index
      %swap3A_451 = arith.constant 96 : index
      %swap3A_452 = tpu.vector_load %arg9[%swap3A_450, %swap3A_451] {strides = array<i32>} : memref<200x128xf32, #tpu.memory_space<vmem>>, vector<1x16xf32>,
      %swap3A_453 = vector.shape_cast %swap3A_452 : vector<1x16xf32> to vector<16xf32>
      %swap3A_454 = vector.shape_cast %add3A_449 : vector<16xf32> to vector<1x16xf32>
      tpu.vector_store %arg9[%swap3A_450, %swap3A_451], %swap3A_454 {strides = array<i32>} : memref<200x128xf32, #tpu.memory_space<vmem>>, vector<1x16xf32>,
      %get3A_455 = arith.index_cast %scan3A_330 : i32 to index
      %get3A_456 = arith.constant 48 : index
      %get3A_457 = tpu.vector_load %arg11[%get3A_455, %get3A_456] {strides = array<i32>} : memref<200x64xi32, #tpu.memory_space<vmem>>, vector<1x16xi32>,
      %get3A_458 = vector.shape_cast %get3A_457 : vector<1x16xi32> to vector<16xi32>
      %shift_left3A_459 = arith.constant 16 : i32
      %shift_left3A_460 = vector.broadcast %shift_left3A_459 : i32 to vector<16xi32>
      %shift_left3A_461 = arith.shli %get3A_458, %shift_left3A_460 : vector<16xi32>
      %bitcast_convert_type3A_462 = tpu.bitcast %shift_left3A_461 : vector<16xi32> -> vector<16xf32>
      %and3A_463 = arith.constant -65536 : i32
      %and3A_464 = vector.broadcast %and3A_463 : i32 to vector<16xi32>
      %and3A_465 = arith.andi %get3A_458, %and3A_464 : vector<16xi32>
      %bitcast_convert_type3A_466 = tpu.bitcast %and3A_465 : vector<16xi32> -> vector<16xf32>
      %get3A_467 = arith.index_cast %scan3A_330 : i32 to index
      %get3A_468 = arith.constant 48 : index
      %get3A_469 = tpu.vector_load %arg9[%get3A_467, %get3A_468] {strides = array<i32>} : memref<200x128xf32, #tpu.memory_space<vmem>>, vector<1x16xf32>,
      %get3A_470 = vector.shape_cast %get3A_469 : vector<1x16xf32> to vector<16xf32>
      %gt3A_471 = arith.cmpf ogt, %get3A_470, %get3A_6 : vector<16xf32>
      %jit3A_472 = arith.constant 1.000000e+00 : f32
      %jit3A_473 = arith.constant 0.000000e+00 : f32
      %broadcast_in_dim3A_474 = vector.broadcast %jit3A_472 : f32 to vector<16xf32>
      %broadcast_in_dim3A_475 = vector.broadcast %jit3A_473 : f32 to vector<16xf32>
      %select_n3A_476 = arith.select %gt3A_471, %broadcast_in_dim3A_474, %broadcast_in_dim3A_475 : vector<16xi1>, vector<16xf32>
      %add3A_477 = arith.addf %select_n3A_476, %bitcast_convert_type3A_462 : vector<16xf32>
      %swap3A_478 = arith.index_cast %scan3A_330 : i32 to index
      %swap3A_479 = arith.constant 48 : index
      %swap3A_480 = tpu.vector_load %arg9[%swap3A_478, %swap3A_479] {strides = array<i32>} : memref<200x128xf32, #tpu.memory_space<vmem>>, vector<1x16xf32>,
      %swap3A_481 = vector.shape_cast %swap3A_480 : vector<1x16xf32> to vector<16xf32>
      %swap3A_482 = vector.shape_cast %add3A_477 : vector<16xf32> to vector<1x16xf32>
      tpu.vector_store %arg9[%swap3A_478, %swap3A_479], %swap3A_482 {strides = array<i32>} : memref<200x128xf32, #tpu.memory_space<vmem>>, vector<1x16xf32>,
      %get3A_483 = arith.index_cast %scan3A_330 : i32 to index
      %get3A_484 = arith.constant 112 : index
      %get3A_485 = tpu.vector_load %arg9[%get3A_483, %get3A_484] {strides = array<i32>} : memref<200x128xf32, #tpu.memory_space<vmem>>, vector<1x16xf32>,
      %get3A_486 = vector.shape_cast %get3A_485 : vector<1x16xf32> to vector<16xf32>
      %gt3A_487 = arith.cmpf ogt, %get3A_486, %get3A_6 : vector<16xf32>
      %jit3A_488 = arith.constant 1.000000e+00 : f32
      %jit3A_489 = arith.constant 0.000000e+00 : f32
      %broadcast_in_dim3A_490 = vector.broadcast %jit3A_488 : f32 to vector<16xf32>
      %broadcast_in_dim3A_491 = vector.broadcast %jit3A_489 : f32 to vector<16xf32>
      %select_n3A_492 = arith.select %gt3A_487, %broadcast_in_dim3A_490, %broadcast_in_dim3A_491 : vector<16xi1>, vector<16xf32>
      %add3A_493 = arith.addf %select_n3A_492, %bitcast_convert_type3A_466 : vector<16xf32>
      %swap3A_494 = arith.index_cast %scan3A_330 : i32 to index
      %swap3A_495 = arith.constant 112 : index
      %swap3A_496 = tpu.vector_load %arg9[%swap3A_494, %swap3A_495] {strides = array<i32>} : memref<200x128xf32, #tpu.memory_space<vmem>>, vector<1x16xf32>,
      %swap3A_497 = vector.shape_cast %swap3A_496 : vector<1x16xf32> to vector<16xf32>
      %swap3A_498 = vector.shape_cast %add3A_493 : vector<16xf32> to vector<1x16xf32>
      tpu.vector_store %arg9[%swap3A_494, %swap3A_495], %swap3A_498 {strides = array<i32>} : memref<200x128xf32, #tpu.memory_space<vmem>>, vector<1x16xf32>,
    }
    %scan3A_125 = arith.constant 200 : i32
    %add3A_126 = arith.constant 1 : i32
    %add3A_127 = arith.addi %mul3A_2, %add3A_126 : i32
    %dma_start3A_128 = arith.constant 0 : i32
    %dma_start3A_129 = arith.constant 0 : i32
    %dma_start3A_130 = tpu.memref_slice %arg6[%add3A_127, %dma_start3A_128, %dma_start3A_129] : memref<1024x200x128xf32, #tpu.memory_space<hbm>> -> memref<1x200x128xf32, #tpu.memory_space<hbm>>
    %dma_start3A_131 = tpu.memref_squeeze %dma_start3A_130 : memref<1x200x128xf32, #tpu.memory_space<hbm>> -> memref<200x128xf32, #tpu.memory_space<hbm>>
    %dma_start3A_132 = arith.constant 0 : i32
    %dma_start3A_133 = arith.constant 0 : i32
    %dma_start3A_134 = tpu.memref_slice %arg6[%add3A_127, %dma_start3A_132, %dma_start3A_133] : memref<1024x200x128xf32, #tpu.memory_space<hbm>> -> memref<1x200x128xf32, #tpu.memory_space<hbm>>
    %dma_start3A_135 = tpu.memref_squeeze %dma_start3A_134 : memref<1x200x128xf32, #tpu.memory_space<hbm>> -> memref<200x128xf32, #tpu.memory_space<hbm>>
    tpu.enqueue_dma source(%arg9 : memref<200x128xf32, #tpu.memory_space<vmem>>) target(%dma_start3A_135 : memref<200x128xf32, #tpu.memory_space<hbm>>) target_semaphore(%arg17 : memref<!tpu.dma_semaphore, #tpu.memory_space<semaphore_mem>>)
    %scan3A_136 = arith.constant 0 : i32
    %scan3A_137 = arith.constant 0 : i32
    %scan3A_138 = arith.constant 9 : i32
    %scan3A_139 = arith.addi %scan3A_137, %scan3A_138 : i32
    %scan3A_140 = arith.constant 1 : i32
    scf.for %scan3A_330 = %scan3A_137 to %scan3A_139 step %scan3A_140  : i32 {
      %mul3A_331 = arith.constant 3 : i32
      %mul3A_332 = arith.muli %mul3A_331, %scan3A_330 : i32
      %add3A_333 = arith.constant 2 : i32
      %add3A_334 = arith.addi %mul3A_332, %add3A_333 : i32
      %add3A_335 = arith.constant 0 : i32
      %add3A_336 = arith.addi %add3A_334, %add3A_335 : i32
      %dma_wait3A_337 = arith.constant 0 : i32
      %dma_wait3A_338 = arith.constant 0 : i32
      %dma_wait3A_339 = tpu.memref_slice %arg6[%mul3A_2, %dma_wait3A_337, %dma_wait3A_338] : memref<1024x200x128xf32, #tpu.memory_space<hbm>> -> memref<1x200x128xf32, #tpu.memory_space<hbm>>
      %dma_wait3A_340 = tpu.memref_squeeze %dma_wait3A_339 : memref<1x200x128xf32, #tpu.memory_space<hbm>> -> memref<200x128xf32, #tpu.memory_space<hbm>>
      %dma_wait3A_341 = arith.constant 0 : i32
      %dma_wait3A_342 = arith.constant 0 : i32
      %dma_wait3A_343 = tpu.memref_slice %arg6[%mul3A_2, %dma_wait3A_341, %dma_wait3A_342] : memref<1024x200x128xf32, #tpu.memory_space<hbm>> -> memref<1x200x128xf32, #tpu.memory_space<hbm>>
      %dma_wait3A_344 = tpu.memref_squeeze %dma_wait3A_343 : memref<1x200x128xf32, #tpu.memory_space<hbm>> -> memref<200x128xf32, #tpu.memory_space<hbm>>
      tpu.wait_dma2 semaphore(%arg16 : memref<!tpu.dma_semaphore, #tpu.memory_space<semaphore_mem>>) src(%arg8 : memref<200x128xf32, #tpu.memory_space<vmem>>) dst(%dma_wait3A_344 : memref<200x128xf32, #tpu.memory_space<hbm>>)
      %add3A_345 = arith.constant 1 : i32
      %add3A_346 = arith.addi %add3A_336, %add3A_345 : i32
      %mul3A_347 = arith.constant 2 : i32
      %mul3A_348 = arith.muli %mul3A_347, %add3A_346 : i32
      %dma_start3A_349 = arith.constant 0 : i32
      %dma_start3A_350 = arith.constant 0 : i32
      %dma_start3A_351 = tpu.memref_slice %arg8[%dma_start3A_349, %dma_start3A_350] : memref<200x128xf32, #tpu.memory_space<vmem>> -> memref<104x128xf32, #tpu.memory_space<vmem>>
      %dma_start3A_352 = arith.constant 0 : i32
      %dma_start3A_353 = tpu.memref_slice %arg7[%mul3A_348, %dma_start3A_352] : memref<64x104xi32, #tpu.memory_space<vmem>> -> memref<1x104xi32, #tpu.memory_space<vmem>>
      %dma_start3A_354 = tpu.memref_squeeze %dma_start3A_353 : memref<1x104xi32, #tpu.memory_space<vmem>> -> memref<104xi32, #tpu.memory_space<vmem>>
      %dma_start3A_355 = arith.constant 0 : i32
      %dma_start3A_356 = arith.constant 0 : i32
      %dma_start3A_357 = tpu.memref_slice %arg3[%dma_start3A_355, %dma_start3A_356] : memref<100000x128xf32, #tpu.memory_space<hbm>> -> memref<100000x128xf32, #tpu.memory_space<hbm>>
      tpu.enqueue_indirect_dma source(%dma_start3A_357 : memref<100000x128xf32, #tpu.memory_space<hbm>>) target(%dma_start3A_351 : memref<104x128xf32, #tpu.memory_space<vmem>>) offsets(%dma_start3A_354 : memref<104xi32, #tpu.memory_space<vmem>>) semaphore(%arg13 : memref<!tpu.dma_semaphore, #tpu.memory_space<semaphore_mem>>)
      %mul3A_358 = arith.constant 2 : i32
      %mul3A_359 = arith.muli %mul3A_358, %add3A_346 : i32
      %add3A_360 = arith.constant 1 : i32
      %add3A_361 = arith.addi %mul3A_359, %add3A_360 : i32
      %dma_start3A_362 = arith.constant 96 : i32
      %dma_start3A_363 = arith.constant 0 : i32
      %dma_start3A_364 = tpu.memref_slice %arg8[%dma_start3A_362, %dma_start3A_363] : memref<200x128xf32, #tpu.memory_space<vmem>> -> memref<104x128xf32, #tpu.memory_space<vmem>>
      %dma_start3A_365 = arith.constant 0 : i32
      %dma_start3A_366 = tpu.memref_slice %arg7[%add3A_361, %dma_start3A_365] : memref<64x104xi32, #tpu.memory_space<vmem>> -> memref<1x104xi32, #tpu.memory_space<vmem>>
      %dma_start3A_367 = tpu.memref_squeeze %dma_start3A_366 : memref<1x104xi32, #tpu.memory_space<vmem>> -> memref<104xi32, #tpu.memory_space<vmem>>
      %dma_start3A_368 = arith.constant 0 : i32
      %dma_start3A_369 = arith.constant 0 : i32
      %dma_start3A_370 = tpu.memref_slice %arg3[%dma_start3A_368, %dma_start3A_369] : memref<100000x128xf32, #tpu.memory_space<hbm>> -> memref<100000x128xf32, #tpu.memory_space<hbm>>
      tpu.enqueue_indirect_dma source(%dma_start3A_370 : memref<100000x128xf32, #tpu.memory_space<hbm>>) target(%dma_start3A_364 : memref<104x128xf32, #tpu.memory_space<vmem>>) offsets(%dma_start3A_367 : memref<104xi32, #tpu.memory_space<vmem>>) semaphore(%arg13 : memref<!tpu.dma_semaphore, #tpu.memory_space<semaphore_mem>>)
      %dma_wait3A_371 = arith.constant 0 : i32
      %dma_wait3A_372 = arith.constant 0 : i32
      %dma_wait3A_373 = arith.constant 0 : i32
      %dma_wait3A_374 = tpu.memref_slice %arg10[%dma_wait3A_372, %dma_wait3A_373] : memref<200x128xf32, #tpu.memory_space<vmem>> -> memref<104x128xf32, #tpu.memory_space<vmem>>
      %dma_wait3A_375 = arith.constant 0 : i32
      %dma_wait3A_376 = tpu.memref_slice %arg7[%dma_wait3A_371, %dma_wait3A_375] : memref<64x104xi32, #tpu.memory_space<vmem>> -> memref<1x104xi32, #tpu.memory_space<vmem>>
      %dma_wait3A_377 = tpu.memref_squeeze %dma_wait3A_376 : memref<1x104xi32, #tpu.memory_space<vmem>> -> memref<104xi32, #tpu.memory_space<vmem>>
      %dma_wait3A_378 = arith.constant 0 : i32
      %dma_wait3A_379 = arith.constant 0 : i32
      %dma_wait3A_380 = tpu.memref_slice %arg3[%dma_wait3A_378, %dma_wait3A_379] : memref<100000x128xf32, #tpu.memory_space<hbm>> -> memref<100000x128xf32, #tpu.memory_space<hbm>>
      tpu.wait_indirect_dma semaphore(%arg15 : memref<!tpu.dma_semaphore, #tpu.memory_space<semaphore_mem>>) src(%dma_wait3A_380 : memref<100000x128xf32, #tpu.memory_space<hbm>>) dst(%dma_wait3A_374 : memref<104x128xf32, #tpu.memory_space<vmem>>)
      %dma_wait3A_381 = arith.constant 0 : i32
      %dma_wait3A_382 = arith.constant 96 : i32
      %dma_wait3A_383 = arith.constant 0 : i32
      %dma_wait3A_384 = tpu.memref_slice %arg10[%dma_wait3A_382, %dma_wait3A_383] : memref<200x128xf32, #tpu.memory_space<vmem>> -> memref<104x128xf32, #tpu.memory_space<vmem>>
      %dma_wait3A_385 = arith.constant 0 : i32
      %dma_wait3A_386 = tpu.memref_slice %arg7[%dma_wait3A_381, %dma_wait3A_385] : memref<64x104xi32, #tpu.memory_space<vmem>> -> memref<1x104xi32, #tpu.memory_space<vmem>>
      %dma_wait3A_387 = tpu.memref_squeeze %dma_wait3A_386 : memref<1x104xi32, #tpu.memory_space<vmem>> -> memref<104xi32, #tpu.memory_space<vmem>>
      %dma_wait3A_388 = arith.constant 0 : i32
      %dma_wait3A_389 = arith.constant 0 : i32
      %dma_wait3A_390 = tpu.memref_slice %arg3[%dma_wait3A_388, %dma_wait3A_389] : memref<100000x128xf32, #tpu.memory_space<hbm>> -> memref<100000x128xf32, #tpu.memory_space<hbm>>
      tpu.wait_indirect_dma semaphore(%arg15 : memref<!tpu.dma_semaphore, #tpu.memory_space<semaphore_mem>>) src(%dma_wait3A_390 : memref<100000x128xf32, #tpu.memory_space<hbm>>) dst(%dma_wait3A_384 : memref<104x128xf32, #tpu.memory_space<vmem>>)
      %scan3A_391 = arith.constant 0 : i32
      %scan3A_392 = arith.constant 0 : i32
      %scan3A_393 = arith.constant 200 : i32
      %scan3A_394 = arith.addi %scan3A_392, %scan3A_393 : i32
      %scan3A_395 = arith.constant 1 : i32
      scf.for %scan3A_548 = %scan3A_392 to %scan3A_394 step %scan3A_395  : i32 {
        %get3A_549 = arith.index_cast %scan3A_548 : i32 to index
        %get3A_550 = arith.constant 0 : index
        %get3A_551 = tpu.vector_load %arg11[%get3A_549, %get3A_550] {strides = array<i32>} : memref<200x64xi32, #tpu.memory_space<vmem>>, vector<1x16xi32>,
        %get3A_552 = vector.shape_cast %get3A_551 : vector<1x16xi32> to vector<16xi32>
        %shift_left3A = arith.constant 16 : i32
        %shift_left3A_553 = vector.broadcast %shift_left3A : i32 to vector<16xi32>
        %shift_left3A_554 = arith.shli %get3A_552, %shift_left3A_553 : vector<16xi32>
        %bitcast_convert_type3A = tpu.bitcast %shift_left3A_554 : vector<16xi32> -> vector<16xf32>
        %and3A = arith.constant -65536 : i32
        %and3A_555 = vector.broadcast %and3A : i32 to vector<16xi32>
        %and3A_556 = arith.andi %get3A_552, %and3A_555 : vector<16xi32>
        %bitcast_convert_type3A_557 = tpu.bitcast %and3A_556 : vector<16xi32> -> vector<16xf32>
        %get3A_558 = arith.index_cast %scan3A_548 : i32 to index
        %get3A_559 = arith.constant 0 : index
        %get3A_560 = tpu.vector_load %arg10[%get3A_558, %get3A_559] {strides = array<i32>} : memref<200x128xf32, #tpu.memory_space<vmem>>, vector<1x16xf32>,
        %get3A_561 = vector.shape_cast %get3A_560 : vector<1x16xf32> to vector<16xf32>
        %gt3A = arith.cmpf ogt, %get3A_561, %get3A_6 : vector<16xf32>
        %jit3A = arith.constant 1.000000e+00 : f32
        %jit3A_562 = arith.constant 0.000000e+00 : f32
        %broadcast_in_dim3A = vector.broadcast %jit3A : f32 to vector<16xf32>
        %broadcast_in_dim3A_563 = vector.broadcast %jit3A_562 : f32 to vector<16xf32>
        %select_n3A = arith.select %gt3A, %broadcast_in_dim3A, %broadcast_in_dim3A_563 : vector<16xi1>, vector<16xf32>
        %add3A_564 = arith.addf %select_n3A, %bitcast_convert_type3A : vector<16xf32>
        %swap3A = arith.index_cast %scan3A_548 : i32 to index
        %swap3A_565 = arith.constant 0 : index
        %swap3A_566 = tpu.vector_load %arg10[%swap3A, %swap3A_565] {strides = array<i32>} : memref<200x128xf32, #tpu.memory_space<vmem>>, vector<1x16xf32>,
        %swap3A_567 = vector.shape_cast %swap3A_566 : vector<1x16xf32> to vector<16xf32>
        %swap3A_568 = vector.shape_cast %add3A_564 : vector<16xf32> to vector<1x16xf32>
        tpu.vector_store %arg10[%swap3A, %swap3A_565], %swap3A_568 {strides = array<i32>} : memref<200x128xf32, #tpu.memory_space<vmem>>, vector<1x16xf32>,
        %get3A_569 = arith.index_cast %scan3A_548 : i32 to index
        %get3A_570 = arith.constant 64 : index
        %get3A_571 = tpu.vector_load %arg10[%get3A_569, %get3A_570] {strides = array<i32>} : memref<200x128xf32, #tpu.memory_space<vmem>>, vector<1x16xf32>,
        %get3A_572 = vector.shape_cast %get3A_571 : vector<1x16xf32> to vector<16xf32>
        %gt3A_573 = arith.cmpf ogt, %get3A_572, %get3A_6 : vector<16xf32>
        %jit3A_574 = arith.constant 1.000000e+00 : f32
        %jit3A_575 = arith.constant 0.000000e+00 : f32
        %broadcast_in_dim3A_576 = vector.broadcast %jit3A_574 : f32 to vector<16xf32>
        %broadcast_in_dim3A_577 = vector.broadcast %jit3A_575 : f32 to vector<16xf32>
        %select_n3A_578 = arith.select %gt3A_573, %broadcast_in_dim3A_576, %broadcast_in_dim3A_577 : vector<16xi1>, vector<16xf32>
        %add3A_579 = arith.addf %select_n3A_578, %bitcast_convert_type3A_557 : vector<16xf32>
        %swap3A_580 = arith.index_cast %scan3A_548 : i32 to index
        %swap3A_581 = arith.constant 64 : index
        %swap3A_582 = tpu.vector_load %arg10[%swap3A_580, %swap3A_581] {strides = array<i32>} : memref<200x128xf32, #tpu.memory_space<vmem>>, vector<1x16xf32>,
        %swap3A_583 = vector.shape_cast %swap3A_582 : vector<1x16xf32> to vector<16xf32>
        %swap3A_584 = vector.shape_cast %add3A_579 : vector<16xf32> to vector<1x16xf32>
        tpu.vector_store %arg10[%swap3A_580, %swap3A_581], %swap3A_584 {strides = array<i32>} : memref<200x128xf32, #tpu.memory_space<vmem>>, vector<1x16xf32>,
        %get3A_585 = arith.index_cast %scan3A_548 : i32 to index
        %get3A_586 = arith.constant 16 : index
        %get3A_587 = tpu.vector_load %arg11[%get3A_585, %get3A_586] {strides = array<i32>} : memref<200x64xi32, #tpu.memory_space<vmem>>, vector<1x16xi32>,
        %get3A_588 = vector.shape_cast %get3A_587 : vector<1x16xi32> to vector<16xi32>
        %shift_left3A_589 = arith.constant 16 : i32
        %shift_left3A_590 = vector.broadcast %shift_left3A_589 : i32 to vector<16xi32>
        %shift_left3A_591 = arith.shli %get3A_588, %shift_left3A_590 : vector<16xi32>
        %bitcast_convert_type3A_592 = tpu.bitcast %shift_left3A_591 : vector<16xi32> -> vector<16xf32>
        %and3A_593 = arith.constant -65536 : i32
        %and3A_594 = vector.broadcast %and3A_593 : i32 to vector<16xi32>
        %and3A_595 = arith.andi %get3A_588, %and3A_594 : vector<16xi32>
        %bitcast_convert_type3A_596 = tpu.bitcast %and3A_595 : vector<16xi32> -> vector<16xf32>
        %get3A_597 = arith.index_cast %scan3A_548 : i32 to index
        %get3A_598 = arith.constant 16 : index
        %get3A_599 = tpu.vector_load %arg10[%get3A_597, %get3A_598] {strides = array<i32>} : memref<200x128xf32, #tpu.memory_space<vmem>>, vector<1x16xf32>,
        %get3A_600 = vector.shape_cast %get3A_599 : vector<1x16xf32> to vector<16xf32>
        %gt3A_601 = arith.cmpf ogt, %get3A_600, %get3A_6 : vector<16xf32>
        %jit3A_602 = arith.constant 1.000000e+00 : f32
        %jit3A_603 = arith.constant 0.000000e+00 : f32
        %broadcast_in_dim3A_604 = vector.broadcast %jit3A_602 : f32 to vector<16xf32>
        %broadcast_in_dim3A_605 = vector.broadcast %jit3A_603 : f32 to vector<16xf32>
        %select_n3A_606 = arith.select %gt3A_601, %broadcast_in_dim3A_604, %broadcast_in_dim3A_605 : vector<16xi1>, vector<16xf32>
        %add3A_607 = arith.addf %select_n3A_606, %bitcast_convert_type3A_592 : vector<16xf32>
        %swap3A_608 = arith.index_cast %scan3A_548 : i32 to index
        %swap3A_609 = arith.constant 16 : index
        %swap3A_610 = tpu.vector_load %arg10[%swap3A_608, %swap3A_609] {strides = array<i32>} : memref<200x128xf32, #tpu.memory_space<vmem>>, vector<1x16xf32>,
        %swap3A_611 = vector.shape_cast %swap3A_610 : vector<1x16xf32> to vector<16xf32>
        %swap3A_612 = vector.shape_cast %add3A_607 : vector<16xf32> to vector<1x16xf32>
        tpu.vector_store %arg10[%swap3A_608, %swap3A_609], %swap3A_612 {strides = array<i32>} : memref<200x128xf32, #tpu.memory_space<vmem>>, vector<1x16xf32>,
        %get3A_613 = arith.index_cast %scan3A_548 : i32 to index
        %get3A_614 = arith.constant 80 : index
        %get3A_615 = tpu.vector_load %arg10[%get3A_613, %get3A_614] {strides = array<i32>} : memref<200x128xf32, #tpu.memory_space<vmem>>, vector<1x16xf32>,
        %get3A_616 = vector.shape_cast %get3A_615 : vector<1x16xf32> to vector<16xf32>
        %gt3A_617 = arith.cmpf ogt, %get3A_616, %get3A_6 : vector<16xf32>
        %jit3A_618 = arith.constant 1.000000e+00 : f32
        %jit3A_619 = arith.constant 0.000000e+00 : f32
        %broadcast_in_dim3A_620 = vector.broadcast %jit3A_618 : f32 to vector<16xf32>
        %broadcast_in_dim3A_621 = vector.broadcast %jit3A_619 : f32 to vector<16xf32>
        %select_n3A_622 = arith.select %gt3A_617, %broadcast_in_dim3A_620, %broadcast_in_dim3A_621 : vector<16xi1>, vector<16xf32>
        %add3A_623 = arith.addf %select_n3A_622, %bitcast_convert_type3A_596 : vector<16xf32>
        %swap3A_624 = arith.index_cast %scan3A_548 : i32 to index
        %swap3A_625 = arith.constant 80 : index
        %swap3A_626 = tpu.vector_load %arg10[%swap3A_624, %swap3A_625] {strides = array<i32>} : memref<200x128xf32, #tpu.memory_space<vmem>>, vector<1x16xf32>,
        %swap3A_627 = vector.shape_cast %swap3A_626 : vector<1x16xf32> to vector<16xf32>
        %swap3A_628 = vector.shape_cast %add3A_623 : vector<16xf32> to vector<1x16xf32>
        tpu.vector_store %arg10[%swap3A_624, %swap3A_625], %swap3A_628 {strides = array<i32>} : memref<200x128xf32, #tpu.memory_space<vmem>>, vector<1x16xf32>,
        %get3A_629 = arith.index_cast %scan3A_548 : i32 to index
        %get3A_630 = arith.constant 32 : index
        %get3A_631 = tpu.vector_load %arg11[%get3A_629, %get3A_630] {strides = array<i32>} : memref<200x64xi32, #tpu.memory_space<vmem>>, vector<1x16xi32>,
        %get3A_632 = vector.shape_cast %get3A_631 : vector<1x16xi32> to vector<16xi32>
        %shift_left3A_633 = arith.constant 16 : i32
        %shift_left3A_634 = vector.broadcast %shift_left3A_633 : i32 to vector<16xi32>
        %shift_left3A_635 = arith.shli %get3A_632, %shift_left3A_634 : vector<16xi32>
        %bitcast_convert_type3A_636 = tpu.bitcast %shift_left3A_635 : vector<16xi32> -> vector<16xf32>
        %and3A_637 = arith.constant -65536 : i32
        %and3A_638 = vector.broadcast %and3A_637 : i32 to vector<16xi32>
        %and3A_639 = arith.andi %get3A_632, %and3A_638 : vector<16xi32>
        %bitcast_convert_type3A_640 = tpu.bitcast %and3A_639 : vector<16xi32> -> vector<16xf32>
        %get3A_641 = arith.index_cast %scan3A_548 : i32 to index
        %get3A_642 = arith.constant 32 : index
        %get3A_643 = tpu.vector_load %arg10[%get3A_641, %get3A_642] {strides = array<i32>} : memref<200x128xf32, #tpu.memory_space<vmem>>, vector<1x16xf32>,
        %get3A_644 = vector.shape_cast %get3A_643 : vector<1x16xf32> to vector<16xf32>
        %gt3A_645 = arith.cmpf ogt, %get3A_644, %get3A_6 : vector<16xf32>
        %jit3A_646 = arith.constant 1.000000e+00 : f32
        %jit3A_647 = arith.constant 0.000000e+00 : f32
        %broadcast_in_dim3A_648 = vector.broadcast %jit3A_646 : f32 to vector<16xf32>
        %broadcast_in_dim3A_649 = vector.broadcast %jit3A_647 : f32 to vector<16xf32>
        %select_n3A_650 = arith.select %gt3A_645, %broadcast_in_dim3A_648, %broadcast_in_dim3A_649 : vector<16xi1>, vector<16xf32>
        %add3A_651 = arith.addf %select_n3A_650, %bitcast_convert_type3A_636 : vector<16xf32>
        %swap3A_652 = arith.index_cast %scan3A_548 : i32 to index
        %swap3A_653 = arith.constant 32 : index
        %swap3A_654 = tpu.vector_load %arg10[%swap3A_652, %swap3A_653] {strides = array<i32>} : memref<200x128xf32, #tpu.memory_space<vmem>>, vector<1x16xf32>,
        %swap3A_655 = vector.shape_cast %swap3A_654 : vector<1x16xf32> to vector<16xf32>
        %swap3A_656 = vector.shape_cast %add3A_651 : vector<16xf32> to vector<1x16xf32>
        tpu.vector_store %arg10[%swap3A_652, %swap3A_653], %swap3A_656 {strides = array<i32>} : memref<200x128xf32, #tpu.memory_space<vmem>>, vector<1x16xf32>,
        %get3A_657 = arith.index_cast %scan3A_548 : i32 to index
        %get3A_658 = arith.constant 96 : index
        %get3A_659 = tpu.vector_load %arg10[%get3A_657, %get3A_658] {strides = array<i32>} : memref<200x128xf32, #tpu.memory_space<vmem>>, vector<1x16xf32>,
        %get3A_660 = vector.shape_cast %get3A_659 : vector<1x16xf32> to vector<16xf32>
        %gt3A_661 = arith.cmpf ogt, %get3A_660, %get3A_6 : vector<16xf32>
        %jit3A_662 = arith.constant 1.000000e+00 : f32
        %jit3A_663 = arith.constant 0.000000e+00 : f32
        %broadcast_in_dim3A_664 = vector.broadcast %jit3A_662 : f32 to vector<16xf32>
        %broadcast_in_dim3A_665 = vector.broadcast %jit3A_663 : f32 to vector<16xf32>
        %select_n3A_666 = arith.select %gt3A_661, %broadcast_in_dim3A_664, %broadcast_in_dim3A_665 : vector<16xi1>, vector<16xf32>
        %add3A_667 = arith.addf %select_n3A_666, %bitcast_convert_type3A_640 : vector<16xf32>
        %swap3A_668 = arith.index_cast %scan3A_548 : i32 to index
        %swap3A_669 = arith.constant 96 : index
        %swap3A_670 = tpu.vector_load %arg10[%swap3A_668, %swap3A_669] {strides = array<i32>} : memref<200x128xf32, #tpu.memory_space<vmem>>, vector<1x16xf32>,
        %swap3A_671 = vector.shape_cast %swap3A_670 : vector<1x16xf32> to vector<16xf32>
        %swap3A_672 = vector.shape_cast %add3A_667 : vector<16xf32> to vector<1x16xf32>
        tpu.vector_store %arg10[%swap3A_668, %swap3A_669], %swap3A_672 {strides = array<i32>} : memref<200x128xf32, #tpu.memory_space<vmem>>, vector<1x16xf32>,
        %get3A_673 = arith.index_cast %scan3A_548 : i32 to index
        %get3A_674 = arith.constant 48 : index
        %get3A_675 = tpu.vector_load %arg11[%get3A_673, %get3A_674] {strides = array<i32>} : memref<200x64xi32, #tpu.memory_space<vmem>>, vector<1x16xi32>,
        %get3A_676 = vector.shape_cast %get3A_675 : vector<1x16xi32> to vector<16xi32>
        %shift_left3A_677 = arith.constant 16 : i32
        %shift_left3A_678 = vector.broadcast %shift_left3A_677 : i32 to vector<16xi32>
        %shift_left3A_679 = arith.shli %get3A_676, %shift_left3A_678 : vector<16xi32>
        %bitcast_convert_type3A_680 = tpu.bitcast %shift_left3A_679 : vector<16xi32> -> vector<16xf32>
        %and3A_681 = arith.constant -65536 : i32
        %and3A_682 = vector.broadcast %and3A_681 : i32 to vector<16xi32>
        %and3A_683 = arith.andi %get3A_676, %and3A_682 : vector<16xi32>
        %bitcast_convert_type3A_684 = tpu.bitcast %and3A_683 : vector<16xi32> -> vector<16xf32>
        %get3A_685 = arith.index_cast %scan3A_548 : i32 to index
        %get3A_686 = arith.constant 48 : index
        %get3A_687 = tpu.vector_load %arg10[%get3A_685, %get3A_686] {strides = array<i32>} : memref<200x128xf32, #tpu.memory_space<vmem>>, vector<1x16xf32>,
        %get3A_688 = vector.shape_cast %get3A_687 : vector<1x16xf32> to vector<16xf32>
        %gt3A_689 = arith.cmpf ogt, %get3A_688, %get3A_6 : vector<16xf32>
        %jit3A_690 = arith.constant 1.000000e+00 : f32
        %jit3A_691 = arith.constant 0.000000e+00 : f32
        %broadcast_in_dim3A_692 = vector.broadcast %jit3A_690 : f32 to vector<16xf32>
        %broadcast_in_dim3A_693 = vector.broadcast %jit3A_691 : f32 to vector<16xf32>
        %select_n3A_694 = arith.select %gt3A_689, %broadcast_in_dim3A_692, %broadcast_in_dim3A_693 : vector<16xi1>, vector<16xf32>
        %add3A_695 = arith.addf %select_n3A_694, %bitcast_convert_type3A_680 : vector<16xf32>
        %swap3A_696 = arith.index_cast %scan3A_548 : i32 to index
        %swap3A_697 = arith.constant 48 : index
        %swap3A_698 = tpu.vector_load %arg10[%swap3A_696, %swap3A_697] {strides = array<i32>} : memref<200x128xf32, #tpu.memory_space<vmem>>, vector<1x16xf32>,
        %swap3A_699 = vector.shape_cast %swap3A_698 : vector<1x16xf32> to vector<16xf32>
        %swap3A_700 = vector.shape_cast %add3A_695 : vector<16xf32> to vector<1x16xf32>
        tpu.vector_store %arg10[%swap3A_696, %swap3A_697], %swap3A_700 {strides = array<i32>} : memref<200x128xf32, #tpu.memory_space<vmem>>, vector<1x16xf32>,
        %get3A_701 = arith.index_cast %scan3A_548 : i32 to index
        %get3A_702 = arith.constant 112 : index
        %get3A_703 = tpu.vector_load %arg10[%get3A_701, %get3A_702] {strides = array<i32>} : memref<200x128xf32, #tpu.memory_space<vmem>>, vector<1x16xf32>,
        %get3A_704 = vector.shape_cast %get3A_703 : vector<1x16xf32> to vector<16xf32>
        %gt3A_705 = arith.cmpf ogt, %get3A_704, %get3A_6 : vector<16xf32>
        %jit3A_706 = arith.constant 1.000000e+00 : f32
        %jit3A_707 = arith.constant 0.000000e+00 : f32
        %broadcast_in_dim3A_708 = vector.broadcast %jit3A_706 : f32 to vector<16xf32>
        %broadcast_in_dim3A_709 = vector.broadcast %jit3A_707 : f32 to vector<16xf32>
        %select_n3A_710 = arith.select %gt3A_705, %broadcast_in_dim3A_708, %broadcast_in_dim3A_709 : vector<16xi1>, vector<16xf32>
        %add3A_711 = arith.addf %select_n3A_710, %bitcast_convert_type3A_684 : vector<16xf32>
        %swap3A_712 = arith.index_cast %scan3A_548 : i32 to index
        %swap3A_713 = arith.constant 112 : index
        %swap3A_714 = tpu.vector_load %arg10[%swap3A_712, %swap3A_713] {strides = array<i32>} : memref<200x128xf32, #tpu.memory_space<vmem>>, vector<1x16xf32>,
        %swap3A_715 = vector.shape_cast %swap3A_714 : vector<1x16xf32> to vector<16xf32>
        %swap3A_716 = vector.shape_cast %add3A_711 : vector<16xf32> to vector<1x16xf32>
        tpu.vector_store %arg10[%swap3A_712, %swap3A_713], %swap3A_716 {strides = array<i32>} : memref<200x128xf32, #tpu.memory_space<vmem>>, vector<1x16xf32>,
      }
      %scan3A_396 = arith.constant 200 : i32
      %add3A_397 = arith.addi %mul3A_2, %add3A_336 : i32
      %dma_start3A_398 = arith.constant 0 : i32
      %dma_start3A_399 = arith.constant 0 : i32
      %dma_start3A_400 = tpu.memref_slice %arg6[%add3A_397, %dma_start3A_398, %dma_start3A_399] : memref<1024x200x128xf32, #tpu.memory_space<hbm>> -> memref<1x200x128xf32, #tpu.memory_space<hbm>>
      %dma_start3A_401 = tpu.memref_squeeze %dma_start3A_400 : memref<1x200x128xf32, #tpu.memory_space<hbm>> -> memref<200x128xf32, #tpu.memory_space<hbm>>
      %dma_start3A_402 = arith.constant 0 : i32
      %dma_start3A_403 = arith.constant 0 : i32
      %dma_start3A_404 = tpu.memref_slice %arg6[%add3A_397, %dma_start3A_402, %dma_start3A_403] : memref<1024x200x128xf32, #tpu.memory_space<hbm>> -> memref<1x200x128xf32, #tpu.memory_space<hbm>>
      %dma_start3A_405 = tpu.memref_squeeze %dma_start3A_404 : memref<1x200x128xf32, #tpu.memory_space<hbm>> -> memref<200x128xf32, #tpu.memory_space<hbm>>
      tpu.enqueue_dma source(%arg10 : memref<200x128xf32, #tpu.memory_space<vmem>>) target(%dma_start3A_405 : memref<200x128xf32, #tpu.memory_space<hbm>>) target_semaphore(%arg18 : memref<!tpu.dma_semaphore, #tpu.memory_space<semaphore_mem>>)
      %add3A_406 = arith.constant 1 : i32
      %add3A_407 = arith.addi %add3A_334, %add3A_406 : i32
      %dma_wait3A_408 = arith.constant 0 : i32
      %dma_wait3A_409 = arith.constant 0 : i32
      %dma_wait3A_410 = tpu.memref_slice %arg6[%mul3A_2, %dma_wait3A_408, %dma_wait3A_409] : memref<1024x200x128xf32, #tpu.memory_space<hbm>> -> memref<1x200x128xf32, #tpu.memory_space<hbm>>
      %dma_wait3A_411 = tpu.memref_squeeze %dma_wait3A_410 : memref<1x200x128xf32, #tpu.memory_space<hbm>> -> memref<200x128xf32, #tpu.memory_space<hbm>>
      %dma_wait3A_412 = arith.constant 0 : i32
      %dma_wait3A_413 = arith.constant 0 : i32
      %dma_wait3A_414 = tpu.memref_slice %arg6[%mul3A_2, %dma_wait3A_412, %dma_wait3A_413] : memref<1024x200x128xf32, #tpu.memory_space<hbm>> -> memref<1x200x128xf32, #tpu.memory_space<hbm>>
      %dma_wait3A_415 = tpu.memref_squeeze %dma_wait3A_414 : memref<1x200x128xf32, #tpu.memory_space<hbm>> -> memref<200x128xf32, #tpu.memory_space<hbm>>
      tpu.wait_dma2 semaphore(%arg17 : memref<!tpu.dma_semaphore, #tpu.memory_space<semaphore_mem>>) src(%arg9 : memref<200x128xf32, #tpu.memory_space<vmem>>) dst(%dma_wait3A_415 : memref<200x128xf32, #tpu.memory_space<hbm>>)
      %add3A_416 = arith.constant 1 : i32
      %add3A_417 = arith.addi %add3A_407, %add3A_416 : i32
      %mul3A_418 = arith.constant 2 : i32
      %mul3A_419 = arith.muli %mul3A_418, %add3A_417 : i32
      %dma_start3A_420 = arith.constant 0 : i32
      %dma_start3A_421 = arith.constant 0 : i32
      %dma_start3A_422 = tpu.memref_slice %arg9[%dma_start3A_420, %dma_start3A_421] : memref<200x128xf32, #tpu.memory_space<vmem>> -> memref<104x128xf32, #tpu.memory_space<vmem>>
      %dma_start3A_423 = arith.constant 0 : i32
      %dma_start3A_424 = tpu.memref_slice %arg7[%mul3A_419, %dma_start3A_423] : memref<64x104xi32, #tpu.memory_space<vmem>> -> memref<1x104xi32, #tpu.memory_space<vmem>>
      %dma_start3A_425 = tpu.memref_squeeze %dma_start3A_424 : memref<1x104xi32, #tpu.memory_space<vmem>> -> memref<104xi32, #tpu.memory_space<vmem>>
      %dma_start3A_426 = arith.constant 0 : i32
      %dma_start3A_427 = arith.constant 0 : i32
      %dma_start3A_428 = tpu.memref_slice %arg3[%dma_start3A_426, %dma_start3A_427] : memref<100000x128xf32, #tpu.memory_space<hbm>> -> memref<100000x128xf32, #tpu.memory_space<hbm>>
      tpu.enqueue_indirect_dma source(%dma_start3A_428 : memref<100000x128xf32, #tpu.memory_space<hbm>>) target(%dma_start3A_422 : memref<104x128xf32, #tpu.memory_space<vmem>>) offsets(%dma_start3A_425 : memref<104xi32, #tpu.memory_space<vmem>>) semaphore(%arg14 : memref<!tpu.dma_semaphore, #tpu.memory_space<semaphore_mem>>)
      %mul3A_429 = arith.constant 2 : i32
      %mul3A_430 = arith.muli %mul3A_429, %add3A_417 : i32
      %add3A_431 = arith.constant 1 : i32
      %add3A_432 = arith.addi %mul3A_430, %add3A_431 : i32
      %dma_start3A_433 = arith.constant 96 : i32
      %dma_start3A_434 = arith.constant 0 : i32
      %dma_start3A_435 = tpu.memref_slice %arg9[%dma_start3A_433, %dma_start3A_434] : memref<200x128xf32, #tpu.memory_space<vmem>> -> memref<104x128xf32, #tpu.memory_space<vmem>>
      %dma_start3A_436 = arith.constant 0 : i32
      %dma_start3A_437 = tpu.memref_slice %arg7[%add3A_432, %dma_start3A_436] : memref<64x104xi32, #tpu.memory_space<vmem>> -> memref<1x104xi32, #tpu.memory_space<vmem>>
      %dma_start3A_438 = tpu.memref_squeeze %dma_start3A_437 : memref<1x104xi32, #tpu.memory_space<vmem>> -> memref<104xi32, #tpu.memory_space<vmem>>
      %dma_start3A_439 = arith.constant 0 : i32
      %dma_start3A_440 = arith.constant 0 : i32
      %dma_start3A_441 = tpu.memref_slice %arg3[%dma_start3A_439, %dma_start3A_440] : memref<100000x128xf32, #tpu.memory_space<hbm>> -> memref<100000x128xf32, #tpu.memory_space<hbm>>
      tpu.enqueue_indirect_dma source(%dma_start3A_441 : memref<100000x128xf32, #tpu.memory_space<hbm>>) target(%dma_start3A_435 : memref<104x128xf32, #tpu.memory_space<vmem>>) offsets(%dma_start3A_438 : memref<104xi32, #tpu.memory_space<vmem>>) semaphore(%arg14 : memref<!tpu.dma_semaphore, #tpu.memory_space<semaphore_mem>>)
      %dma_wait3A_442 = arith.constant 0 : i32
      %dma_wait3A_443 = arith.constant 0 : i32
      %dma_wait3A_444 = arith.constant 0 : i32
      %dma_wait3A_445 = tpu.memref_slice %arg8[%dma_wait3A_443, %dma_wait3A_444] : memref<200x128xf32, #tpu.memory_space<vmem>> -> memref<104x128xf32, #tpu.memory_space<vmem>>
      %dma_wait3A_446 = arith.constant 0 : i32
      %dma_wait3A_447 = tpu.memref_slice %arg7[%dma_wait3A_442, %dma_wait3A_446] : memref<64x104xi32, #tpu.memory_space<vmem>> -> memref<1x104xi32, #tpu.memory_space<vmem>>
      %dma_wait3A_448 = tpu.memref_squeeze %dma_wait3A_447 : memref<1x104xi32, #tpu.memory_space<vmem>> -> memref<104xi32, #tpu.memory_space<vmem>>
      %dma_wait3A_449 = arith.constant 0 : i32
      %dma_wait3A_450 = arith.constant 0 : i32
      %dma_wait3A_451 = tpu.memref_slice %arg3[%dma_wait3A_449, %dma_wait3A_450] : memref<100000x128xf32, #tpu.memory_space<hbm>> -> memref<100000x128xf32, #tpu.memory_space<hbm>>
      tpu.wait_indirect_dma semaphore(%arg13 : memref<!tpu.dma_semaphore, #tpu.memory_space<semaphore_mem>>) src(%dma_wait3A_451 : memref<100000x128xf32, #tpu.memory_space<hbm>>) dst(%dma_wait3A_445 : memref<104x128xf32, #tpu.memory_space<vmem>>)
      %dma_wait3A_452 = arith.constant 0 : i32
      %dma_wait3A_453 = arith.constant 96 : i32
      %dma_wait3A_454 = arith.constant 0 : i32
      %dma_wait3A_455 = tpu.memref_slice %arg8[%dma_wait3A_453, %dma_wait3A_454] : memref<200x128xf32, #tpu.memory_space<vmem>> -> memref<104x128xf32, #tpu.memory_space<vmem>>
      %dma_wait3A_456 = arith.constant 0 : i32
      %dma_wait3A_457 = tpu.memref_slice %arg7[%dma_wait3A_452, %dma_wait3A_456] : memref<64x104xi32, #tpu.memory_space<vmem>> -> memref<1x104xi32, #tpu.memory_space<vmem>>
      %dma_wait3A_458 = tpu.memref_squeeze %dma_wait3A_457 : memref<1x104xi32, #tpu.memory_space<vmem>> -> memref<104xi32, #tpu.memory_space<vmem>>
      %dma_wait3A_459 = arith.constant 0 : i32
      %dma_wait3A_460 = arith.constant 0 : i32
      %dma_wait3A_461 = tpu.memref_slice %arg3[%dma_wait3A_459, %dma_wait3A_460] : memref<100000x128xf32, #tpu.memory_space<hbm>> -> memref<100000x128xf32, #tpu.memory_space<hbm>>
      tpu.wait_indirect_dma semaphore(%arg13 : memref<!tpu.dma_semaphore, #tpu.memory_space<semaphore_mem>>) src(%dma_wait3A_461 : memref<100000x128xf32, #tpu.memory_space<hbm>>) dst(%dma_wait3A_455 : memref<104x128xf32, #tpu.memory_space<vmem>>)
      %scan3A_462 = arith.constant 0 : i32
      %scan3A_463 = arith.constant 0 : i32
      %scan3A_464 = arith.constant 200 : i32
      %scan3A_465 = arith.addi %scan3A_463, %scan3A_464 : i32
      %scan3A_466 = arith.constant 1 : i32
      scf.for %scan3A_548 = %scan3A_463 to %scan3A_465 step %scan3A_466  : i32 {
        %get3A_549 = arith.index_cast %scan3A_548 : i32 to index
        %get3A_550 = arith.constant 0 : index
        %get3A_551 = tpu.vector_load %arg11[%get3A_549, %get3A_550] {strides = array<i32>} : memref<200x64xi32, #tpu.memory_space<vmem>>, vector<1x16xi32>,
        %get3A_552 = vector.shape_cast %get3A_551 : vector<1x16xi32> to vector<16xi32>
        %shift_left3A = arith.constant 16 : i32
        %shift_left3A_553 = vector.broadcast %shift_left3A : i32 to vector<16xi32>
        %shift_left3A_554 = arith.shli %get3A_552, %shift_left3A_553 : vector<16xi32>
        %bitcast_convert_type3A = tpu.bitcast %shift_left3A_554 : vector<16xi32> -> vector<16xf32>
        %and3A = arith.constant -65536 : i32
        %and3A_555 = vector.broadcast %and3A : i32 to vector<16xi32>
        %and3A_556 = arith.andi %get3A_552, %and3A_555 : vector<16xi32>
        %bitcast_convert_type3A_557 = tpu.bitcast %and3A_556 : vector<16xi32> -> vector<16xf32>
        %get3A_558 = arith.index_cast %scan3A_548 : i32 to index
        %get3A_559 = arith.constant 0 : index
        %get3A_560 = tpu.vector_load %arg8[%get3A_558, %get3A_559] {strides = array<i32>} : memref<200x128xf32, #tpu.memory_space<vmem>>, vector<1x16xf32>,
        %get3A_561 = vector.shape_cast %get3A_560 : vector<1x16xf32> to vector<16xf32>
        %gt3A = arith.cmpf ogt, %get3A_561, %get3A_6 : vector<16xf32>
        %jit3A = arith.constant 1.000000e+00 : f32
        %jit3A_562 = arith.constant 0.000000e+00 : f32
        %broadcast_in_dim3A = vector.broadcast %jit3A : f32 to vector<16xf32>
        %broadcast_in_dim3A_563 = vector.broadcast %jit3A_562 : f32 to vector<16xf32>
        %select_n3A = arith.select %gt3A, %broadcast_in_dim3A, %broadcast_in_dim3A_563 : vector<16xi1>, vector<16xf32>
        %add3A_564 = arith.addf %select_n3A, %bitcast_convert_type3A : vector<16xf32>
        %swap3A = arith.index_cast %scan3A_548 : i32 to index
        %swap3A_565 = arith.constant 0 : index
        %swap3A_566 = tpu.vector_load %arg8[%swap3A, %swap3A_565] {strides = array<i32>} : memref<200x128xf32, #tpu.memory_space<vmem>>, vector<1x16xf32>,
        %swap3A_567 = vector.shape_cast %swap3A_566 : vector<1x16xf32> to vector<16xf32>
        %swap3A_568 = vector.shape_cast %add3A_564 : vector<16xf32> to vector<1x16xf32>
        tpu.vector_store %arg8[%swap3A, %swap3A_565], %swap3A_568 {strides = array<i32>} : memref<200x128xf32, #tpu.memory_space<vmem>>, vector<1x16xf32>,
        %get3A_569 = arith.index_cast %scan3A_548 : i32 to index
        %get3A_570 = arith.constant 64 : index
        %get3A_571 = tpu.vector_load %arg8[%get3A_569, %get3A_570] {strides = array<i32>} : memref<200x128xf32, #tpu.memory_space<vmem>>, vector<1x16xf32>,
        %get3A_572 = vector.shape_cast %get3A_571 : vector<1x16xf32> to vector<16xf32>
        %gt3A_573 = arith.cmpf ogt, %get3A_572, %get3A_6 : vector<16xf32>
        %jit3A_574 = arith.constant 1.000000e+00 : f32
        %jit3A_575 = arith.constant 0.000000e+00 : f32
        %broadcast_in_dim3A_576 = vector.broadcast %jit3A_574 : f32 to vector<16xf32>
        %broadcast_in_dim3A_577 = vector.broadcast %jit3A_575 : f32 to vector<16xf32>
        %select_n3A_578 = arith.select %gt3A_573, %broadcast_in_dim3A_576, %broadcast_in_dim3A_577 : vector<16xi1>, vector<16xf32>
        %add3A_579 = arith.addf %select_n3A_578, %bitcast_convert_type3A_557 : vector<16xf32>
        %swap3A_580 = arith.index_cast %scan3A_548 : i32 to index
        %swap3A_581 = arith.constant 64 : index
        %swap3A_582 = tpu.vector_load %arg8[%swap3A_580, %swap3A_581] {strides = array<i32>} : memref<200x128xf32, #tpu.memory_space<vmem>>, vector<1x16xf32>,
        %swap3A_583 = vector.shape_cast %swap3A_582 : vector<1x16xf32> to vector<16xf32>
        %swap3A_584 = vector.shape_cast %add3A_579 : vector<16xf32> to vector<1x16xf32>
        tpu.vector_store %arg8[%swap3A_580, %swap3A_581], %swap3A_584 {strides = array<i32>} : memref<200x128xf32, #tpu.memory_space<vmem>>, vector<1x16xf32>,
        %get3A_585 = arith.index_cast %scan3A_548 : i32 to index
        %get3A_586 = arith.constant 16 : index
        %get3A_587 = tpu.vector_load %arg11[%get3A_585, %get3A_586] {strides = array<i32>} : memref<200x64xi32, #tpu.memory_space<vmem>>, vector<1x16xi32>,
        %get3A_588 = vector.shape_cast %get3A_587 : vector<1x16xi32> to vector<16xi32>
        %shift_left3A_589 = arith.constant 16 : i32
        %shift_left3A_590 = vector.broadcast %shift_left3A_589 : i32 to vector<16xi32>
        %shift_left3A_591 = arith.shli %get3A_588, %shift_left3A_590 : vector<16xi32>
        %bitcast_convert_type3A_592 = tpu.bitcast %shift_left3A_591 : vector<16xi32> -> vector<16xf32>
        %and3A_593 = arith.constant -65536 : i32
        %and3A_594 = vector.broadcast %and3A_593 : i32 to vector<16xi32>
        %and3A_595 = arith.andi %get3A_588, %and3A_594 : vector<16xi32>
        %bitcast_convert_type3A_596 = tpu.bitcast %and3A_595 : vector<16xi32> -> vector<16xf32>
        %get3A_597 = arith.index_cast %scan3A_548 : i32 to index
        %get3A_598 = arith.constant 16 : index
        %get3A_599 = tpu.vector_load %arg8[%get3A_597, %get3A_598] {strides = array<i32>} : memref<200x128xf32, #tpu.memory_space<vmem>>, vector<1x16xf32>,
        %get3A_600 = vector.shape_cast %get3A_599 : vector<1x16xf32> to vector<16xf32>
        %gt3A_601 = arith.cmpf ogt, %get3A_600, %get3A_6 : vector<16xf32>
        %jit3A_602 = arith.constant 1.000000e+00 : f32
        %jit3A_603 = arith.constant 0.000000e+00 : f32
        %broadcast_in_dim3A_604 = vector.broadcast %jit3A_602 : f32 to vector<16xf32>
        %broadcast_in_dim3A_605 = vector.broadcast %jit3A_603 : f32 to vector<16xf32>
        %select_n3A_606 = arith.select %gt3A_601, %broadcast_in_dim3A_604, %broadcast_in_dim3A_605 : vector<16xi1>, vector<16xf32>
        %add3A_607 = arith.addf %select_n3A_606, %bitcast_convert_type3A_592 : vector<16xf32>
        %swap3A_608 = arith.index_cast %scan3A_548 : i32 to index
        %swap3A_609 = arith.constant 16 : index
        %swap3A_610 = tpu.vector_load %arg8[%swap3A_608, %swap3A_609] {strides = array<i32>} : memref<200x128xf32, #tpu.memory_space<vmem>>, vector<1x16xf32>,
        %swap3A_611 = vector.shape_cast %swap3A_610 : vector<1x16xf32> to vector<16xf32>
        %swap3A_612 = vector.shape_cast %add3A_607 : vector<16xf32> to vector<1x16xf32>
        tpu.vector_store %arg8[%swap3A_608, %swap3A_609], %swap3A_612 {strides = array<i32>} : memref<200x128xf32, #tpu.memory_space<vmem>>, vector<1x16xf32>,
        %get3A_613 = arith.index_cast %scan3A_548 : i32 to index
        %get3A_614 = arith.constant 80 : index
        %get3A_615 = tpu.vector_load %arg8[%get3A_613, %get3A_614] {strides = array<i32>} : memref<200x128xf32, #tpu.memory_space<vmem>>, vector<1x16xf32>,
        %get3A_616 = vector.shape_cast %get3A_615 : vector<1x16xf32> to vector<16xf32>
        %gt3A_617 = arith.cmpf ogt, %get3A_616, %get3A_6 : vector<16xf32>
        %jit3A_618 = arith.constant 1.000000e+00 : f32
        %jit3A_619 = arith.constant 0.000000e+00 : f32
        %broadcast_in_dim3A_620 = vector.broadcast %jit3A_618 : f32 to vector<16xf32>
        %broadcast_in_dim3A_621 = vector.broadcast %jit3A_619 : f32 to vector<16xf32>
        %select_n3A_622 = arith.select %gt3A_617, %broadcast_in_dim3A_620, %broadcast_in_dim3A_621 : vector<16xi1>, vector<16xf32>
        %add3A_623 = arith.addf %select_n3A_622, %bitcast_convert_type3A_596 : vector<16xf32>
        %swap3A_624 = arith.index_cast %scan3A_548 : i32 to index
        %swap3A_625 = arith.constant 80 : index
        %swap3A_626 = tpu.vector_load %arg8[%swap3A_624, %swap3A_625] {strides = array<i32>} : memref<200x128xf32, #tpu.memory_space<vmem>>, vector<1x16xf32>,
        %swap3A_627 = vector.shape_cast %swap3A_626 : vector<1x16xf32> to vector<16xf32>
        %swap3A_628 = vector.shape_cast %add3A_623 : vector<16xf32> to vector<1x16xf32>
        tpu.vector_store %arg8[%swap3A_624, %swap3A_625], %swap3A_628 {strides = array<i32>} : memref<200x128xf32, #tpu.memory_space<vmem>>, vector<1x16xf32>,
        %get3A_629 = arith.index_cast %scan3A_548 : i32 to index
        %get3A_630 = arith.constant 32 : index
        %get3A_631 = tpu.vector_load %arg11[%get3A_629, %get3A_630] {strides = array<i32>} : memref<200x64xi32, #tpu.memory_space<vmem>>, vector<1x16xi32>,
        %get3A_632 = vector.shape_cast %get3A_631 : vector<1x16xi32> to vector<16xi32>
        %shift_left3A_633 = arith.constant 16 : i32
        %shift_left3A_634 = vector.broadcast %shift_left3A_633 : i32 to vector<16xi32>
        %shift_left3A_635 = arith.shli %get3A_632, %shift_left3A_634 : vector<16xi32>
        %bitcast_convert_type3A_636 = tpu.bitcast %shift_left3A_635 : vector<16xi32> -> vector<16xf32>
        %and3A_637 = arith.constant -65536 : i32
        %and3A_638 = vector.broadcast %and3A_637 : i32 to vector<16xi32>
        %and3A_639 = arith.andi %get3A_632, %and3A_638 : vector<16xi32>
        %bitcast_convert_type3A_640 = tpu.bitcast %and3A_639 : vector<16xi32> -> vector<16xf32>
        %get3A_641 = arith.index_cast %scan3A_548 : i32 to index
        %get3A_642 = arith.constant 32 : index
        %get3A_643 = tpu.vector_load %arg8[%get3A_641, %get3A_642] {strides = array<i32>} : memref<200x128xf32, #tpu.memory_space<vmem>>, vector<1x16xf32>,
        %get3A_644 = vector.shape_cast %get3A_643 : vector<1x16xf32> to vector<16xf32>
        %gt3A_645 = arith.cmpf ogt, %get3A_644, %get3A_6 : vector<16xf32>
        %jit3A_646 = arith.constant 1.000000e+00 : f32
        %jit3A_647 = arith.constant 0.000000e+00 : f32
        %broadcast_in_dim3A_648 = vector.broadcast %jit3A_646 : f32 to vector<16xf32>
        %broadcast_in_dim3A_649 = vector.broadcast %jit3A_647 : f32 to vector<16xf32>
        %select_n3A_650 = arith.select %gt3A_645, %broadcast_in_dim3A_648, %broadcast_in_dim3A_649 : vector<16xi1>, vector<16xf32>
        %add3A_651 = arith.addf %select_n3A_650, %bitcast_convert_type3A_636 : vector<16xf32>
        %swap3A_652 = arith.index_cast %scan3A_548 : i32 to index
        %swap3A_653 = arith.constant 32 : index
        %swap3A_654 = tpu.vector_load %arg8[%swap3A_652, %swap3A_653] {strides = array<i32>} : memref<200x128xf32, #tpu.memory_space<vmem>>, vector<1x16xf32>,
        %swap3A_655 = vector.shape_cast %swap3A_654 : vector<1x16xf32> to vector<16xf32>
        %swap3A_656 = vector.shape_cast %add3A_651 : vector<16xf32> to vector<1x16xf32>
        tpu.vector_store %arg8[%swap3A_652, %swap3A_653], %swap3A_656 {strides = array<i32>} : memref<200x128xf32, #tpu.memory_space<vmem>>, vector<1x16xf32>,
        %get3A_657 = arith.index_cast %scan3A_548 : i32 to index
        %get3A_658 = arith.constant 96 : index
        %get3A_659 = tpu.vector_load %arg8[%get3A_657, %get3A_658] {strides = array<i32>} : memref<200x128xf32, #tpu.memory_space<vmem>>, vector<1x16xf32>,
        %get3A_660 = vector.shape_cast %get3A_659 : vector<1x16xf32> to vector<16xf32>
        %gt3A_661 = arith.cmpf ogt, %get3A_660, %get3A_6 : vector<16xf32>
        %jit3A_662 = arith.constant 1.000000e+00 : f32
        %jit3A_663 = arith.constant 0.000000e+00 : f32
        %broadcast_in_dim3A_664 = vector.broadcast %jit3A_662 : f32 to vector<16xf32>
        %broadcast_in_dim3A_665 = vector.broadcast %jit3A_663 : f32 to vector<16xf32>
        %select_n3A_666 = arith.select %gt3A_661, %broadcast_in_dim3A_664, %broadcast_in_dim3A_665 : vector<16xi1>, vector<16xf32>
        %add3A_667 = arith.addf %select_n3A_666, %bitcast_convert_type3A_640 : vector<16xf32>
        %swap3A_668 = arith.index_cast %scan3A_548 : i32 to index
        %swap3A_669 = arith.constant 96 : index
        %swap3A_670 = tpu.vector_load %arg8[%swap3A_668, %swap3A_669] {strides = array<i32>} : memref<200x128xf32, #tpu.memory_space<vmem>>, vector<1x16xf32>,
        %swap3A_671 = vector.shape_cast %swap3A_670 : vector<1x16xf32> to vector<16xf32>
        %swap3A_672 = vector.shape_cast %add3A_667 : vector<16xf32> to vector<1x16xf32>
        tpu.vector_store %arg8[%swap3A_668, %swap3A_669], %swap3A_672 {strides = array<i32>} : memref<200x128xf32, #tpu.memory_space<vmem>>, vector<1x16xf32>,
        %get3A_673 = arith.index_cast %scan3A_548 : i32 to index
        %get3A_674 = arith.constant 48 : index
        %get3A_675 = tpu.vector_load %arg11[%get3A_673, %get3A_674] {strides = array<i32>} : memref<200x64xi32, #tpu.memory_space<vmem>>, vector<1x16xi32>,
        %get3A_676 = vector.shape_cast %get3A_675 : vector<1x16xi32> to vector<16xi32>
        %shift_left3A_677 = arith.constant 16 : i32
        %shift_left3A_678 = vector.broadcast %shift_left3A_677 : i32 to vector<16xi32>
        %shift_left3A_679 = arith.shli %get3A_676, %shift_left3A_678 : vector<16xi32>
        %bitcast_convert_type3A_680 = tpu.bitcast %shift_left3A_679 : vector<16xi32> -> vector<16xf32>
        %and3A_681 = arith.constant -65536 : i32
        %and3A_682 = vector.broadcast %and3A_681 : i32 to vector<16xi32>
        %and3A_683 = arith.andi %get3A_676, %and3A_682 : vector<16xi32>
        %bitcast_convert_type3A_684 = tpu.bitcast %and3A_683 : vector<16xi32> -> vector<16xf32>
        %get3A_685 = arith.index_cast %scan3A_548 : i32 to index
        %get3A_686 = arith.constant 48 : index
        %get3A_687 = tpu.vector_load %arg8[%get3A_685, %get3A_686] {strides = array<i32>} : memref<200x128xf32, #tpu.memory_space<vmem>>, vector<1x16xf32>,
        %get3A_688 = vector.shape_cast %get3A_687 : vector<1x16xf32> to vector<16xf32>
        %gt3A_689 = arith.cmpf ogt, %get3A_688, %get3A_6 : vector<16xf32>
        %jit3A_690 = arith.constant 1.000000e+00 : f32
        %jit3A_691 = arith.constant 0.000000e+00 : f32
        %broadcast_in_dim3A_692 = vector.broadcast %jit3A_690 : f32 to vector<16xf32>
        %broadcast_in_dim3A_693 = vector.broadcast %jit3A_691 : f32 to vector<16xf32>
        %select_n3A_694 = arith.select %gt3A_689, %broadcast_in_dim3A_692, %broadcast_in_dim3A_693 : vector<16xi1>, vector<16xf32>
        %add3A_695 = arith.addf %select_n3A_694, %bitcast_convert_type3A_680 : vector<16xf32>
        %swap3A_696 = arith.index_cast %scan3A_548 : i32 to index
        %swap3A_697 = arith.constant 48 : index
        %swap3A_698 = tpu.vector_load %arg8[%swap3A_696, %swap3A_697] {strides = array<i32>} : memref<200x128xf32, #tpu.memory_space<vmem>>, vector<1x16xf32>,
        %swap3A_699 = vector.shape_cast %swap3A_698 : vector<1x16xf32> to vector<16xf32>
        %swap3A_700 = vector.shape_cast %add3A_695 : vector<16xf32> to vector<1x16xf32>
        tpu.vector_store %arg8[%swap3A_696, %swap3A_697], %swap3A_700 {strides = array<i32>} : memref<200x128xf32, #tpu.memory_space<vmem>>, vector<1x16xf32>,
        %get3A_701 = arith.index_cast %scan3A_548 : i32 to index
        %get3A_702 = arith.constant 112 : index
        %get3A_703 = tpu.vector_load %arg8[%get3A_701, %get3A_702] {strides = array<i32>} : memref<200x128xf32, #tpu.memory_space<vmem>>, vector<1x16xf32>,
        %get3A_704 = vector.shape_cast %get3A_703 : vector<1x16xf32> to vector<16xf32>
        %gt3A_705 = arith.cmpf ogt, %get3A_704, %get3A_6 : vector<16xf32>
        %jit3A_706 = arith.constant 1.000000e+00 : f32
        %jit3A_707 = arith.constant 0.000000e+00 : f32
        %broadcast_in_dim3A_708 = vector.broadcast %jit3A_706 : f32 to vector<16xf32>
        %broadcast_in_dim3A_709 = vector.broadcast %jit3A_707 : f32 to vector<16xf32>
        %select_n3A_710 = arith.select %gt3A_705, %broadcast_in_dim3A_708, %broadcast_in_dim3A_709 : vector<16xi1>, vector<16xf32>
        %add3A_711 = arith.addf %select_n3A_710, %bitcast_convert_type3A_684 : vector<16xf32>
        %swap3A_712 = arith.index_cast %scan3A_548 : i32 to index
        %swap3A_713 = arith.constant 112 : index
        %swap3A_714 = tpu.vector_load %arg8[%swap3A_712, %swap3A_713] {strides = array<i32>} : memref<200x128xf32, #tpu.memory_space<vmem>>, vector<1x16xf32>,
        %swap3A_715 = vector.shape_cast %swap3A_714 : vector<1x16xf32> to vector<16xf32>
        %swap3A_716 = vector.shape_cast %add3A_711 : vector<16xf32> to vector<1x16xf32>
        tpu.vector_store %arg8[%swap3A_712, %swap3A_713], %swap3A_716 {strides = array<i32>} : memref<200x128xf32, #tpu.memory_space<vmem>>, vector<1x16xf32>,
      }
      %scan3A_467 = arith.constant 200 : i32
      %add3A_468 = arith.addi %mul3A_2, %add3A_407 : i32
      %dma_start3A_469 = arith.constant 0 : i32
      %dma_start3A_470 = arith.constant 0 : i32
      %dma_start3A_471 = tpu.memref_slice %arg6[%add3A_468, %dma_start3A_469, %dma_start3A_470] : memref<1024x200x128xf32, #tpu.memory_space<hbm>> -> memref<1x200x128xf32, #tpu.memory_space<hbm>>
      %dma_start3A_472 = tpu.memref_squeeze %dma_start3A_471 : memref<1x200x128xf32, #tpu.memory_space<hbm>> -> memref<200x128xf32, #tpu.memory_space<hbm>>
      %dma_start3A_473 = arith.constant 0 : i32
      %dma_start3A_474 = arith.constant 0 : i32
      %dma_start3A_475 = tpu.memref_slice %arg6[%add3A_468, %dma_start3A_473, %dma_start3A_474] : memref<1024x200x128xf32, #tpu.memory_space<hbm>> -> memref<1x200x128xf32, #tpu.memory_space<hbm>>
      %dma_start3A_476 = tpu.memref_squeeze %dma_start3A_475 : memref<1x200x128xf32, #tpu.memory_space<hbm>> -> memref<200x128xf32, #tpu.memory_space<hbm>>
      tpu.enqueue_dma source(%arg8 : memref<200x128xf32, #tpu.memory_space<vmem>>) target(%dma_start3A_476 : memref<200x128xf32, #tpu.memory_space<hbm>>) target_semaphore(%arg16 : memref<!tpu.dma_semaphore, #tpu.memory_space<semaphore_mem>>)
      %add3A_477 = arith.constant 2 : i32
      %add3A_478 = arith.addi %add3A_334, %add3A_477 : i32
      %dma_wait3A_479 = arith.constant 0 : i32
      %dma_wait3A_480 = arith.constant 0 : i32
      %dma_wait3A_481 = tpu.memref_slice %arg6[%mul3A_2, %dma_wait3A_479, %dma_wait3A_480] : memref<1024x200x128xf32, #tpu.memory_space<hbm>> -> memref<1x200x128xf32, #tpu.memory_space<hbm>>
      %dma_wait3A_482 = tpu.memref_squeeze %dma_wait3A_481 : memref<1x200x128xf32, #tpu.memory_space<hbm>> -> memref<200x128xf32, #tpu.memory_space<hbm>>
      %dma_wait3A_483 = arith.constant 0 : i32
      %dma_wait3A_484 = arith.constant 0 : i32
      %dma_wait3A_485 = tpu.memref_slice %arg6[%mul3A_2, %dma_wait3A_483, %dma_wait3A_484] : memref<1024x200x128xf32, #tpu.memory_space<hbm>> -> memref<1x200x128xf32, #tpu.memory_space<hbm>>
      %dma_wait3A_486 = tpu.memref_squeeze %dma_wait3A_485 : memref<1x200x128xf32, #tpu.memory_space<hbm>> -> memref<200x128xf32, #tpu.memory_space<hbm>>
      tpu.wait_dma2 semaphore(%arg18 : memref<!tpu.dma_semaphore, #tpu.memory_space<semaphore_mem>>) src(%arg10 : memref<200x128xf32, #tpu.memory_space<vmem>>) dst(%dma_wait3A_486 : memref<200x128xf32, #tpu.memory_space<hbm>>)
      %add3A_487 = arith.constant 1 : i32
      %add3A_488 = arith.addi %add3A_478, %add3A_487 : i32
      %mul3A_489 = arith.constant 2 : i32
      %mul3A_490 = arith.muli %mul3A_489, %add3A_488 : i32
      %dma_start3A_491 = arith.constant 0 : i32
      %dma_start3A_492 = arith.constant 0 : i32
      %dma_start3A_493 = tpu.memref_slice %arg10[%dma_start3A_491, %dma_start3A_492] : memref<200x128xf32, #tpu.memory_space<vmem>> -> memref<104x128xf32, #tpu.memory_space<vmem>>
      %dma_start3A_494 = arith.constant 0 : i32
      %dma_start3A_495 = tpu.memref_slice %arg7[%mul3A_490, %dma_start3A_494] : memref<64x104xi32, #tpu.memory_space<vmem>> -> memref<1x104xi32, #tpu.memory_space<vmem>>
      %dma_start3A_496 = tpu.memref_squeeze %dma_start3A_495 : memref<1x104xi32, #tpu.memory_space<vmem>> -> memref<104xi32, #tpu.memory_space<vmem>>
      %dma_start3A_497 = arith.constant 0 : i32
      %dma_start3A_498 = arith.constant 0 : i32
      %dma_start3A_499 = tpu.memref_slice %arg3[%dma_start3A_497, %dma_start3A_498] : memref<100000x128xf32, #tpu.memory_space<hbm>> -> memref<100000x128xf32, #tpu.memory_space<hbm>>
      tpu.enqueue_indirect_dma source(%dma_start3A_499 : memref<100000x128xf32, #tpu.memory_space<hbm>>) target(%dma_start3A_493 : memref<104x128xf32, #tpu.memory_space<vmem>>) offsets(%dma_start3A_496 : memref<104xi32, #tpu.memory_space<vmem>>) semaphore(%arg15 : memref<!tpu.dma_semaphore, #tpu.memory_space<semaphore_mem>>)
      %mul3A_500 = arith.constant 2 : i32
      %mul3A_501 = arith.muli %mul3A_500, %add3A_488 : i32
      %add3A_502 = arith.constant 1 : i32
      %add3A_503 = arith.addi %mul3A_501, %add3A_502 : i32
      %dma_start3A_504 = arith.constant 96 : i32
      %dma_start3A_505 = arith.constant 0 : i32
      %dma_start3A_506 = tpu.memref_slice %arg10[%dma_start3A_504, %dma_start3A_505] : memref<200x128xf32, #tpu.memory_space<vmem>> -> memref<104x128xf32, #tpu.memory_space<vmem>>
      %dma_start3A_507 = arith.constant 0 : i32
      %dma_start3A_508 = tpu.memref_slice %arg7[%add3A_503, %dma_start3A_507] : memref<64x104xi32, #tpu.memory_space<vmem>> -> memref<1x104xi32, #tpu.memory_space<vmem>>
      %dma_start3A_509 = tpu.memref_squeeze %dma_start3A_508 : memref<1x104xi32, #tpu.memory_space<vmem>> -> memref<104xi32, #tpu.memory_space<vmem>>
      %dma_start3A_510 = arith.constant 0 : i32
      %dma_start3A_511 = arith.constant 0 : i32
      %dma_start3A_512 = tpu.memref_slice %arg3[%dma_start3A_510, %dma_start3A_511] : memref<100000x128xf32, #tpu.memory_space<hbm>> -> memref<100000x128xf32, #tpu.memory_space<hbm>>
      tpu.enqueue_indirect_dma source(%dma_start3A_512 : memref<100000x128xf32, #tpu.memory_space<hbm>>) target(%dma_start3A_506 : memref<104x128xf32, #tpu.memory_space<vmem>>) offsets(%dma_start3A_509 : memref<104xi32, #tpu.memory_space<vmem>>) semaphore(%arg15 : memref<!tpu.dma_semaphore, #tpu.memory_space<semaphore_mem>>)
      %dma_wait3A_513 = arith.constant 0 : i32
      %dma_wait3A_514 = arith.constant 0 : i32
      %dma_wait3A_515 = arith.constant 0 : i32
      %dma_wait3A_516 = tpu.memref_slice %arg9[%dma_wait3A_514, %dma_wait3A_515] : memref<200x128xf32, #tpu.memory_space<vmem>> -> memref<104x128xf32, #tpu.memory_space<vmem>>
      %dma_wait3A_517 = arith.constant 0 : i32
      %dma_wait3A_518 = tpu.memref_slice %arg7[%dma_wait3A_513, %dma_wait3A_517] : memref<64x104xi32, #tpu.memory_space<vmem>> -> memref<1x104xi32, #tpu.memory_space<vmem>>
      %dma_wait3A_519 = tpu.memref_squeeze %dma_wait3A_518 : memref<1x104xi32, #tpu.memory_space<vmem>> -> memref<104xi32, #tpu.memory_space<vmem>>
      %dma_wait3A_520 = arith.constant 0 : i32
      %dma_wait3A_521 = arith.constant 0 : i32
      %dma_wait3A_522 = tpu.memref_slice %arg3[%dma_wait3A_520, %dma_wait3A_521] : memref<100000x128xf32, #tpu.memory_space<hbm>> -> memref<100000x128xf32, #tpu.memory_space<hbm>>
      tpu.wait_indirect_dma semaphore(%arg14 : memref<!tpu.dma_semaphore, #tpu.memory_space<semaphore_mem>>) src(%dma_wait3A_522 : memref<100000x128xf32, #tpu.memory_space<hbm>>) dst(%dma_wait3A_516 : memref<104x128xf32, #tpu.memory_space<vmem>>)
      %dma_wait3A_523 = arith.constant 0 : i32
      %dma_wait3A_524 = arith.constant 96 : i32
      %dma_wait3A_525 = arith.constant 0 : i32
      %dma_wait3A_526 = tpu.memref_slice %arg9[%dma_wait3A_524, %dma_wait3A_525] : memref<200x128xf32, #tpu.memory_space<vmem>> -> memref<104x128xf32, #tpu.memory_space<vmem>>
      %dma_wait3A_527 = arith.constant 0 : i32
      %dma_wait3A_528 = tpu.memref_slice %arg7[%dma_wait3A_523, %dma_wait3A_527] : memref<64x104xi32, #tpu.memory_space<vmem>> -> memref<1x104xi32, #tpu.memory_space<vmem>>
      %dma_wait3A_529 = tpu.memref_squeeze %dma_wait3A_528 : memref<1x104xi32, #tpu.memory_space<vmem>> -> memref<104xi32, #tpu.memory_space<vmem>>
      %dma_wait3A_530 = arith.constant 0 : i32
      %dma_wait3A_531 = arith.constant 0 : i32
      %dma_wait3A_532 = tpu.memref_slice %arg3[%dma_wait3A_530, %dma_wait3A_531] : memref<100000x128xf32, #tpu.memory_space<hbm>> -> memref<100000x128xf32, #tpu.memory_space<hbm>>
      tpu.wait_indirect_dma semaphore(%arg14 : memref<!tpu.dma_semaphore, #tpu.memory_space<semaphore_mem>>) src(%dma_wait3A_532 : memref<100000x128xf32, #tpu.memory_space<hbm>>) dst(%dma_wait3A_526 : memref<104x128xf32, #tpu.memory_space<vmem>>)
      %scan3A_533 = arith.constant 0 : i32
      %scan3A_534 = arith.constant 0 : i32
      %scan3A_535 = arith.constant 200 : i32
      %scan3A_536 = arith.addi %scan3A_534, %scan3A_535 : i32
      %scan3A_537 = arith.constant 1 : i32
      scf.for %scan3A_548 = %scan3A_534 to %scan3A_536 step %scan3A_537  : i32 {
        %get3A_549 = arith.index_cast %scan3A_548 : i32 to index
        %get3A_550 = arith.constant 0 : index
        %get3A_551 = tpu.vector_load %arg11[%get3A_549, %get3A_550] {strides = array<i32>} : memref<200x64xi32, #tpu.memory_space<vmem>>, vector<1x16xi32>,
        %get3A_552 = vector.shape_cast %get3A_551 : vector<1x16xi32> to vector<16xi32>
        %shift_left3A = arith.constant 16 : i32
        %shift_left3A_553 = vector.broadcast %shift_left3A : i32 to vector<16xi32>
        %shift_left3A_554 = arith.shli %get3A_552, %shift_left3A_553 : vector<16xi32>
        %bitcast_convert_type3A = tpu.bitcast %shift_left3A_554 : vector<16xi32> -> vector<16xf32>
        %and3A = arith.constant -65536 : i32
        %and3A_555 = vector.broadcast %and3A : i32 to vector<16xi32>
        %and3A_556 = arith.andi %get3A_552, %and3A_555 : vector<16xi32>
        %bitcast_convert_type3A_557 = tpu.bitcast %and3A_556 : vector<16xi32> -> vector<16xf32>
        %get3A_558 = arith.index_cast %scan3A_548 : i32 to index
        %get3A_559 = arith.constant 0 : index
        %get3A_560 = tpu.vector_load %arg9[%get3A_558, %get3A_559] {strides = array<i32>} : memref<200x128xf32, #tpu.memory_space<vmem>>, vector<1x16xf32>,
        %get3A_561 = vector.shape_cast %get3A_560 : vector<1x16xf32> to vector<16xf32>
        %gt3A = arith.cmpf ogt, %get3A_561, %get3A_6 : vector<16xf32>
        %jit3A = arith.constant 1.000000e+00 : f32
        %jit3A_562 = arith.constant 0.000000e+00 : f32
        %broadcast_in_dim3A = vector.broadcast %jit3A : f32 to vector<16xf32>
        %broadcast_in_dim3A_563 = vector.broadcast %jit3A_562 : f32 to vector<16xf32>
        %select_n3A = arith.select %gt3A, %broadcast_in_dim3A, %broadcast_in_dim3A_563 : vector<16xi1>, vector<16xf32>
        %add3A_564 = arith.addf %select_n3A, %bitcast_convert_type3A : vector<16xf32>
        %swap3A = arith.index_cast %scan3A_548 : i32 to index
        %swap3A_565 = arith.constant 0 : index
        %swap3A_566 = tpu.vector_load %arg9[%swap3A, %swap3A_565] {strides = array<i32>} : memref<200x128xf32, #tpu.memory_space<vmem>>, vector<1x16xf32>,
        %swap3A_567 = vector.shape_cast %swap3A_566 : vector<1x16xf32> to vector<16xf32>
        %swap3A_568 = vector.shape_cast %add3A_564 : vector<16xf32> to vector<1x16xf32>
        tpu.vector_store %arg9[%swap3A, %swap3A_565], %swap3A_568 {strides = array<i32>} : memref<200x128xf32, #tpu.memory_space<vmem>>, vector<1x16xf32>,
        %get3A_569 = arith.index_cast %scan3A_548 : i32 to index
        %get3A_570 = arith.constant 64 : index
        %get3A_571 = tpu.vector_load %arg9[%get3A_569, %get3A_570] {strides = array<i32>} : memref<200x128xf32, #tpu.memory_space<vmem>>, vector<1x16xf32>,
        %get3A_572 = vector.shape_cast %get3A_571 : vector<1x16xf32> to vector<16xf32>
        %gt3A_573 = arith.cmpf ogt, %get3A_572, %get3A_6 : vector<16xf32>
        %jit3A_574 = arith.constant 1.000000e+00 : f32
        %jit3A_575 = arith.constant 0.000000e+00 : f32
        %broadcast_in_dim3A_576 = vector.broadcast %jit3A_574 : f32 to vector<16xf32>
        %broadcast_in_dim3A_577 = vector.broadcast %jit3A_575 : f32 to vector<16xf32>
        %select_n3A_578 = arith.select %gt3A_573, %broadcast_in_dim3A_576, %broadcast_in_dim3A_577 : vector<16xi1>, vector<16xf32>
        %add3A_579 = arith.addf %select_n3A_578, %bitcast_convert_type3A_557 : vector<16xf32>
        %swap3A_580 = arith.index_cast %scan3A_548 : i32 to index
        %swap3A_581 = arith.constant 64 : index
        %swap3A_582 = tpu.vector_load %arg9[%swap3A_580, %swap3A_581] {strides = array<i32>} : memref<200x128xf32, #tpu.memory_space<vmem>>, vector<1x16xf32>,
        %swap3A_583 = vector.shape_cast %swap3A_582 : vector<1x16xf32> to vector<16xf32>
        %swap3A_584 = vector.shape_cast %add3A_579 : vector<16xf32> to vector<1x16xf32>
        tpu.vector_store %arg9[%swap3A_580, %swap3A_581], %swap3A_584 {strides = array<i32>} : memref<200x128xf32, #tpu.memory_space<vmem>>, vector<1x16xf32>,
        %get3A_585 = arith.index_cast %scan3A_548 : i32 to index
        %get3A_586 = arith.constant 16 : index
        %get3A_587 = tpu.vector_load %arg11[%get3A_585, %get3A_586] {strides = array<i32>} : memref<200x64xi32, #tpu.memory_space<vmem>>, vector<1x16xi32>,
        %get3A_588 = vector.shape_cast %get3A_587 : vector<1x16xi32> to vector<16xi32>
        %shift_left3A_589 = arith.constant 16 : i32
        %shift_left3A_590 = vector.broadcast %shift_left3A_589 : i32 to vector<16xi32>
        %shift_left3A_591 = arith.shli %get3A_588, %shift_left3A_590 : vector<16xi32>
        %bitcast_convert_type3A_592 = tpu.bitcast %shift_left3A_591 : vector<16xi32> -> vector<16xf32>
        %and3A_593 = arith.constant -65536 : i32
        %and3A_594 = vector.broadcast %and3A_593 : i32 to vector<16xi32>
        %and3A_595 = arith.andi %get3A_588, %and3A_594 : vector<16xi32>
        %bitcast_convert_type3A_596 = tpu.bitcast %and3A_595 : vector<16xi32> -> vector<16xf32>
        %get3A_597 = arith.index_cast %scan3A_548 : i32 to index
        %get3A_598 = arith.constant 16 : index
        %get3A_599 = tpu.vector_load %arg9[%get3A_597, %get3A_598] {strides = array<i32>} : memref<200x128xf32, #tpu.memory_space<vmem>>, vector<1x16xf32>,
        %get3A_600 = vector.shape_cast %get3A_599 : vector<1x16xf32> to vector<16xf32>
        %gt3A_601 = arith.cmpf ogt, %get3A_600, %get3A_6 : vector<16xf32>
        %jit3A_602 = arith.constant 1.000000e+00 : f32
        %jit3A_603 = arith.constant 0.000000e+00 : f32
        %broadcast_in_dim3A_604 = vector.broadcast %jit3A_602 : f32 to vector<16xf32>
        %broadcast_in_dim3A_605 = vector.broadcast %jit3A_603 : f32 to vector<16xf32>
        %select_n3A_606 = arith.select %gt3A_601, %broadcast_in_dim3A_604, %broadcast_in_dim3A_605 : vector<16xi1>, vector<16xf32>
        %add3A_607 = arith.addf %select_n3A_606, %bitcast_convert_type3A_592 : vector<16xf32>
        %swap3A_608 = arith.index_cast %scan3A_548 : i32 to index
        %swap3A_609 = arith.constant 16 : index
        %swap3A_610 = tpu.vector_load %arg9[%swap3A_608, %swap3A_609] {strides = array<i32>} : memref<200x128xf32, #tpu.memory_space<vmem>>, vector<1x16xf32>,
        %swap3A_611 = vector.shape_cast %swap3A_610 : vector<1x16xf32> to vector<16xf32>
        %swap3A_612 = vector.shape_cast %add3A_607 : vector<16xf32> to vector<1x16xf32>
        tpu.vector_store %arg9[%swap3A_608, %swap3A_609], %swap3A_612 {strides = array<i32>} : memref<200x128xf32, #tpu.memory_space<vmem>>, vector<1x16xf32>,
        %get3A_613 = arith.index_cast %scan3A_548 : i32 to index
        %get3A_614 = arith.constant 80 : index
        %get3A_615 = tpu.vector_load %arg9[%get3A_613, %get3A_614] {strides = array<i32>} : memref<200x128xf32, #tpu.memory_space<vmem>>, vector<1x16xf32>,
        %get3A_616 = vector.shape_cast %get3A_615 : vector<1x16xf32> to vector<16xf32>
        %gt3A_617 = arith.cmpf ogt, %get3A_616, %get3A_6 : vector<16xf32>
        %jit3A_618 = arith.constant 1.000000e+00 : f32
        %jit3A_619 = arith.constant 0.000000e+00 : f32
        %broadcast_in_dim3A_620 = vector.broadcast %jit3A_618 : f32 to vector<16xf32>
        %broadcast_in_dim3A_621 = vector.broadcast %jit3A_619 : f32 to vector<16xf32>
        %select_n3A_622 = arith.select %gt3A_617, %broadcast_in_dim3A_620, %broadcast_in_dim3A_621 : vector<16xi1>, vector<16xf32>
        %add3A_623 = arith.addf %select_n3A_622, %bitcast_convert_type3A_596 : vector<16xf32>
        %swap3A_624 = arith.index_cast %scan3A_548 : i32 to index
        %swap3A_625 = arith.constant 80 : index
        %swap3A_626 = tpu.vector_load %arg9[%swap3A_624, %swap3A_625] {strides = array<i32>} : memref<200x128xf32, #tpu.memory_space<vmem>>, vector<1x16xf32>,
        %swap3A_627 = vector.shape_cast %swap3A_626 : vector<1x16xf32> to vector<16xf32>
        %swap3A_628 = vector.shape_cast %add3A_623 : vector<16xf32> to vector<1x16xf32>
        tpu.vector_store %arg9[%swap3A_624, %swap3A_625], %swap3A_628 {strides = array<i32>} : memref<200x128xf32, #tpu.memory_space<vmem>>, vector<1x16xf32>,
        %get3A_629 = arith.index_cast %scan3A_548 : i32 to index
        %get3A_630 = arith.constant 32 : index
        %get3A_631 = tpu.vector_load %arg11[%get3A_629, %get3A_630] {strides = array<i32>} : memref<200x64xi32, #tpu.memory_space<vmem>>, vector<1x16xi32>,
        %get3A_632 = vector.shape_cast %get3A_631 : vector<1x16xi32> to vector<16xi32>
        %shift_left3A_633 = arith.constant 16 : i32
        %shift_left3A_634 = vector.broadcast %shift_left3A_633 : i32 to vector<16xi32>
        %shift_left3A_635 = arith.shli %get3A_632, %shift_left3A_634 : vector<16xi32>
        %bitcast_convert_type3A_636 = tpu.bitcast %shift_left3A_635 : vector<16xi32> -> vector<16xf32>
        %and3A_637 = arith.constant -65536 : i32
        %and3A_638 = vector.broadcast %and3A_637 : i32 to vector<16xi32>
        %and3A_639 = arith.andi %get3A_632, %and3A_638 : vector<16xi32>
        %bitcast_convert_type3A_640 = tpu.bitcast %and3A_639 : vector<16xi32> -> vector<16xf32>
        %get3A_641 = arith.index_cast %scan3A_548 : i32 to index
        %get3A_642 = arith.constant 32 : index
        %get3A_643 = tpu.vector_load %arg9[%get3A_641, %get3A_642] {strides = array<i32>} : memref<200x128xf32, #tpu.memory_space<vmem>>, vector<1x16xf32>,
        %get3A_644 = vector.shape_cast %get3A_643 : vector<1x16xf32> to vector<16xf32>
        %gt3A_645 = arith.cmpf ogt, %get3A_644, %get3A_6 : vector<16xf32>
        %jit3A_646 = arith.constant 1.000000e+00 : f32
        %jit3A_647 = arith.constant 0.000000e+00 : f32
        %broadcast_in_dim3A_648 = vector.broadcast %jit3A_646 : f32 to vector<16xf32>
        %broadcast_in_dim3A_649 = vector.broadcast %jit3A_647 : f32 to vector<16xf32>
        %select_n3A_650 = arith.select %gt3A_645, %broadcast_in_dim3A_648, %broadcast_in_dim3A_649 : vector<16xi1>, vector<16xf32>
        %add3A_651 = arith.addf %select_n3A_650, %bitcast_convert_type3A_636 : vector<16xf32>
        %swap3A_652 = arith.index_cast %scan3A_548 : i32 to index
        %swap3A_653 = arith.constant 32 : index
        %swap3A_654 = tpu.vector_load %arg9[%swap3A_652, %swap3A_653] {strides = array<i32>} : memref<200x128xf32, #tpu.memory_space<vmem>>, vector<1x16xf32>,
        %swap3A_655 = vector.shape_cast %swap3A_654 : vector<1x16xf32> to vector<16xf32>
        %swap3A_656 = vector.shape_cast %add3A_651 : vector<16xf32> to vector<1x16xf32>
        tpu.vector_store %arg9[%swap3A_652, %swap3A_653], %swap3A_656 {strides = array<i32>} : memref<200x128xf32, #tpu.memory_space<vmem>>, vector<1x16xf32>,
        %get3A_657 = arith.index_cast %scan3A_548 : i32 to index
        %get3A_658 = arith.constant 96 : index
        %get3A_659 = tpu.vector_load %arg9[%get3A_657, %get3A_658] {strides = array<i32>} : memref<200x128xf32, #tpu.memory_space<vmem>>, vector<1x16xf32>,
        %get3A_660 = vector.shape_cast %get3A_659 : vector<1x16xf32> to vector<16xf32>
        %gt3A_661 = arith.cmpf ogt, %get3A_660, %get3A_6 : vector<16xf32>
        %jit3A_662 = arith.constant 1.000000e+00 : f32
        %jit3A_663 = arith.constant 0.000000e+00 : f32
        %broadcast_in_dim3A_664 = vector.broadcast %jit3A_662 : f32 to vector<16xf32>
        %broadcast_in_dim3A_665 = vector.broadcast %jit3A_663 : f32 to vector<16xf32>
        %select_n3A_666 = arith.select %gt3A_661, %broadcast_in_dim3A_664, %broadcast_in_dim3A_665 : vector<16xi1>, vector<16xf32>
        %add3A_667 = arith.addf %select_n3A_666, %bitcast_convert_type3A_640 : vector<16xf32>
        %swap3A_668 = arith.index_cast %scan3A_548 : i32 to index
        %swap3A_669 = arith.constant 96 : index
        %swap3A_670 = tpu.vector_load %arg9[%swap3A_668, %swap3A_669] {strides = array<i32>} : memref<200x128xf32, #tpu.memory_space<vmem>>, vector<1x16xf32>,
        %swap3A_671 = vector.shape_cast %swap3A_670 : vector<1x16xf32> to vector<16xf32>
        %swap3A_672 = vector.shape_cast %add3A_667 : vector<16xf32> to vector<1x16xf32>
        tpu.vector_store %arg9[%swap3A_668, %swap3A_669], %swap3A_672 {strides = array<i32>} : memref<200x128xf32, #tpu.memory_space<vmem>>, vector<1x16xf32>,
        %get3A_673 = arith.index_cast %scan3A_548 : i32 to index
        %get3A_674 = arith.constant 48 : index
        %get3A_675 = tpu.vector_load %arg11[%get3A_673, %get3A_674] {strides = array<i32>} : memref<200x64xi32, #tpu.memory_space<vmem>>, vector<1x16xi32>,
        %get3A_676 = vector.shape_cast %get3A_675 : vector<1x16xi32> to vector<16xi32>
        %shift_left3A_677 = arith.constant 16 : i32
        %shift_left3A_678 = vector.broadcast %shift_left3A_677 : i32 to vector<16xi32>
        %shift_left3A_679 = arith.shli %get3A_676, %shift_left3A_678 : vector<16xi32>
        %bitcast_convert_type3A_680 = tpu.bitcast %shift_left3A_679 : vector<16xi32> -> vector<16xf32>
        %and3A_681 = arith.constant -65536 : i32
        %and3A_682 = vector.broadcast %and3A_681 : i32 to vector<16xi32>
        %and3A_683 = arith.andi %get3A_676, %and3A_682 : vector<16xi32>
        %bitcast_convert_type3A_684 = tpu.bitcast %and3A_683 : vector<16xi32> -> vector<16xf32>
        %get3A_685 = arith.index_cast %scan3A_548 : i32 to index
        %get3A_686 = arith.constant 48 : index
        %get3A_687 = tpu.vector_load %arg9[%get3A_685, %get3A_686] {strides = array<i32>} : memref<200x128xf32, #tpu.memory_space<vmem>>, vector<1x16xf32>,
        %get3A_688 = vector.shape_cast %get3A_687 : vector<1x16xf32> to vector<16xf32>
        %gt3A_689 = arith.cmpf ogt, %get3A_688, %get3A_6 : vector<16xf32>
        %jit3A_690 = arith.constant 1.000000e+00 : f32
        %jit3A_691 = arith.constant 0.000000e+00 : f32
        %broadcast_in_dim3A_692 = vector.broadcast %jit3A_690 : f32 to vector<16xf32>
        %broadcast_in_dim3A_693 = vector.broadcast %jit3A_691 : f32 to vector<16xf32>
        %select_n3A_694 = arith.select %gt3A_689, %broadcast_in_dim3A_692, %broadcast_in_dim3A_693 : vector<16xi1>, vector<16xf32>
        %add3A_695 = arith.addf %select_n3A_694, %bitcast_convert_type3A_680 : vector<16xf32>
        %swap3A_696 = arith.index_cast %scan3A_548 : i32 to index
        %swap3A_697 = arith.constant 48 : index
        %swap3A_698 = tpu.vector_load %arg9[%swap3A_696, %swap3A_697] {strides = array<i32>} : memref<200x128xf32, #tpu.memory_space<vmem>>, vector<1x16xf32>,
        %swap3A_699 = vector.shape_cast %swap3A_698 : vector<1x16xf32> to vector<16xf32>
        %swap3A_700 = vector.shape_cast %add3A_695 : vector<16xf32> to vector<1x16xf32>
        tpu.vector_store %arg9[%swap3A_696, %swap3A_697], %swap3A_700 {strides = array<i32>} : memref<200x128xf32, #tpu.memory_space<vmem>>, vector<1x16xf32>,
        %get3A_701 = arith.index_cast %scan3A_548 : i32 to index
        %get3A_702 = arith.constant 112 : index
        %get3A_703 = tpu.vector_load %arg9[%get3A_701, %get3A_702] {strides = array<i32>} : memref<200x128xf32, #tpu.memory_space<vmem>>, vector<1x16xf32>,
        %get3A_704 = vector.shape_cast %get3A_703 : vector<1x16xf32> to vector<16xf32>
        %gt3A_705 = arith.cmpf ogt, %get3A_704, %get3A_6 : vector<16xf32>
        %jit3A_706 = arith.constant 1.000000e+00 : f32
        %jit3A_707 = arith.constant 0.000000e+00 : f32
        %broadcast_in_dim3A_708 = vector.broadcast %jit3A_706 : f32 to vector<16xf32>
        %broadcast_in_dim3A_709 = vector.broadcast %jit3A_707 : f32 to vector<16xf32>
        %select_n3A_710 = arith.select %gt3A_705, %broadcast_in_dim3A_708, %broadcast_in_dim3A_709 : vector<16xi1>, vector<16xf32>
        %add3A_711 = arith.addf %select_n3A_710, %bitcast_convert_type3A_684 : vector<16xf32>
        %swap3A_712 = arith.index_cast %scan3A_548 : i32 to index
        %swap3A_713 = arith.constant 112 : index
        %swap3A_714 = tpu.vector_load %arg9[%swap3A_712, %swap3A_713] {strides = array<i32>} : memref<200x128xf32, #tpu.memory_space<vmem>>, vector<1x16xf32>,
        %swap3A_715 = vector.shape_cast %swap3A_714 : vector<1x16xf32> to vector<16xf32>
        %swap3A_716 = vector.shape_cast %add3A_711 : vector<16xf32> to vector<1x16xf32>
        tpu.vector_store %arg9[%swap3A_712, %swap3A_713], %swap3A_716 {strides = array<i32>} : memref<200x128xf32, #tpu.memory_space<vmem>>, vector<1x16xf32>,
      }
      %scan3A_538 = arith.constant 200 : i32
      %add3A_539 = arith.addi %mul3A_2, %add3A_478 : i32
      %dma_start3A_540 = arith.constant 0 : i32
      %dma_start3A_541 = arith.constant 0 : i32
      %dma_start3A_542 = tpu.memref_slice %arg6[%add3A_539, %dma_start3A_540, %dma_start3A_541] : memref<1024x200x128xf32, #tpu.memory_space<hbm>> -> memref<1x200x128xf32, #tpu.memory_space<hbm>>
      %dma_start3A_543 = tpu.memref_squeeze %dma_start3A_542 : memref<1x200x128xf32, #tpu.memory_space<hbm>> -> memref<200x128xf32, #tpu.memory_space<hbm>>
      %dma_start3A_544 = arith.constant 0 : i32
      %dma_start3A_545 = arith.constant 0 : i32
      %dma_start3A_546 = tpu.memref_slice %arg6[%add3A_539, %dma_start3A_544, %dma_start3A_545] : memref<1024x200x128xf32, #tpu.memory_space<hbm>> -> memref<1x200x128xf32, #tpu.memory_space<hbm>>
      %dma_start3A_547 = tpu.memref_squeeze %dma_start3A_546 : memref<1x200x128xf32, #tpu.memory_space<hbm>> -> memref<200x128xf32, #tpu.memory_space<hbm>>
      tpu.enqueue_dma source(%arg9 : memref<200x128xf32, #tpu.memory_space<vmem>>) target(%dma_start3A_547 : memref<200x128xf32, #tpu.memory_space<hbm>>) target_semaphore(%arg17 : memref<!tpu.dma_semaphore, #tpu.memory_space<semaphore_mem>>)
    }
    %scan3A_141 = arith.constant 9 : i32
    %dma_wait3A_142 = arith.constant 0 : i32
    %dma_wait3A_143 = arith.constant 0 : i32
    %dma_wait3A_144 = tpu.memref_slice %arg6[%mul3A_2, %dma_wait3A_142, %dma_wait3A_143] : memref<1024x200x128xf32, #tpu.memory_space<hbm>> -> memref<1x200x128xf32, #tpu.memory_space<hbm>>
    %dma_wait3A_145 = tpu.memref_squeeze %dma_wait3A_144 : memref<1x200x128xf32, #tpu.memory_space<hbm>> -> memref<200x128xf32, #tpu.memory_space<hbm>>
    %dma_wait3A_146 = arith.constant 0 : i32
    %dma_wait3A_147 = arith.constant 0 : i32
    %dma_wait3A_148 = tpu.memref_slice %arg6[%mul3A_2, %dma_wait3A_146, %dma_wait3A_147] : memref<1024x200x128xf32, #tpu.memory_space<hbm>> -> memref<1x200x128xf32, #tpu.memory_space<hbm>>
    %dma_wait3A_149 = tpu.memref_squeeze %dma_wait3A_148 : memref<1x200x128xf32, #tpu.memory_space<hbm>> -> memref<200x128xf32, #tpu.memory_space<hbm>>
    tpu.wait_dma2 semaphore(%arg16 : memref<!tpu.dma_semaphore, #tpu.memory_space<semaphore_mem>>) src(%arg8 : memref<200x128xf32, #tpu.memory_space<vmem>>) dst(%dma_wait3A_149 : memref<200x128xf32, #tpu.memory_space<hbm>>)
    %dma_start3A_150 = arith.constant 60 : i32
    %dma_start3A_151 = arith.constant 0 : i32
    %dma_start3A_152 = arith.constant 0 : i32
    %dma_start3A_153 = tpu.memref_slice %arg8[%dma_start3A_151, %dma_start3A_152] : memref<200x128xf32, #tpu.memory_space<vmem>> -> memref<104x128xf32, #tpu.memory_space<vmem>>
    %dma_start3A_154 = arith.constant 0 : i32
    %dma_start3A_155 = tpu.memref_slice %arg7[%dma_start3A_150, %dma_start3A_154] : memref<64x104xi32, #tpu.memory_space<vmem>> -> memref<1x104xi32, #tpu.memory_space<vmem>>
    %dma_start3A_156 = tpu.memref_squeeze %dma_start3A_155 : memref<1x104xi32, #tpu.memory_space<vmem>> -> memref<104xi32, #tpu.memory_space<vmem>>
    %dma_start3A_157 = arith.constant 0 : i32
    %dma_start3A_158 = arith.constant 0 : i32
    %dma_start3A_159 = tpu.memref_slice %arg3[%dma_start3A_157, %dma_start3A_158] : memref<100000x128xf32, #tpu.memory_space<hbm>> -> memref<100000x128xf32, #tpu.memory_space<hbm>>
    tpu.enqueue_indirect_dma source(%dma_start3A_159 : memref<100000x128xf32, #tpu.memory_space<hbm>>) target(%dma_start3A_153 : memref<104x128xf32, #tpu.memory_space<vmem>>) offsets(%dma_start3A_156 : memref<104xi32, #tpu.memory_space<vmem>>) semaphore(%arg13 : memref<!tpu.dma_semaphore, #tpu.memory_space<semaphore_mem>>)
    %dma_start3A_160 = arith.constant 61 : i32
    %dma_start3A_161 = arith.constant 96 : i32
    %dma_start3A_162 = arith.constant 0 : i32
    %dma_start3A_163 = tpu.memref_slice %arg8[%dma_start3A_161, %dma_start3A_162] : memref<200x128xf32, #tpu.memory_space<vmem>> -> memref<104x128xf32, #tpu.memory_space<vmem>>
    %dma_start3A_164 = arith.constant 0 : i32
    %dma_start3A_165 = tpu.memref_slice %arg7[%dma_start3A_160, %dma_start3A_164] : memref<64x104xi32, #tpu.memory_space<vmem>> -> memref<1x104xi32, #tpu.memory_space<vmem>>
    %dma_start3A_166 = tpu.memref_squeeze %dma_start3A_165 : memref<1x104xi32, #tpu.memory_space<vmem>> -> memref<104xi32, #tpu.memory_space<vmem>>
    %dma_start3A_167 = arith.constant 0 : i32
    %dma_start3A_168 = arith.constant 0 : i32
    %dma_start3A_169 = tpu.memref_slice %arg3[%dma_start3A_167, %dma_start3A_168] : memref<100000x128xf32, #tpu.memory_space<hbm>> -> memref<100000x128xf32, #tpu.memory_space<hbm>>
    tpu.enqueue_indirect_dma source(%dma_start3A_169 : memref<100000x128xf32, #tpu.memory_space<hbm>>) target(%dma_start3A_163 : memref<104x128xf32, #tpu.memory_space<vmem>>) offsets(%dma_start3A_166 : memref<104xi32, #tpu.memory_space<vmem>>) semaphore(%arg13 : memref<!tpu.dma_semaphore, #tpu.memory_space<semaphore_mem>>)
    %dma_wait3A_170 = arith.constant 0 : i32
    %dma_wait3A_171 = arith.constant 0 : i32
    %dma_wait3A_172 = arith.constant 0 : i32
    %dma_wait3A_173 = tpu.memref_slice %arg10[%dma_wait3A_171, %dma_wait3A_172] : memref<200x128xf32, #tpu.memory_space<vmem>> -> memref<104x128xf32, #tpu.memory_space<vmem>>
    %dma_wait3A_174 = arith.constant 0 : i32
    %dma_wait3A_175 = tpu.memref_slice %arg7[%dma_wait3A_170, %dma_wait3A_174] : memref<64x104xi32, #tpu.memory_space<vmem>> -> memref<1x104xi32, #tpu.memory_space<vmem>>
    %dma_wait3A_176 = tpu.memref_squeeze %dma_wait3A_175 : memref<1x104xi32, #tpu.memory_space<vmem>> -> memref<104xi32, #tpu.memory_space<vmem>>
    %dma_wait3A_177 = arith.constant 0 : i32
    %dma_wait3A_178 = arith.constant 0 : i32
    %dma_wait3A_179 = tpu.memref_slice %arg3[%dma_wait3A_177, %dma_wait3A_178] : memref<100000x128xf32, #tpu.memory_space<hbm>> -> memref<100000x128xf32, #tpu.memory_space<hbm>>
    tpu.wait_indirect_dma semaphore(%arg15 : memref<!tpu.dma_semaphore, #tpu.memory_space<semaphore_mem>>) src(%dma_wait3A_179 : memref<100000x128xf32, #tpu.memory_space<hbm>>) dst(%dma_wait3A_173 : memref<104x128xf32, #tpu.memory_space<vmem>>)
    %dma_wait3A_180 = arith.constant 0 : i32
    %dma_wait3A_181 = arith.constant 96 : i32
    %dma_wait3A_182 = arith.constant 0 : i32
    %dma_wait3A_183 = tpu.memref_slice %arg10[%dma_wait3A_181, %dma_wait3A_182] : memref<200x128xf32, #tpu.memory_space<vmem>> -> memref<104x128xf32, #tpu.memory_space<vmem>>
    %dma_wait3A_184 = arith.constant 0 : i32
    %dma_wait3A_185 = tpu.memref_slice %arg7[%dma_wait3A_180, %dma_wait3A_184] : memref<64x104xi32, #tpu.memory_space<vmem>> -> memref<1x104xi32, #tpu.memory_space<vmem>>
    %dma_wait3A_186 = tpu.memref_squeeze %dma_wait3A_185 : memref<1x104xi32, #tpu.memory_space<vmem>> -> memref<104xi32, #tpu.memory_space<vmem>>
    %dma_wait3A_187 = arith.constant 0 : i32
    %dma_wait3A_188 = arith.constant 0 : i32
    %dma_wait3A_189 = tpu.memref_slice %arg3[%dma_wait3A_187, %dma_wait3A_188] : memref<100000x128xf32, #tpu.memory_space<hbm>> -> memref<100000x128xf32, #tpu.memory_space<hbm>>
    tpu.wait_indirect_dma semaphore(%arg15 : memref<!tpu.dma_semaphore, #tpu.memory_space<semaphore_mem>>) src(%dma_wait3A_189 : memref<100000x128xf32, #tpu.memory_space<hbm>>) dst(%dma_wait3A_183 : memref<104x128xf32, #tpu.memory_space<vmem>>)
    %scan3A_190 = arith.constant 0 : i32
    %scan3A_191 = arith.constant 0 : i32
    %scan3A_192 = arith.constant 200 : i32
    %scan3A_193 = arith.addi %scan3A_191, %scan3A_192 : i32
    %scan3A_194 = arith.constant 1 : i32
    scf.for %scan3A_330 = %scan3A_191 to %scan3A_193 step %scan3A_194  : i32 {
      %get3A_331 = arith.index_cast %scan3A_330 : i32 to index
      %get3A_332 = arith.constant 0 : index
      %get3A_333 = tpu.vector_load %arg11[%get3A_331, %get3A_332] {strides = array<i32>} : memref<200x64xi32, #tpu.memory_space<vmem>>, vector<1x16xi32>,
      %get3A_334 = vector.shape_cast %get3A_333 : vector<1x16xi32> to vector<16xi32>
      %shift_left3A = arith.constant 16 : i32
      %shift_left3A_335 = vector.broadcast %shift_left3A : i32 to vector<16xi32>
      %shift_left3A_336 = arith.shli %get3A_334, %shift_left3A_335 : vector<16xi32>
      %bitcast_convert_type3A = tpu.bitcast %shift_left3A_336 : vector<16xi32> -> vector<16xf32>
      %and3A = arith.constant -65536 : i32
      %and3A_337 = vector.broadcast %and3A : i32 to vector<16xi32>
      %and3A_338 = arith.andi %get3A_334, %and3A_337 : vector<16xi32>
      %bitcast_convert_type3A_339 = tpu.bitcast %and3A_338 : vector<16xi32> -> vector<16xf32>
      %get3A_340 = arith.index_cast %scan3A_330 : i32 to index
      %get3A_341 = arith.constant 0 : index
      %get3A_342 = tpu.vector_load %arg10[%get3A_340, %get3A_341] {strides = array<i32>} : memref<200x128xf32, #tpu.memory_space<vmem>>, vector<1x16xf32>,
      %get3A_343 = vector.shape_cast %get3A_342 : vector<1x16xf32> to vector<16xf32>
      %gt3A = arith.cmpf ogt, %get3A_343, %get3A_6 : vector<16xf32>
      %jit3A = arith.constant 1.000000e+00 : f32
      %jit3A_344 = arith.constant 0.000000e+00 : f32
      %broadcast_in_dim3A = vector.broadcast %jit3A : f32 to vector<16xf32>
      %broadcast_in_dim3A_345 = vector.broadcast %jit3A_344 : f32 to vector<16xf32>
      %select_n3A = arith.select %gt3A, %broadcast_in_dim3A, %broadcast_in_dim3A_345 : vector<16xi1>, vector<16xf32>
      %add3A_346 = arith.addf %select_n3A, %bitcast_convert_type3A : vector<16xf32>
      %swap3A = arith.index_cast %scan3A_330 : i32 to index
      %swap3A_347 = arith.constant 0 : index
      %swap3A_348 = tpu.vector_load %arg10[%swap3A, %swap3A_347] {strides = array<i32>} : memref<200x128xf32, #tpu.memory_space<vmem>>, vector<1x16xf32>,
      %swap3A_349 = vector.shape_cast %swap3A_348 : vector<1x16xf32> to vector<16xf32>
      %swap3A_350 = vector.shape_cast %add3A_346 : vector<16xf32> to vector<1x16xf32>
      tpu.vector_store %arg10[%swap3A, %swap3A_347], %swap3A_350 {strides = array<i32>} : memref<200x128xf32, #tpu.memory_space<vmem>>, vector<1x16xf32>,
      %get3A_351 = arith.index_cast %scan3A_330 : i32 to index
      %get3A_352 = arith.constant 64 : index
      %get3A_353 = tpu.vector_load %arg10[%get3A_351, %get3A_352] {strides = array<i32>} : memref<200x128xf32, #tpu.memory_space<vmem>>, vector<1x16xf32>,
      %get3A_354 = vector.shape_cast %get3A_353 : vector<1x16xf32> to vector<16xf32>
      %gt3A_355 = arith.cmpf ogt, %get3A_354, %get3A_6 : vector<16xf32>
      %jit3A_356 = arith.constant 1.000000e+00 : f32
      %jit3A_357 = arith.constant 0.000000e+00 : f32
      %broadcast_in_dim3A_358 = vector.broadcast %jit3A_356 : f32 to vector<16xf32>
      %broadcast_in_dim3A_359 = vector.broadcast %jit3A_357 : f32 to vector<16xf32>
      %select_n3A_360 = arith.select %gt3A_355, %broadcast_in_dim3A_358, %broadcast_in_dim3A_359 : vector<16xi1>, vector<16xf32>
      %add3A_361 = arith.addf %select_n3A_360, %bitcast_convert_type3A_339 : vector<16xf32>
      %swap3A_362 = arith.index_cast %scan3A_330 : i32 to index
      %swap3A_363 = arith.constant 64 : index
      %swap3A_364 = tpu.vector_load %arg10[%swap3A_362, %swap3A_363] {strides = array<i32>} : memref<200x128xf32, #tpu.memory_space<vmem>>, vector<1x16xf32>,
      %swap3A_365 = vector.shape_cast %swap3A_364 : vector<1x16xf32> to vector<16xf32>
      %swap3A_366 = vector.shape_cast %add3A_361 : vector<16xf32> to vector<1x16xf32>
      tpu.vector_store %arg10[%swap3A_362, %swap3A_363], %swap3A_366 {strides = array<i32>} : memref<200x128xf32, #tpu.memory_space<vmem>>, vector<1x16xf32>,
      %get3A_367 = arith.index_cast %scan3A_330 : i32 to index
      %get3A_368 = arith.constant 16 : index
      %get3A_369 = tpu.vector_load %arg11[%get3A_367, %get3A_368] {strides = array<i32>} : memref<200x64xi32, #tpu.memory_space<vmem>>, vector<1x16xi32>,
      %get3A_370 = vector.shape_cast %get3A_369 : vector<1x16xi32> to vector<16xi32>
      %shift_left3A_371 = arith.constant 16 : i32
      %shift_left3A_372 = vector.broadcast %shift_left3A_371 : i32 to vector<16xi32>
      %shift_left3A_373 = arith.shli %get3A_370, %shift_left3A_372 : vector<16xi32>
      %bitcast_convert_type3A_374 = tpu.bitcast %shift_left3A_373 : vector<16xi32> -> vector<16xf32>
      %and3A_375 = arith.constant -65536 : i32
      %and3A_376 = vector.broadcast %and3A_375 : i32 to vector<16xi32>
      %and3A_377 = arith.andi %get3A_370, %and3A_376 : vector<16xi32>
      %bitcast_convert_type3A_378 = tpu.bitcast %and3A_377 : vector<16xi32> -> vector<16xf32>
      %get3A_379 = arith.index_cast %scan3A_330 : i32 to index
      %get3A_380 = arith.constant 16 : index
      %get3A_381 = tpu.vector_load %arg10[%get3A_379, %get3A_380] {strides = array<i32>} : memref<200x128xf32, #tpu.memory_space<vmem>>, vector<1x16xf32>,
      %get3A_382 = vector.shape_cast %get3A_381 : vector<1x16xf32> to vector<16xf32>
      %gt3A_383 = arith.cmpf ogt, %get3A_382, %get3A_6 : vector<16xf32>
      %jit3A_384 = arith.constant 1.000000e+00 : f32
      %jit3A_385 = arith.constant 0.000000e+00 : f32
      %broadcast_in_dim3A_386 = vector.broadcast %jit3A_384 : f32 to vector<16xf32>
      %broadcast_in_dim3A_387 = vector.broadcast %jit3A_385 : f32 to vector<16xf32>
      %select_n3A_388 = arith.select %gt3A_383, %broadcast_in_dim3A_386, %broadcast_in_dim3A_387 : vector<16xi1>, vector<16xf32>
      %add3A_389 = arith.addf %select_n3A_388, %bitcast_convert_type3A_374 : vector<16xf32>
      %swap3A_390 = arith.index_cast %scan3A_330 : i32 to index
      %swap3A_391 = arith.constant 16 : index
      %swap3A_392 = tpu.vector_load %arg10[%swap3A_390, %swap3A_391] {strides = array<i32>} : memref<200x128xf32, #tpu.memory_space<vmem>>, vector<1x16xf32>,
      %swap3A_393 = vector.shape_cast %swap3A_392 : vector<1x16xf32> to vector<16xf32>
      %swap3A_394 = vector.shape_cast %add3A_389 : vector<16xf32> to vector<1x16xf32>
      tpu.vector_store %arg10[%swap3A_390, %swap3A_391], %swap3A_394 {strides = array<i32>} : memref<200x128xf32, #tpu.memory_space<vmem>>, vector<1x16xf32>,
      %get3A_395 = arith.index_cast %scan3A_330 : i32 to index
      %get3A_396 = arith.constant 80 : index
      %get3A_397 = tpu.vector_load %arg10[%get3A_395, %get3A_396] {strides = array<i32>} : memref<200x128xf32, #tpu.memory_space<vmem>>, vector<1x16xf32>,
      %get3A_398 = vector.shape_cast %get3A_397 : vector<1x16xf32> to vector<16xf32>
      %gt3A_399 = arith.cmpf ogt, %get3A_398, %get3A_6 : vector<16xf32>
      %jit3A_400 = arith.constant 1.000000e+00 : f32
      %jit3A_401 = arith.constant 0.000000e+00 : f32
      %broadcast_in_dim3A_402 = vector.broadcast %jit3A_400 : f32 to vector<16xf32>
      %broadcast_in_dim3A_403 = vector.broadcast %jit3A_401 : f32 to vector<16xf32>
      %select_n3A_404 = arith.select %gt3A_399, %broadcast_in_dim3A_402, %broadcast_in_dim3A_403 : vector<16xi1>, vector<16xf32>
      %add3A_405 = arith.addf %select_n3A_404, %bitcast_convert_type3A_378 : vector<16xf32>
      %swap3A_406 = arith.index_cast %scan3A_330 : i32 to index
      %swap3A_407 = arith.constant 80 : index
      %swap3A_408 = tpu.vector_load %arg10[%swap3A_406, %swap3A_407] {strides = array<i32>} : memref<200x128xf32, #tpu.memory_space<vmem>>, vector<1x16xf32>,
      %swap3A_409 = vector.shape_cast %swap3A_408 : vector<1x16xf32> to vector<16xf32>
      %swap3A_410 = vector.shape_cast %add3A_405 : vector<16xf32> to vector<1x16xf32>
      tpu.vector_store %arg10[%swap3A_406, %swap3A_407], %swap3A_410 {strides = array<i32>} : memref<200x128xf32, #tpu.memory_space<vmem>>, vector<1x16xf32>,
      %get3A_411 = arith.index_cast %scan3A_330 : i32 to index
      %get3A_412 = arith.constant 32 : index
      %get3A_413 = tpu.vector_load %arg11[%get3A_411, %get3A_412] {strides = array<i32>} : memref<200x64xi32, #tpu.memory_space<vmem>>, vector<1x16xi32>,
      %get3A_414 = vector.shape_cast %get3A_413 : vector<1x16xi32> to vector<16xi32>
      %shift_left3A_415 = arith.constant 16 : i32
      %shift_left3A_416 = vector.broadcast %shift_left3A_415 : i32 to vector<16xi32>
      %shift_left3A_417 = arith.shli %get3A_414, %shift_left3A_416 : vector<16xi32>
      %bitcast_convert_type3A_418 = tpu.bitcast %shift_left3A_417 : vector<16xi32> -> vector<16xf32>
      %and3A_419 = arith.constant -65536 : i32
      %and3A_420 = vector.broadcast %and3A_419 : i32 to vector<16xi32>
      %and3A_421 = arith.andi %get3A_414, %and3A_420 : vector<16xi32>
      %bitcast_convert_type3A_422 = tpu.bitcast %and3A_421 : vector<16xi32> -> vector<16xf32>
      %get3A_423 = arith.index_cast %scan3A_330 : i32 to index
      %get3A_424 = arith.constant 32 : index
      %get3A_425 = tpu.vector_load %arg10[%get3A_423, %get3A_424] {strides = array<i32>} : memref<200x128xf32, #tpu.memory_space<vmem>>, vector<1x16xf32>,
      %get3A_426 = vector.shape_cast %get3A_425 : vector<1x16xf32> to vector<16xf32>
      %gt3A_427 = arith.cmpf ogt, %get3A_426, %get3A_6 : vector<16xf32>
      %jit3A_428 = arith.constant 1.000000e+00 : f32
      %jit3A_429 = arith.constant 0.000000e+00 : f32
      %broadcast_in_dim3A_430 = vector.broadcast %jit3A_428 : f32 to vector<16xf32>
      %broadcast_in_dim3A_431 = vector.broadcast %jit3A_429 : f32 to vector<16xf32>
      %select_n3A_432 = arith.select %gt3A_427, %broadcast_in_dim3A_430, %broadcast_in_dim3A_431 : vector<16xi1>, vector<16xf32>
      %add3A_433 = arith.addf %select_n3A_432, %bitcast_convert_type3A_418 : vector<16xf32>
      %swap3A_434 = arith.index_cast %scan3A_330 : i32 to index
      %swap3A_435 = arith.constant 32 : index
      %swap3A_436 = tpu.vector_load %arg10[%swap3A_434, %swap3A_435] {strides = array<i32>} : memref<200x128xf32, #tpu.memory_space<vmem>>, vector<1x16xf32>,
      %swap3A_437 = vector.shape_cast %swap3A_436 : vector<1x16xf32> to vector<16xf32>
      %swap3A_438 = vector.shape_cast %add3A_433 : vector<16xf32> to vector<1x16xf32>
      tpu.vector_store %arg10[%swap3A_434, %swap3A_435], %swap3A_438 {strides = array<i32>} : memref<200x128xf32, #tpu.memory_space<vmem>>, vector<1x16xf32>,
      %get3A_439 = arith.index_cast %scan3A_330 : i32 to index
      %get3A_440 = arith.constant 96 : index
      %get3A_441 = tpu.vector_load %arg10[%get3A_439, %get3A_440] {strides = array<i32>} : memref<200x128xf32, #tpu.memory_space<vmem>>, vector<1x16xf32>,
      %get3A_442 = vector.shape_cast %get3A_441 : vector<1x16xf32> to vector<16xf32>
      %gt3A_443 = arith.cmpf ogt, %get3A_442, %get3A_6 : vector<16xf32>
      %jit3A_444 = arith.constant 1.000000e+00 : f32
      %jit3A_445 = arith.constant 0.000000e+00 : f32
      %broadcast_in_dim3A_446 = vector.broadcast %jit3A_444 : f32 to vector<16xf32>
      %broadcast_in_dim3A_447 = vector.broadcast %jit3A_445 : f32 to vector<16xf32>
      %select_n3A_448 = arith.select %gt3A_443, %broadcast_in_dim3A_446, %broadcast_in_dim3A_447 : vector<16xi1>, vector<16xf32>
      %add3A_449 = arith.addf %select_n3A_448, %bitcast_convert_type3A_422 : vector<16xf32>
      %swap3A_450 = arith.index_cast %scan3A_330 : i32 to index
      %swap3A_451 = arith.constant 96 : index
      %swap3A_452 = tpu.vector_load %arg10[%swap3A_450, %swap3A_451] {strides = array<i32>} : memref<200x128xf32, #tpu.memory_space<vmem>>, vector<1x16xf32>,
      %swap3A_453 = vector.shape_cast %swap3A_452 : vector<1x16xf32> to vector<16xf32>
      %swap3A_454 = vector.shape_cast %add3A_449 : vector<16xf32> to vector<1x16xf32>
      tpu.vector_store %arg10[%swap3A_450, %swap3A_451], %swap3A_454 {strides = array<i32>} : memref<200x128xf32, #tpu.memory_space<vmem>>, vector<1x16xf32>,
      %get3A_455 = arith.index_cast %scan3A_330 : i32 to index
      %get3A_456 = arith.constant 48 : index
      %get3A_457 = tpu.vector_load %arg11[%get3A_455, %get3A_456] {strides = array<i32>} : memref<200x64xi32, #tpu.memory_space<vmem>>, vector<1x16xi32>,
      %get3A_458 = vector.shape_cast %get3A_457 : vector<1x16xi32> to vector<16xi32>
      %shift_left3A_459 = arith.constant 16 : i32
      %shift_left3A_460 = vector.broadcast %shift_left3A_459 : i32 to vector<16xi32>
      %shift_left3A_461 = arith.shli %get3A_458, %shift_left3A_460 : vector<16xi32>
      %bitcast_convert_type3A_462 = tpu.bitcast %shift_left3A_461 : vector<16xi32> -> vector<16xf32>
      %and3A_463 = arith.constant -65536 : i32
      %and3A_464 = vector.broadcast %and3A_463 : i32 to vector<16xi32>
      %and3A_465 = arith.andi %get3A_458, %and3A_464 : vector<16xi32>
      %bitcast_convert_type3A_466 = tpu.bitcast %and3A_465 : vector<16xi32> -> vector<16xf32>
      %get3A_467 = arith.index_cast %scan3A_330 : i32 to index
      %get3A_468 = arith.constant 48 : index
      %get3A_469 = tpu.vector_load %arg10[%get3A_467, %get3A_468] {strides = array<i32>} : memref<200x128xf32, #tpu.memory_space<vmem>>, vector<1x16xf32>,
      %get3A_470 = vector.shape_cast %get3A_469 : vector<1x16xf32> to vector<16xf32>
      %gt3A_471 = arith.cmpf ogt, %get3A_470, %get3A_6 : vector<16xf32>
      %jit3A_472 = arith.constant 1.000000e+00 : f32
      %jit3A_473 = arith.constant 0.000000e+00 : f32
      %broadcast_in_dim3A_474 = vector.broadcast %jit3A_472 : f32 to vector<16xf32>
      %broadcast_in_dim3A_475 = vector.broadcast %jit3A_473 : f32 to vector<16xf32>
      %select_n3A_476 = arith.select %gt3A_471, %broadcast_in_dim3A_474, %broadcast_in_dim3A_475 : vector<16xi1>, vector<16xf32>
      %add3A_477 = arith.addf %select_n3A_476, %bitcast_convert_type3A_462 : vector<16xf32>
      %swap3A_478 = arith.index_cast %scan3A_330 : i32 to index
      %swap3A_479 = arith.constant 48 : index
      %swap3A_480 = tpu.vector_load %arg10[%swap3A_478, %swap3A_479] {strides = array<i32>} : memref<200x128xf32, #tpu.memory_space<vmem>>, vector<1x16xf32>,
      %swap3A_481 = vector.shape_cast %swap3A_480 : vector<1x16xf32> to vector<16xf32>
      %swap3A_482 = vector.shape_cast %add3A_477 : vector<16xf32> to vector<1x16xf32>
      tpu.vector_store %arg10[%swap3A_478, %swap3A_479], %swap3A_482 {strides = array<i32>} : memref<200x128xf32, #tpu.memory_space<vmem>>, vector<1x16xf32>,
      %get3A_483 = arith.index_cast %scan3A_330 : i32 to index
      %get3A_484 = arith.constant 112 : index
      %get3A_485 = tpu.vector_load %arg10[%get3A_483, %get3A_484] {strides = array<i32>} : memref<200x128xf32, #tpu.memory_space<vmem>>, vector<1x16xf32>,
      %get3A_486 = vector.shape_cast %get3A_485 : vector<1x16xf32> to vector<16xf32>
      %gt3A_487 = arith.cmpf ogt, %get3A_486, %get3A_6 : vector<16xf32>
      %jit3A_488 = arith.constant 1.000000e+00 : f32
      %jit3A_489 = arith.constant 0.000000e+00 : f32
      %broadcast_in_dim3A_490 = vector.broadcast %jit3A_488 : f32 to vector<16xf32>
      %broadcast_in_dim3A_491 = vector.broadcast %jit3A_489 : f32 to vector<16xf32>
      %select_n3A_492 = arith.select %gt3A_487, %broadcast_in_dim3A_490, %broadcast_in_dim3A_491 : vector<16xi1>, vector<16xf32>
      %add3A_493 = arith.addf %select_n3A_492, %bitcast_convert_type3A_466 : vector<16xf32>
      %swap3A_494 = arith.index_cast %scan3A_330 : i32 to index
      %swap3A_495 = arith.constant 112 : index
      %swap3A_496 = tpu.vector_load %arg10[%swap3A_494, %swap3A_495] {strides = array<i32>} : memref<200x128xf32, #tpu.memory_space<vmem>>, vector<1x16xf32>,
      %swap3A_497 = vector.shape_cast %swap3A_496 : vector<1x16xf32> to vector<16xf32>
      %swap3A_498 = vector.shape_cast %add3A_493 : vector<16xf32> to vector<1x16xf32>
      tpu.vector_store %arg10[%swap3A_494, %swap3A_495], %swap3A_498 {strides = array<i32>} : memref<200x128xf32, #tpu.memory_space<vmem>>, vector<1x16xf32>,
    }
    %scan3A_195 = arith.constant 200 : i32
    %add3A_196 = arith.constant 29 : i32
    %add3A_197 = arith.addi %mul3A_2, %add3A_196 : i32
    %dma_start3A_198 = arith.constant 0 : i32
    %dma_start3A_199 = arith.constant 0 : i32
    %dma_start3A_200 = tpu.memref_slice %arg6[%add3A_197, %dma_start3A_198, %dma_start3A_199] : memref<1024x200x128xf32, #tpu.memory_space<hbm>> -> memref<1x200x128xf32, #tpu.memory_space<hbm>>
    %dma_start3A_201 = tpu.memref_squeeze %dma_start3A_200 : memref<1x200x128xf32, #tpu.memory_space<hbm>> -> memref<200x128xf32, #tpu.memory_space<hbm>>
    %dma_start3A_202 = arith.constant 0 : i32
    %dma_start3A_203 = arith.constant 0 : i32
    %dma_start3A_204 = tpu.memref_slice %arg6[%add3A_197, %dma_start3A_202, %dma_start3A_203] : memref<1024x200x128xf32, #tpu.memory_space<hbm>> -> memref<1x200x128xf32, #tpu.memory_space<hbm>>
    %dma_start3A_205 = tpu.memref_squeeze %dma_start3A_204 : memref<1x200x128xf32, #tpu.memory_space<hbm>> -> memref<200x128xf32, #tpu.memory_space<hbm>>
    tpu.enqueue_dma source(%arg10 : memref<200x128xf32, #tpu.memory_space<vmem>>) target(%dma_start3A_205 : memref<200x128xf32, #tpu.memory_space<hbm>>) target_semaphore(%arg18 : memref<!tpu.dma_semaphore, #tpu.memory_space<semaphore_mem>>)
    %dma_wait3A_206 = arith.constant 0 : i32
    %dma_wait3A_207 = arith.constant 0 : i32
    %dma_wait3A_208 = tpu.memref_slice %arg6[%mul3A_2, %dma_wait3A_206, %dma_wait3A_207] : memref<1024x200x128xf32, #tpu.memory_space<hbm>> -> memref<1x200x128xf32, #tpu.memory_space<hbm>>
    %dma_wait3A_209 = tpu.memref_squeeze %dma_wait3A_208 : memref<1x200x128xf32, #tpu.memory_space<hbm>> -> memref<200x128xf32, #tpu.memory_space<hbm>>
    %dma_wait3A_210 = arith.constant 0 : i32
    %dma_wait3A_211 = arith.constant 0 : i32
    %dma_wait3A_212 = tpu.memref_slice %arg6[%mul3A_2, %dma_wait3A_210, %dma_wait3A_211] : memref<1024x200x128xf32, #tpu.memory_space<hbm>> -> memref<1x200x128xf32, #tpu.memory_space<hbm>>
    %dma_wait3A_213 = tpu.memref_squeeze %dma_wait3A_212 : memref<1x200x128xf32, #tpu.memory_space<hbm>> -> memref<200x128xf32, #tpu.memory_space<hbm>>
    tpu.wait_dma2 semaphore(%arg17 : memref<!tpu.dma_semaphore, #tpu.memory_space<semaphore_mem>>) src(%arg9 : memref<200x128xf32, #tpu.memory_space<vmem>>) dst(%dma_wait3A_213 : memref<200x128xf32, #tpu.memory_space<hbm>>)
    %dma_start3A_214 = arith.constant 62 : i32
    %dma_start3A_215 = arith.constant 0 : i32
    %dma_start3A_216 = arith.constant 0 : i32
    %dma_start3A_217 = tpu.memref_slice %arg9[%dma_start3A_215, %dma_start3A_216] : memref<200x128xf32, #tpu.memory_space<vmem>> -> memref<104x128xf32, #tpu.memory_space<vmem>>
    %dma_start3A_218 = arith.constant 0 : i32
    %dma_start3A_219 = tpu.memref_slice %arg7[%dma_start3A_214, %dma_start3A_218] : memref<64x104xi32, #tpu.memory_space<vmem>> -> memref<1x104xi32, #tpu.memory_space<vmem>>
    %dma_start3A_220 = tpu.memref_squeeze %dma_start3A_219 : memref<1x104xi32, #tpu.memory_space<vmem>> -> memref<104xi32, #tpu.memory_space<vmem>>
    %dma_start3A_221 = arith.constant 0 : i32
    %dma_start3A_222 = arith.constant 0 : i32
    %dma_start3A_223 = tpu.memref_slice %arg3[%dma_start3A_221, %dma_start3A_222] : memref<100000x128xf32, #tpu.memory_space<hbm>> -> memref<100000x128xf32, #tpu.memory_space<hbm>>
    tpu.enqueue_indirect_dma source(%dma_start3A_223 : memref<100000x128xf32, #tpu.memory_space<hbm>>) target(%dma_start3A_217 : memref<104x128xf32, #tpu.memory_space<vmem>>) offsets(%dma_start3A_220 : memref<104xi32, #tpu.memory_space<vmem>>) semaphore(%arg14 : memref<!tpu.dma_semaphore, #tpu.memory_space<semaphore_mem>>)
    %dma_start3A_224 = arith.constant 63 : i32
    %dma_start3A_225 = arith.constant 96 : i32
    %dma_start3A_226 = arith.constant 0 : i32
    %dma_start3A_227 = tpu.memref_slice %arg9[%dma_start3A_225, %dma_start3A_226] : memref<200x128xf32, #tpu.memory_space<vmem>> -> memref<104x128xf32, #tpu.memory_space<vmem>>
    %dma_start3A_228 = arith.constant 0 : i32
    %dma_start3A_229 = tpu.memref_slice %arg7[%dma_start3A_224, %dma_start3A_228] : memref<64x104xi32, #tpu.memory_space<vmem>> -> memref<1x104xi32, #tpu.memory_space<vmem>>
    %dma_start3A_230 = tpu.memref_squeeze %dma_start3A_229 : memref<1x104xi32, #tpu.memory_space<vmem>> -> memref<104xi32, #tpu.memory_space<vmem>>
    %dma_start3A_231 = arith.constant 0 : i32
    %dma_start3A_232 = arith.constant 0 : i32
    %dma_start3A_233 = tpu.memref_slice %arg3[%dma_start3A_231, %dma_start3A_232] : memref<100000x128xf32, #tpu.memory_space<hbm>> -> memref<100000x128xf32, #tpu.memory_space<hbm>>
    tpu.enqueue_indirect_dma source(%dma_start3A_233 : memref<100000x128xf32, #tpu.memory_space<hbm>>) target(%dma_start3A_227 : memref<104x128xf32, #tpu.memory_space<vmem>>) offsets(%dma_start3A_230 : memref<104xi32, #tpu.memory_space<vmem>>) semaphore(%arg14 : memref<!tpu.dma_semaphore, #tpu.memory_space<semaphore_mem>>)
    %dma_wait3A_234 = arith.constant 0 : i32
    %dma_wait3A_235 = arith.constant 0 : i32
    %dma_wait3A_236 = arith.constant 0 : i32
    %dma_wait3A_237 = tpu.memref_slice %arg8[%dma_wait3A_235, %dma_wait3A_236] : memref<200x128xf32, #tpu.memory_space<vmem>> -> memref<104x128xf32, #tpu.memory_space<vmem>>
    %dma_wait3A_238 = arith.constant 0 : i32
    %dma_wait3A_239 = tpu.memref_slice %arg7[%dma_wait3A_234, %dma_wait3A_238] : memref<64x104xi32, #tpu.memory_space<vmem>> -> memref<1x104xi32, #tpu.memory_space<vmem>>
    %dma_wait3A_240 = tpu.memref_squeeze %dma_wait3A_239 : memref<1x104xi32, #tpu.memory_space<vmem>> -> memref<104xi32, #tpu.memory_space<vmem>>
    %dma_wait3A_241 = arith.constant 0 : i32
    %dma_wait3A_242 = arith.constant 0 : i32
    %dma_wait3A_243 = tpu.memref_slice %arg3[%dma_wait3A_241, %dma_wait3A_242] : memref<100000x128xf32, #tpu.memory_space<hbm>> -> memref<100000x128xf32, #tpu.memory_space<hbm>>
    tpu.wait_indirect_dma semaphore(%arg13 : memref<!tpu.dma_semaphore, #tpu.memory_space<semaphore_mem>>) src(%dma_wait3A_243 : memref<100000x128xf32, #tpu.memory_space<hbm>>) dst(%dma_wait3A_237 : memref<104x128xf32, #tpu.memory_space<vmem>>)
    %dma_wait3A_244 = arith.constant 0 : i32
    %dma_wait3A_245 = arith.constant 96 : i32
    %dma_wait3A_246 = arith.constant 0 : i32
    %dma_wait3A_247 = tpu.memref_slice %arg8[%dma_wait3A_245, %dma_wait3A_246] : memref<200x128xf32, #tpu.memory_space<vmem>> -> memref<104x128xf32, #tpu.memory_space<vmem>>
    %dma_wait3A_248 = arith.constant 0 : i32
    %dma_wait3A_249 = tpu.memref_slice %arg7[%dma_wait3A_244, %dma_wait3A_248] : memref<64x104xi32, #tpu.memory_space<vmem>> -> memref<1x104xi32, #tpu.memory_space<vmem>>
    %dma_wait3A_250 = tpu.memref_squeeze %dma_wait3A_249 : memref<1x104xi32, #tpu.memory_space<vmem>> -> memref<104xi32, #tpu.memory_space<vmem>>
    %dma_wait3A_251 = arith.constant 0 : i32
    %dma_wait3A_252 = arith.constant 0 : i32
    %dma_wait3A_253 = tpu.memref_slice %arg3[%dma_wait3A_251, %dma_wait3A_252] : memref<100000x128xf32, #tpu.memory_space<hbm>> -> memref<100000x128xf32, #tpu.memory_space<hbm>>
    tpu.wait_indirect_dma semaphore(%arg13 : memref<!tpu.dma_semaphore, #tpu.memory_space<semaphore_mem>>) src(%dma_wait3A_253 : memref<100000x128xf32, #tpu.memory_space<hbm>>) dst(%dma_wait3A_247 : memref<104x128xf32, #tpu.memory_space<vmem>>)
    %scan3A_254 = arith.constant 0 : i32
    %scan3A_255 = arith.constant 0 : i32
    %scan3A_256 = arith.constant 200 : i32
    %scan3A_257 = arith.addi %scan3A_255, %scan3A_256 : i32
    %scan3A_258 = arith.constant 1 : i32
    scf.for %scan3A_330 = %scan3A_255 to %scan3A_257 step %scan3A_258  : i32 {
      %get3A_331 = arith.index_cast %scan3A_330 : i32 to index
      %get3A_332 = arith.constant 0 : index
      %get3A_333 = tpu.vector_load %arg11[%get3A_331, %get3A_332] {strides = array<i32>} : memref<200x64xi32, #tpu.memory_space<vmem>>, vector<1x16xi32>,
      %get3A_334 = vector.shape_cast %get3A_333 : vector<1x16xi32> to vector<16xi32>
      %shift_left3A = arith.constant 16 : i32
      %shift_left3A_335 = vector.broadcast %shift_left3A : i32 to vector<16xi32>
      %shift_left3A_336 = arith.shli %get3A_334, %shift_left3A_335 : vector<16xi32>
      %bitcast_convert_type3A = tpu.bitcast %shift_left3A_336 : vector<16xi32> -> vector<16xf32>
      %and3A = arith.constant -65536 : i32
      %and3A_337 = vector.broadcast %and3A : i32 to vector<16xi32>
      %and3A_338 = arith.andi %get3A_334, %and3A_337 : vector<16xi32>
      %bitcast_convert_type3A_339 = tpu.bitcast %and3A_338 : vector<16xi32> -> vector<16xf32>
      %get3A_340 = arith.index_cast %scan3A_330 : i32 to index
      %get3A_341 = arith.constant 0 : index
      %get3A_342 = tpu.vector_load %arg8[%get3A_340, %get3A_341] {strides = array<i32>} : memref<200x128xf32, #tpu.memory_space<vmem>>, vector<1x16xf32>,
      %get3A_343 = vector.shape_cast %get3A_342 : vector<1x16xf32> to vector<16xf32>
      %gt3A = arith.cmpf ogt, %get3A_343, %get3A_6 : vector<16xf32>
      %jit3A = arith.constant 1.000000e+00 : f32
      %jit3A_344 = arith.constant 0.000000e+00 : f32
      %broadcast_in_dim3A = vector.broadcast %jit3A : f32 to vector<16xf32>
      %broadcast_in_dim3A_345 = vector.broadcast %jit3A_344 : f32 to vector<16xf32>
      %select_n3A = arith.select %gt3A, %broadcast_in_dim3A, %broadcast_in_dim3A_345 : vector<16xi1>, vector<16xf32>
      %add3A_346 = arith.addf %select_n3A, %bitcast_convert_type3A : vector<16xf32>
      %swap3A = arith.index_cast %scan3A_330 : i32 to index
      %swap3A_347 = arith.constant 0 : index
      %swap3A_348 = tpu.vector_load %arg8[%swap3A, %swap3A_347] {strides = array<i32>} : memref<200x128xf32, #tpu.memory_space<vmem>>, vector<1x16xf32>,
      %swap3A_349 = vector.shape_cast %swap3A_348 : vector<1x16xf32> to vector<16xf32>
      %swap3A_350 = vector.shape_cast %add3A_346 : vector<16xf32> to vector<1x16xf32>
      tpu.vector_store %arg8[%swap3A, %swap3A_347], %swap3A_350 {strides = array<i32>} : memref<200x128xf32, #tpu.memory_space<vmem>>, vector<1x16xf32>,
      %get3A_351 = arith.index_cast %scan3A_330 : i32 to index
      %get3A_352 = arith.constant 64 : index
      %get3A_353 = tpu.vector_load %arg8[%get3A_351, %get3A_352] {strides = array<i32>} : memref<200x128xf32, #tpu.memory_space<vmem>>, vector<1x16xf32>,
      %get3A_354 = vector.shape_cast %get3A_353 : vector<1x16xf32> to vector<16xf32>
      %gt3A_355 = arith.cmpf ogt, %get3A_354, %get3A_6 : vector<16xf32>
      %jit3A_356 = arith.constant 1.000000e+00 : f32
      %jit3A_357 = arith.constant 0.000000e+00 : f32
      %broadcast_in_dim3A_358 = vector.broadcast %jit3A_356 : f32 to vector<16xf32>
      %broadcast_in_dim3A_359 = vector.broadcast %jit3A_357 : f32 to vector<16xf32>
      %select_n3A_360 = arith.select %gt3A_355, %broadcast_in_dim3A_358, %broadcast_in_dim3A_359 : vector<16xi1>, vector<16xf32>
      %add3A_361 = arith.addf %select_n3A_360, %bitcast_convert_type3A_339 : vector<16xf32>
      %swap3A_362 = arith.index_cast %scan3A_330 : i32 to index
      %swap3A_363 = arith.constant 64 : index
      %swap3A_364 = tpu.vector_load %arg8[%swap3A_362, %swap3A_363] {strides = array<i32>} : memref<200x128xf32, #tpu.memory_space<vmem>>, vector<1x16xf32>,
      %swap3A_365 = vector.shape_cast %swap3A_364 : vector<1x16xf32> to vector<16xf32>
      %swap3A_366 = vector.shape_cast %add3A_361 : vector<16xf32> to vector<1x16xf32>
      tpu.vector_store %arg8[%swap3A_362, %swap3A_363], %swap3A_366 {strides = array<i32>} : memref<200x128xf32, #tpu.memory_space<vmem>>, vector<1x16xf32>,
      %get3A_367 = arith.index_cast %scan3A_330 : i32 to index
      %get3A_368 = arith.constant 16 : index
      %get3A_369 = tpu.vector_load %arg11[%get3A_367, %get3A_368] {strides = array<i32>} : memref<200x64xi32, #tpu.memory_space<vmem>>, vector<1x16xi32>,
      %get3A_370 = vector.shape_cast %get3A_369 : vector<1x16xi32> to vector<16xi32>
      %shift_left3A_371 = arith.constant 16 : i32
      %shift_left3A_372 = vector.broadcast %shift_left3A_371 : i32 to vector<16xi32>
      %shift_left3A_373 = arith.shli %get3A_370, %shift_left3A_372 : vector<16xi32>
      %bitcast_convert_type3A_374 = tpu.bitcast %shift_left3A_373 : vector<16xi32> -> vector<16xf32>
      %and3A_375 = arith.constant -65536 : i32
      %and3A_376 = vector.broadcast %and3A_375 : i32 to vector<16xi32>
      %and3A_377 = arith.andi %get3A_370, %and3A_376 : vector<16xi32>
      %bitcast_convert_type3A_378 = tpu.bitcast %and3A_377 : vector<16xi32> -> vector<16xf32>
      %get3A_379 = arith.index_cast %scan3A_330 : i32 to index
      %get3A_380 = arith.constant 16 : index
      %get3A_381 = tpu.vector_load %arg8[%get3A_379, %get3A_380] {strides = array<i32>} : memref<200x128xf32, #tpu.memory_space<vmem>>, vector<1x16xf32>,
      %get3A_382 = vector.shape_cast %get3A_381 : vector<1x16xf32> to vector<16xf32>
      %gt3A_383 = arith.cmpf ogt, %get3A_382, %get3A_6 : vector<16xf32>
      %jit3A_384 = arith.constant 1.000000e+00 : f32
      %jit3A_385 = arith.constant 0.000000e+00 : f32
      %broadcast_in_dim3A_386 = vector.broadcast %jit3A_384 : f32 to vector<16xf32>
      %broadcast_in_dim3A_387 = vector.broadcast %jit3A_385 : f32 to vector<16xf32>
      %select_n3A_388 = arith.select %gt3A_383, %broadcast_in_dim3A_386, %broadcast_in_dim3A_387 : vector<16xi1>, vector<16xf32>
      %add3A_389 = arith.addf %select_n3A_388, %bitcast_convert_type3A_374 : vector<16xf32>
      %swap3A_390 = arith.index_cast %scan3A_330 : i32 to index
      %swap3A_391 = arith.constant 16 : index
      %swap3A_392 = tpu.vector_load %arg8[%swap3A_390, %swap3A_391] {strides = array<i32>} : memref<200x128xf32, #tpu.memory_space<vmem>>, vector<1x16xf32>,
      %swap3A_393 = vector.shape_cast %swap3A_392 : vector<1x16xf32> to vector<16xf32>
      %swap3A_394 = vector.shape_cast %add3A_389 : vector<16xf32> to vector<1x16xf32>
      tpu.vector_store %arg8[%swap3A_390, %swap3A_391], %swap3A_394 {strides = array<i32>} : memref<200x128xf32, #tpu.memory_space<vmem>>, vector<1x16xf32>,
      %get3A_395 = arith.index_cast %scan3A_330 : i32 to index
      %get3A_396 = arith.constant 80 : index
      %get3A_397 = tpu.vector_load %arg8[%get3A_395, %get3A_396] {strides = array<i32>} : memref<200x128xf32, #tpu.memory_space<vmem>>, vector<1x16xf32>,
      %get3A_398 = vector.shape_cast %get3A_397 : vector<1x16xf32> to vector<16xf32>
      %gt3A_399 = arith.cmpf ogt, %get3A_398, %get3A_6 : vector<16xf32>
      %jit3A_400 = arith.constant 1.000000e+00 : f32
      %jit3A_401 = arith.constant 0.000000e+00 : f32
      %broadcast_in_dim3A_402 = vector.broadcast %jit3A_400 : f32 to vector<16xf32>
      %broadcast_in_dim3A_403 = vector.broadcast %jit3A_401 : f32 to vector<16xf32>
      %select_n3A_404 = arith.select %gt3A_399, %broadcast_in_dim3A_402, %broadcast_in_dim3A_403 : vector<16xi1>, vector<16xf32>
      %add3A_405 = arith.addf %select_n3A_404, %bitcast_convert_type3A_378 : vector<16xf32>
      %swap3A_406 = arith.index_cast %scan3A_330 : i32 to index
      %swap3A_407 = arith.constant 80 : index
      %swap3A_408 = tpu.vector_load %arg8[%swap3A_406, %swap3A_407] {strides = array<i32>} : memref<200x128xf32, #tpu.memory_space<vmem>>, vector<1x16xf32>,
      %swap3A_409 = vector.shape_cast %swap3A_408 : vector<1x16xf32> to vector<16xf32>
      %swap3A_410 = vector.shape_cast %add3A_405 : vector<16xf32> to vector<1x16xf32>
      tpu.vector_store %arg8[%swap3A_406, %swap3A_407], %swap3A_410 {strides = array<i32>} : memref<200x128xf32, #tpu.memory_space<vmem>>, vector<1x16xf32>,
      %get3A_411 = arith.index_cast %scan3A_330 : i32 to index
      %get3A_412 = arith.constant 32 : index
      %get3A_413 = tpu.vector_load %arg11[%get3A_411, %get3A_412] {strides = array<i32>} : memref<200x64xi32, #tpu.memory_space<vmem>>, vector<1x16xi32>,
      %get3A_414 = vector.shape_cast %get3A_413 : vector<1x16xi32> to vector<16xi32>
      %shift_left3A_415 = arith.constant 16 : i32
      %shift_left3A_416 = vector.broadcast %shift_left3A_415 : i32 to vector<16xi32>
      %shift_left3A_417 = arith.shli %get3A_414, %shift_left3A_416 : vector<16xi32>
      %bitcast_convert_type3A_418 = tpu.bitcast %shift_left3A_417 : vector<16xi32> -> vector<16xf32>
      %and3A_419 = arith.constant -65536 : i32
      %and3A_420 = vector.broadcast %and3A_419 : i32 to vector<16xi32>
      %and3A_421 = arith.andi %get3A_414, %and3A_420 : vector<16xi32>
      %bitcast_convert_type3A_422 = tpu.bitcast %and3A_421 : vector<16xi32> -> vector<16xf32>
      %get3A_423 = arith.index_cast %scan3A_330 : i32 to index
      %get3A_424 = arith.constant 32 : index
      %get3A_425 = tpu.vector_load %arg8[%get3A_423, %get3A_424] {strides = array<i32>} : memref<200x128xf32, #tpu.memory_space<vmem>>, vector<1x16xf32>,
      %get3A_426 = vector.shape_cast %get3A_425 : vector<1x16xf32> to vector<16xf32>
      %gt3A_427 = arith.cmpf ogt, %get3A_426, %get3A_6 : vector<16xf32>
      %jit3A_428 = arith.constant 1.000000e+00 : f32
      %jit3A_429 = arith.constant 0.000000e+00 : f32
      %broadcast_in_dim3A_430 = vector.broadcast %jit3A_428 : f32 to vector<16xf32>
      %broadcast_in_dim3A_431 = vector.broadcast %jit3A_429 : f32 to vector<16xf32>
      %select_n3A_432 = arith.select %gt3A_427, %broadcast_in_dim3A_430, %broadcast_in_dim3A_431 : vector<16xi1>, vector<16xf32>
      %add3A_433 = arith.addf %select_n3A_432, %bitcast_convert_type3A_418 : vector<16xf32>
      %swap3A_434 = arith.index_cast %scan3A_330 : i32 to index
      %swap3A_435 = arith.constant 32 : index
      %swap3A_436 = tpu.vector_load %arg8[%swap3A_434, %swap3A_435] {strides = array<i32>} : memref<200x128xf32, #tpu.memory_space<vmem>>, vector<1x16xf32>,
      %swap3A_437 = vector.shape_cast %swap3A_436 : vector<1x16xf32> to vector<16xf32>
      %swap3A_438 = vector.shape_cast %add3A_433 : vector<16xf32> to vector<1x16xf32>
      tpu.vector_store %arg8[%swap3A_434, %swap3A_435], %swap3A_438 {strides = array<i32>} : memref<200x128xf32, #tpu.memory_space<vmem>>, vector<1x16xf32>,
      %get3A_439 = arith.index_cast %scan3A_330 : i32 to index
      %get3A_440 = arith.constant 96 : index
      %get3A_441 = tpu.vector_load %arg8[%get3A_439, %get3A_440] {strides = array<i32>} : memref<200x128xf32, #tpu.memory_space<vmem>>, vector<1x16xf32>,
      %get3A_442 = vector.shape_cast %get3A_441 : vector<1x16xf32> to vector<16xf32>
      %gt3A_443 = arith.cmpf ogt, %get3A_442, %get3A_6 : vector<16xf32>
      %jit3A_444 = arith.constant 1.000000e+00 : f32
      %jit3A_445 = arith.constant 0.000000e+00 : f32
      %broadcast_in_dim3A_446 = vector.broadcast %jit3A_444 : f32 to vector<16xf32>
      %broadcast_in_dim3A_447 = vector.broadcast %jit3A_445 : f32 to vector<16xf32>
      %select_n3A_448 = arith.select %gt3A_443, %broadcast_in_dim3A_446, %broadcast_in_dim3A_447 : vector<16xi1>, vector<16xf32>
      %add3A_449 = arith.addf %select_n3A_448, %bitcast_convert_type3A_422 : vector<16xf32>
      %swap3A_450 = arith.index_cast %scan3A_330 : i32 to index
      %swap3A_451 = arith.constant 96 : index
      %swap3A_452 = tpu.vector_load %arg8[%swap3A_450, %swap3A_451] {strides = array<i32>} : memref<200x128xf32, #tpu.memory_space<vmem>>, vector<1x16xf32>,
      %swap3A_453 = vector.shape_cast %swap3A_452 : vector<1x16xf32> to vector<16xf32>
      %swap3A_454 = vector.shape_cast %add3A_449 : vector<16xf32> to vector<1x16xf32>
      tpu.vector_store %arg8[%swap3A_450, %swap3A_451], %swap3A_454 {strides = array<i32>} : memref<200x128xf32, #tpu.memory_space<vmem>>, vector<1x16xf32>,
      %get3A_455 = arith.index_cast %scan3A_330 : i32 to index
      %get3A_456 = arith.constant 48 : index
      %get3A_457 = tpu.vector_load %arg11[%get3A_455, %get3A_456] {strides = array<i32>} : memref<200x64xi32, #tpu.memory_space<vmem>>, vector<1x16xi32>,
      %get3A_458 = vector.shape_cast %get3A_457 : vector<1x16xi32> to vector<16xi32>
      %shift_left3A_459 = arith.constant 16 : i32
      %shift_left3A_460 = vector.broadcast %shift_left3A_459 : i32 to vector<16xi32>
      %shift_left3A_461 = arith.shli %get3A_458, %shift_left3A_460 : vector<16xi32>
      %bitcast_convert_type3A_462 = tpu.bitcast %shift_left3A_461 : vector<16xi32> -> vector<16xf32>
      %and3A_463 = arith.constant -65536 : i32
      %and3A_464 = vector.broadcast %and3A_463 : i32 to vector<16xi32>
      %and3A_465 = arith.andi %get3A_458, %and3A_464 : vector<16xi32>
      %bitcast_convert_type3A_466 = tpu.bitcast %and3A_465 : vector<16xi32> -> vector<16xf32>
      %get3A_467 = arith.index_cast %scan3A_330 : i32 to index
      %get3A_468 = arith.constant 48 : index
      %get3A_469 = tpu.vector_load %arg8[%get3A_467, %get3A_468] {strides = array<i32>} : memref<200x128xf32, #tpu.memory_space<vmem>>, vector<1x16xf32>,
      %get3A_470 = vector.shape_cast %get3A_469 : vector<1x16xf32> to vector<16xf32>
      %gt3A_471 = arith.cmpf ogt, %get3A_470, %get3A_6 : vector<16xf32>
      %jit3A_472 = arith.constant 1.000000e+00 : f32
      %jit3A_473 = arith.constant 0.000000e+00 : f32
      %broadcast_in_dim3A_474 = vector.broadcast %jit3A_472 : f32 to vector<16xf32>
      %broadcast_in_dim3A_475 = vector.broadcast %jit3A_473 : f32 to vector<16xf32>
      %select_n3A_476 = arith.select %gt3A_471, %broadcast_in_dim3A_474, %broadcast_in_dim3A_475 : vector<16xi1>, vector<16xf32>
      %add3A_477 = arith.addf %select_n3A_476, %bitcast_convert_type3A_462 : vector<16xf32>
      %swap3A_478 = arith.index_cast %scan3A_330 : i32 to index
      %swap3A_479 = arith.constant 48 : index
      %swap3A_480 = tpu.vector_load %arg8[%swap3A_478, %swap3A_479] {strides = array<i32>} : memref<200x128xf32, #tpu.memory_space<vmem>>, vector<1x16xf32>,
      %swap3A_481 = vector.shape_cast %swap3A_480 : vector<1x16xf32> to vector<16xf32>
      %swap3A_482 = vector.shape_cast %add3A_477 : vector<16xf32> to vector<1x16xf32>
      tpu.vector_store %arg8[%swap3A_478, %swap3A_479], %swap3A_482 {strides = array<i32>} : memref<200x128xf32, #tpu.memory_space<vmem>>, vector<1x16xf32>,
      %get3A_483 = arith.index_cast %scan3A_330 : i32 to index
      %get3A_484 = arith.constant 112 : index
      %get3A_485 = tpu.vector_load %arg8[%get3A_483, %get3A_484] {strides = array<i32>} : memref<200x128xf32, #tpu.memory_space<vmem>>, vector<1x16xf32>,
      %get3A_486 = vector.shape_cast %get3A_485 : vector<1x16xf32> to vector<16xf32>
      %gt3A_487 = arith.cmpf ogt, %get3A_486, %get3A_6 : vector<16xf32>
      %jit3A_488 = arith.constant 1.000000e+00 : f32
      %jit3A_489 = arith.constant 0.000000e+00 : f32
      %broadcast_in_dim3A_490 = vector.broadcast %jit3A_488 : f32 to vector<16xf32>
      %broadcast_in_dim3A_491 = vector.broadcast %jit3A_489 : f32 to vector<16xf32>
      %select_n3A_492 = arith.select %gt3A_487, %broadcast_in_dim3A_490, %broadcast_in_dim3A_491 : vector<16xi1>, vector<16xf32>
      %add3A_493 = arith.addf %select_n3A_492, %bitcast_convert_type3A_466 : vector<16xf32>
      %swap3A_494 = arith.index_cast %scan3A_330 : i32 to index
      %swap3A_495 = arith.constant 112 : index
      %swap3A_496 = tpu.vector_load %arg8[%swap3A_494, %swap3A_495] {strides = array<i32>} : memref<200x128xf32, #tpu.memory_space<vmem>>, vector<1x16xf32>,
      %swap3A_497 = vector.shape_cast %swap3A_496 : vector<1x16xf32> to vector<16xf32>
      %swap3A_498 = vector.shape_cast %add3A_493 : vector<16xf32> to vector<1x16xf32>
      tpu.vector_store %arg8[%swap3A_494, %swap3A_495], %swap3A_498 {strides = array<i32>} : memref<200x128xf32, #tpu.memory_space<vmem>>, vector<1x16xf32>,
    }
    %scan3A_259 = arith.constant 200 : i32
    %add3A_260 = arith.constant 30 : i32
    %add3A_261 = arith.addi %mul3A_2, %add3A_260 : i32
    %dma_start3A_262 = arith.constant 0 : i32
    %dma_start3A_263 = arith.constant 0 : i32
    %dma_start3A_264 = tpu.memref_slice %arg6[%add3A_261, %dma_start3A_262, %dma_start3A_263] : memref<1024x200x128xf32, #tpu.memory_space<hbm>> -> memref<1x200x128xf32, #tpu.memory_space<hbm>>
    %dma_start3A_265 = tpu.memref_squeeze %dma_start3A_264 : memref<1x200x128xf32, #tpu.memory_space<hbm>> -> memref<200x128xf32, #tpu.memory_space<hbm>>
    %dma_start3A_266 = arith.constant 0 : i32
    %dma_start3A_267 = arith.constant 0 : i32
    %dma_start3A_268 = tpu.memref_slice %arg6[%add3A_261, %dma_start3A_266, %dma_start3A_267] : memref<1024x200x128xf32, #tpu.memory_space<hbm>> -> memref<1x200x128xf32, #tpu.memory_space<hbm>>
    %dma_start3A_269 = tpu.memref_squeeze %dma_start3A_268 : memref<1x200x128xf32, #tpu.memory_space<hbm>> -> memref<200x128xf32, #tpu.memory_space<hbm>>
    tpu.enqueue_dma source(%arg8 : memref<200x128xf32, #tpu.memory_space<vmem>>) target(%dma_start3A_269 : memref<200x128xf32, #tpu.memory_space<hbm>>) target_semaphore(%arg16 : memref<!tpu.dma_semaphore, #tpu.memory_space<semaphore_mem>>)
    %dma_wait3A_270 = arith.constant 0 : i32
    %dma_wait3A_271 = arith.constant 0 : i32
    %dma_wait3A_272 = arith.constant 0 : i32
    %dma_wait3A_273 = tpu.memref_slice %arg9[%dma_wait3A_271, %dma_wait3A_272] : memref<200x128xf32, #tpu.memory_space<vmem>> -> memref<104x128xf32, #tpu.memory_space<vmem>>
    %dma_wait3A_274 = arith.constant 0 : i32
    %dma_wait3A_275 = tpu.memref_slice %arg7[%dma_wait3A_270, %dma_wait3A_274] : memref<64x104xi32, #tpu.memory_space<vmem>> -> memref<1x104xi32, #tpu.memory_space<vmem>>
    %dma_wait3A_276 = tpu.memref_squeeze %dma_wait3A_275 : memref<1x104xi32, #tpu.memory_space<vmem>> -> memref<104xi32, #tpu.memory_space<vmem>>
    %dma_wait3A_277 = arith.constant 0 : i32
    %dma_wait3A_278 = arith.constant 0 : i32
    %dma_wait3A_279 = tpu.memref_slice %arg3[%dma_wait3A_277, %dma_wait3A_278] : memref<100000x128xf32, #tpu.memory_space<hbm>> -> memref<100000x128xf32, #tpu.memory_space<hbm>>
    tpu.wait_indirect_dma semaphore(%arg14 : memref<!tpu.dma_semaphore, #tpu.memory_space<semaphore_mem>>) src(%dma_wait3A_279 : memref<100000x128xf32, #tpu.memory_space<hbm>>) dst(%dma_wait3A_273 : memref<104x128xf32, #tpu.memory_space<vmem>>)
    %dma_wait3A_280 = arith.constant 0 : i32
    %dma_wait3A_281 = arith.constant 96 : i32
    %dma_wait3A_282 = arith.constant 0 : i32
    %dma_wait3A_283 = tpu.memref_slice %arg9[%dma_wait3A_281, %dma_wait3A_282] : memref<200x128xf32, #tpu.memory_space<vmem>> -> memref<104x128xf32, #tpu.memory_space<vmem>>
    %dma_wait3A_284 = arith.constant 0 : i32
    %dma_wait3A_285 = tpu.memref_slice %arg7[%dma_wait3A_280, %dma_wait3A_284] : memref<64x104xi32, #tpu.memory_space<vmem>> -> memref<1x104xi32, #tpu.memory_space<vmem>>
    %dma_wait3A_286 = tpu.memref_squeeze %dma_wait3A_285 : memref<1x104xi32, #tpu.memory_space<vmem>> -> memref<104xi32, #tpu.memory_space<vmem>>
    %dma_wait3A_287 = arith.constant 0 : i32
    %dma_wait3A_288 = arith.constant 0 : i32
    %dma_wait3A_289 = tpu.memref_slice %arg3[%dma_wait3A_287, %dma_wait3A_288] : memref<100000x128xf32, #tpu.memory_space<hbm>> -> memref<100000x128xf32, #tpu.memory_space<hbm>>
    tpu.wait_indirect_dma semaphore(%arg14 : memref<!tpu.dma_semaphore, #tpu.memory_space<semaphore_mem>>) src(%dma_wait3A_289 : memref<100000x128xf32, #tpu.memory_space<hbm>>) dst(%dma_wait3A_283 : memref<104x128xf32, #tpu.memory_space<vmem>>)
    %scan3A_290 = arith.constant 0 : i32
    %scan3A_291 = arith.constant 0 : i32
    %scan3A_292 = arith.constant 200 : i32
    %scan3A_293 = arith.addi %scan3A_291, %scan3A_292 : i32
    %scan3A_294 = arith.constant 1 : i32
    scf.for %scan3A_330 = %scan3A_291 to %scan3A_293 step %scan3A_294  : i32 {
      %get3A_331 = arith.index_cast %scan3A_330 : i32 to index
      %get3A_332 = arith.constant 0 : index
      %get3A_333 = tpu.vector_load %arg11[%get3A_331, %get3A_332] {strides = array<i32>} : memref<200x64xi32, #tpu.memory_space<vmem>>, vector<1x16xi32>,
      %get3A_334 = vector.shape_cast %get3A_333 : vector<1x16xi32> to vector<16xi32>
      %shift_left3A = arith.constant 16 : i32
      %shift_left3A_335 = vector.broadcast %shift_left3A : i32 to vector<16xi32>
      %shift_left3A_336 = arith.shli %get3A_334, %shift_left3A_335 : vector<16xi32>
      %bitcast_convert_type3A = tpu.bitcast %shift_left3A_336 : vector<16xi32> -> vector<16xf32>
      %and3A = arith.constant -65536 : i32
      %and3A_337 = vector.broadcast %and3A : i32 to vector<16xi32>
      %and3A_338 = arith.andi %get3A_334, %and3A_337 : vector<16xi32>
      %bitcast_convert_type3A_339 = tpu.bitcast %and3A_338 : vector<16xi32> -> vector<16xf32>
      %get3A_340 = arith.index_cast %scan3A_330 : i32 to index
      %get3A_341 = arith.constant 0 : index
      %get3A_342 = tpu.vector_load %arg9[%get3A_340, %get3A_341] {strides = array<i32>} : memref<200x128xf32, #tpu.memory_space<vmem>>, vector<1x16xf32>,
      %get3A_343 = vector.shape_cast %get3A_342 : vector<1x16xf32> to vector<16xf32>
      %gt3A = arith.cmpf ogt, %get3A_343, %get3A_6 : vector<16xf32>
      %jit3A = arith.constant 1.000000e+00 : f32
      %jit3A_344 = arith.constant 0.000000e+00 : f32
      %broadcast_in_dim3A = vector.broadcast %jit3A : f32 to vector<16xf32>
      %broadcast_in_dim3A_345 = vector.broadcast %jit3A_344 : f32 to vector<16xf32>
      %select_n3A = arith.select %gt3A, %broadcast_in_dim3A, %broadcast_in_dim3A_345 : vector<16xi1>, vector<16xf32>
      %add3A_346 = arith.addf %select_n3A, %bitcast_convert_type3A : vector<16xf32>
      %swap3A = arith.index_cast %scan3A_330 : i32 to index
      %swap3A_347 = arith.constant 0 : index
      %swap3A_348 = tpu.vector_load %arg9[%swap3A, %swap3A_347] {strides = array<i32>} : memref<200x128xf32, #tpu.memory_space<vmem>>, vector<1x16xf32>,
      %swap3A_349 = vector.shape_cast %swap3A_348 : vector<1x16xf32> to vector<16xf32>
      %swap3A_350 = vector.shape_cast %add3A_346 : vector<16xf32> to vector<1x16xf32>
      tpu.vector_store %arg9[%swap3A, %swap3A_347], %swap3A_350 {strides = array<i32>} : memref<200x128xf32, #tpu.memory_space<vmem>>, vector<1x16xf32>,
      %get3A_351 = arith.index_cast %scan3A_330 : i32 to index
      %get3A_352 = arith.constant 64 : index
      %get3A_353 = tpu.vector_load %arg9[%get3A_351, %get3A_352] {strides = array<i32>} : memref<200x128xf32, #tpu.memory_space<vmem>>, vector<1x16xf32>,
      %get3A_354 = vector.shape_cast %get3A_353 : vector<1x16xf32> to vector<16xf32>
      %gt3A_355 = arith.cmpf ogt, %get3A_354, %get3A_6 : vector<16xf32>
      %jit3A_356 = arith.constant 1.000000e+00 : f32
      %jit3A_357 = arith.constant 0.000000e+00 : f32
      %broadcast_in_dim3A_358 = vector.broadcast %jit3A_356 : f32 to vector<16xf32>
      %broadcast_in_dim3A_359 = vector.broadcast %jit3A_357 : f32 to vector<16xf32>
      %select_n3A_360 = arith.select %gt3A_355, %broadcast_in_dim3A_358, %broadcast_in_dim3A_359 : vector<16xi1>, vector<16xf32>
      %add3A_361 = arith.addf %select_n3A_360, %bitcast_convert_type3A_339 : vector<16xf32>
      %swap3A_362 = arith.index_cast %scan3A_330 : i32 to index
      %swap3A_363 = arith.constant 64 : index
      %swap3A_364 = tpu.vector_load %arg9[%swap3A_362, %swap3A_363] {strides = array<i32>} : memref<200x128xf32, #tpu.memory_space<vmem>>, vector<1x16xf32>,
      %swap3A_365 = vector.shape_cast %swap3A_364 : vector<1x16xf32> to vector<16xf32>
      %swap3A_366 = vector.shape_cast %add3A_361 : vector<16xf32> to vector<1x16xf32>
      tpu.vector_store %arg9[%swap3A_362, %swap3A_363], %swap3A_366 {strides = array<i32>} : memref<200x128xf32, #tpu.memory_space<vmem>>, vector<1x16xf32>,
      %get3A_367 = arith.index_cast %scan3A_330 : i32 to index
      %get3A_368 = arith.constant 16 : index
      %get3A_369 = tpu.vector_load %arg11[%get3A_367, %get3A_368] {strides = array<i32>} : memref<200x64xi32, #tpu.memory_space<vmem>>, vector<1x16xi32>,
      %get3A_370 = vector.shape_cast %get3A_369 : vector<1x16xi32> to vector<16xi32>
      %shift_left3A_371 = arith.constant 16 : i32
      %shift_left3A_372 = vector.broadcast %shift_left3A_371 : i32 to vector<16xi32>
      %shift_left3A_373 = arith.shli %get3A_370, %shift_left3A_372 : vector<16xi32>
      %bitcast_convert_type3A_374 = tpu.bitcast %shift_left3A_373 : vector<16xi32> -> vector<16xf32>
      %and3A_375 = arith.constant -65536 : i32
      %and3A_376 = vector.broadcast %and3A_375 : i32 to vector<16xi32>
      %and3A_377 = arith.andi %get3A_370, %and3A_376 : vector<16xi32>
      %bitcast_convert_type3A_378 = tpu.bitcast %and3A_377 : vector<16xi32> -> vector<16xf32>
      %get3A_379 = arith.index_cast %scan3A_330 : i32 to index
      %get3A_380 = arith.constant 16 : index
      %get3A_381 = tpu.vector_load %arg9[%get3A_379, %get3A_380] {strides = array<i32>} : memref<200x128xf32, #tpu.memory_space<vmem>>, vector<1x16xf32>,
      %get3A_382 = vector.shape_cast %get3A_381 : vector<1x16xf32> to vector<16xf32>
      %gt3A_383 = arith.cmpf ogt, %get3A_382, %get3A_6 : vector<16xf32>
      %jit3A_384 = arith.constant 1.000000e+00 : f32
      %jit3A_385 = arith.constant 0.000000e+00 : f32
      %broadcast_in_dim3A_386 = vector.broadcast %jit3A_384 : f32 to vector<16xf32>
      %broadcast_in_dim3A_387 = vector.broadcast %jit3A_385 : f32 to vector<16xf32>
      %select_n3A_388 = arith.select %gt3A_383, %broadcast_in_dim3A_386, %broadcast_in_dim3A_387 : vector<16xi1>, vector<16xf32>
      %add3A_389 = arith.addf %select_n3A_388, %bitcast_convert_type3A_374 : vector<16xf32>
      %swap3A_390 = arith.index_cast %scan3A_330 : i32 to index
      %swap3A_391 = arith.constant 16 : index
      %swap3A_392 = tpu.vector_load %arg9[%swap3A_390, %swap3A_391] {strides = array<i32>} : memref<200x128xf32, #tpu.memory_space<vmem>>, vector<1x16xf32>,
      %swap3A_393 = vector.shape_cast %swap3A_392 : vector<1x16xf32> to vector<16xf32>
      %swap3A_394 = vector.shape_cast %add3A_389 : vector<16xf32> to vector<1x16xf32>
      tpu.vector_store %arg9[%swap3A_390, %swap3A_391], %swap3A_394 {strides = array<i32>} : memref<200x128xf32, #tpu.memory_space<vmem>>, vector<1x16xf32>,
      %get3A_395 = arith.index_cast %scan3A_330 : i32 to index
      %get3A_396 = arith.constant 80 : index
      %get3A_397 = tpu.vector_load %arg9[%get3A_395, %get3A_396] {strides = array<i32>} : memref<200x128xf32, #tpu.memory_space<vmem>>, vector<1x16xf32>,
      %get3A_398 = vector.shape_cast %get3A_397 : vector<1x16xf32> to vector<16xf32>
      %gt3A_399 = arith.cmpf ogt, %get3A_398, %get3A_6 : vector<16xf32>
      %jit3A_400 = arith.constant 1.000000e+00 : f32
      %jit3A_401 = arith.constant 0.000000e+00 : f32
      %broadcast_in_dim3A_402 = vector.broadcast %jit3A_400 : f32 to vector<16xf32>
      %broadcast_in_dim3A_403 = vector.broadcast %jit3A_401 : f32 to vector<16xf32>
      %select_n3A_404 = arith.select %gt3A_399, %broadcast_in_dim3A_402, %broadcast_in_dim3A_403 : vector<16xi1>, vector<16xf32>
      %add3A_405 = arith.addf %select_n3A_404, %bitcast_convert_type3A_378 : vector<16xf32>
      %swap3A_406 = arith.index_cast %scan3A_330 : i32 to index
      %swap3A_407 = arith.constant 80 : index
      %swap3A_408 = tpu.vector_load %arg9[%swap3A_406, %swap3A_407] {strides = array<i32>} : memref<200x128xf32, #tpu.memory_space<vmem>>, vector<1x16xf32>,
      %swap3A_409 = vector.shape_cast %swap3A_408 : vector<1x16xf32> to vector<16xf32>
      %swap3A_410 = vector.shape_cast %add3A_405 : vector<16xf32> to vector<1x16xf32>
      tpu.vector_store %arg9[%swap3A_406, %swap3A_407], %swap3A_410 {strides = array<i32>} : memref<200x128xf32, #tpu.memory_space<vmem>>, vector<1x16xf32>,
      %get3A_411 = arith.index_cast %scan3A_330 : i32 to index
      %get3A_412 = arith.constant 32 : index
      %get3A_413 = tpu.vector_load %arg11[%get3A_411, %get3A_412] {strides = array<i32>} : memref<200x64xi32, #tpu.memory_space<vmem>>, vector<1x16xi32>,
      %get3A_414 = vector.shape_cast %get3A_413 : vector<1x16xi32> to vector<16xi32>
      %shift_left3A_415 = arith.constant 16 : i32
      %shift_left3A_416 = vector.broadcast %shift_left3A_415 : i32 to vector<16xi32>
      %shift_left3A_417 = arith.shli %get3A_414, %shift_left3A_416 : vector<16xi32>
      %bitcast_convert_type3A_418 = tpu.bitcast %shift_left3A_417 : vector<16xi32> -> vector<16xf32>
      %and3A_419 = arith.constant -65536 : i32
      %and3A_420 = vector.broadcast %and3A_419 : i32 to vector<16xi32>
      %and3A_421 = arith.andi %get3A_414, %and3A_420 : vector<16xi32>
      %bitcast_convert_type3A_422 = tpu.bitcast %and3A_421 : vector<16xi32> -> vector<16xf32>
      %get3A_423 = arith.index_cast %scan3A_330 : i32 to index
      %get3A_424 = arith.constant 32 : index
      %get3A_425 = tpu.vector_load %arg9[%get3A_423, %get3A_424] {strides = array<i32>} : memref<200x128xf32, #tpu.memory_space<vmem>>, vector<1x16xf32>,
      %get3A_426 = vector.shape_cast %get3A_425 : vector<1x16xf32> to vector<16xf32>
      %gt3A_427 = arith.cmpf ogt, %get3A_426, %get3A_6 : vector<16xf32>
      %jit3A_428 = arith.constant 1.000000e+00 : f32
      %jit3A_429 = arith.constant 0.000000e+00 : f32
      %broadcast_in_dim3A_430 = vector.broadcast %jit3A_428 : f32 to vector<16xf32>
      %broadcast_in_dim3A_431 = vector.broadcast %jit3A_429 : f32 to vector<16xf32>
      %select_n3A_432 = arith.select %gt3A_427, %broadcast_in_dim3A_430, %broadcast_in_dim3A_431 : vector<16xi1>, vector<16xf32>
      %add3A_433 = arith.addf %select_n3A_432, %bitcast_convert_type3A_418 : vector<16xf32>
      %swap3A_434 = arith.index_cast %scan3A_330 : i32 to index
      %swap3A_435 = arith.constant 32 : index
      %swap3A_436 = tpu.vector_load %arg9[%swap3A_434, %swap3A_435] {strides = array<i32>} : memref<200x128xf32, #tpu.memory_space<vmem>>, vector<1x16xf32>,
      %swap3A_437 = vector.shape_cast %swap3A_436 : vector<1x16xf32> to vector<16xf32>
      %swap3A_438 = vector.shape_cast %add3A_433 : vector<16xf32> to vector<1x16xf32>
      tpu.vector_store %arg9[%swap3A_434, %swap3A_435], %swap3A_438 {strides = array<i32>} : memref<200x128xf32, #tpu.memory_space<vmem>>, vector<1x16xf32>,
      %get3A_439 = arith.index_cast %scan3A_330 : i32 to index
      %get3A_440 = arith.constant 96 : index
      %get3A_441 = tpu.vector_load %arg9[%get3A_439, %get3A_440] {strides = array<i32>} : memref<200x128xf32, #tpu.memory_space<vmem>>, vector<1x16xf32>,
      %get3A_442 = vector.shape_cast %get3A_441 : vector<1x16xf32> to vector<16xf32>
      %gt3A_443 = arith.cmpf ogt, %get3A_442, %get3A_6 : vector<16xf32>
      %jit3A_444 = arith.constant 1.000000e+00 : f32
      %jit3A_445 = arith.constant 0.000000e+00 : f32
      %broadcast_in_dim3A_446 = vector.broadcast %jit3A_444 : f32 to vector<16xf32>
      %broadcast_in_dim3A_447 = vector.broadcast %jit3A_445 : f32 to vector<16xf32>
      %select_n3A_448 = arith.select %gt3A_443, %broadcast_in_dim3A_446, %broadcast_in_dim3A_447 : vector<16xi1>, vector<16xf32>
      %add3A_449 = arith.addf %select_n3A_448, %bitcast_convert_type3A_422 : vector<16xf32>
      %swap3A_450 = arith.index_cast %scan3A_330 : i32 to index
      %swap3A_451 = arith.constant 96 : index
      %swap3A_452 = tpu.vector_load %arg9[%swap3A_450, %swap3A_451] {strides = array<i32>} : memref<200x128xf32, #tpu.memory_space<vmem>>, vector<1x16xf32>,
      %swap3A_453 = vector.shape_cast %swap3A_452 : vector<1x16xf32> to vector<16xf32>
      %swap3A_454 = vector.shape_cast %add3A_449 : vector<16xf32> to vector<1x16xf32>
      tpu.vector_store %arg9[%swap3A_450, %swap3A_451], %swap3A_454 {strides = array<i32>} : memref<200x128xf32, #tpu.memory_space<vmem>>, vector<1x16xf32>,
      %get3A_455 = arith.index_cast %scan3A_330 : i32 to index
      %get3A_456 = arith.constant 48 : index
      %get3A_457 = tpu.vector_load %arg11[%get3A_455, %get3A_456] {strides = array<i32>} : memref<200x64xi32, #tpu.memory_space<vmem>>, vector<1x16xi32>,
      %get3A_458 = vector.shape_cast %get3A_457 : vector<1x16xi32> to vector<16xi32>
      %shift_left3A_459 = arith.constant 16 : i32
      %shift_left3A_460 = vector.broadcast %shift_left3A_459 : i32 to vector<16xi32>
      %shift_left3A_461 = arith.shli %get3A_458, %shift_left3A_460 : vector<16xi32>
      %bitcast_convert_type3A_462 = tpu.bitcast %shift_left3A_461 : vector<16xi32> -> vector<16xf32>
      %and3A_463 = arith.constant -65536 : i32
      %and3A_464 = vector.broadcast %and3A_463 : i32 to vector<16xi32>
      %and3A_465 = arith.andi %get3A_458, %and3A_464 : vector<16xi32>
      %bitcast_convert_type3A_466 = tpu.bitcast %and3A_465 : vector<16xi32> -> vector<16xf32>
      %get3A_467 = arith.index_cast %scan3A_330 : i32 to index
      %get3A_468 = arith.constant 48 : index
      %get3A_469 = tpu.vector_load %arg9[%get3A_467, %get3A_468] {strides = array<i32>} : memref<200x128xf32, #tpu.memory_space<vmem>>, vector<1x16xf32>,
      %get3A_470 = vector.shape_cast %get3A_469 : vector<1x16xf32> to vector<16xf32>
      %gt3A_471 = arith.cmpf ogt, %get3A_470, %get3A_6 : vector<16xf32>
      %jit3A_472 = arith.constant 1.000000e+00 : f32
      %jit3A_473 = arith.constant 0.000000e+00 : f32
      %broadcast_in_dim3A_474 = vector.broadcast %jit3A_472 : f32 to vector<16xf32>
      %broadcast_in_dim3A_475 = vector.broadcast %jit3A_473 : f32 to vector<16xf32>
      %select_n3A_476 = arith.select %gt3A_471, %broadcast_in_dim3A_474, %broadcast_in_dim3A_475 : vector<16xi1>, vector<16xf32>
      %add3A_477 = arith.addf %select_n3A_476, %bitcast_convert_type3A_462 : vector<16xf32>
      %swap3A_478 = arith.index_cast %scan3A_330 : i32 to index
      %swap3A_479 = arith.constant 48 : index
      %swap3A_480 = tpu.vector_load %arg9[%swap3A_478, %swap3A_479] {strides = array<i32>} : memref<200x128xf32, #tpu.memory_space<vmem>>, vector<1x16xf32>,
      %swap3A_481 = vector.shape_cast %swap3A_480 : vector<1x16xf32> to vector<16xf32>
      %swap3A_482 = vector.shape_cast %add3A_477 : vector<16xf32> to vector<1x16xf32>
      tpu.vector_store %arg9[%swap3A_478, %swap3A_479], %swap3A_482 {strides = array<i32>} : memref<200x128xf32, #tpu.memory_space<vmem>>, vector<1x16xf32>,
      %get3A_483 = arith.index_cast %scan3A_330 : i32 to index
      %get3A_484 = arith.constant 112 : index
      %get3A_485 = tpu.vector_load %arg9[%get3A_483, %get3A_484] {strides = array<i32>} : memref<200x128xf32, #tpu.memory_space<vmem>>, vector<1x16xf32>,
      %get3A_486 = vector.shape_cast %get3A_485 : vector<1x16xf32> to vector<16xf32>
      %gt3A_487 = arith.cmpf ogt, %get3A_486, %get3A_6 : vector<16xf32>
      %jit3A_488 = arith.constant 1.000000e+00 : f32
      %jit3A_489 = arith.constant 0.000000e+00 : f32
      %broadcast_in_dim3A_490 = vector.broadcast %jit3A_488 : f32 to vector<16xf32>
      %broadcast_in_dim3A_491 = vector.broadcast %jit3A_489 : f32 to vector<16xf32>
      %select_n3A_492 = arith.select %gt3A_487, %broadcast_in_dim3A_490, %broadcast_in_dim3A_491 : vector<16xi1>, vector<16xf32>
      %add3A_493 = arith.addf %select_n3A_492, %bitcast_convert_type3A_466 : vector<16xf32>
      %swap3A_494 = arith.index_cast %scan3A_330 : i32 to index
      %swap3A_495 = arith.constant 112 : index
      %swap3A_496 = tpu.vector_load %arg9[%swap3A_494, %swap3A_495] {strides = array<i32>} : memref<200x128xf32, #tpu.memory_space<vmem>>, vector<1x16xf32>,
      %swap3A_497 = vector.shape_cast %swap3A_496 : vector<1x16xf32> to vector<16xf32>
      %swap3A_498 = vector.shape_cast %add3A_493 : vector<16xf32> to vector<1x16xf32>
      tpu.vector_store %arg9[%swap3A_494, %swap3A_495], %swap3A_498 {strides = array<i32>} : memref<200x128xf32, #tpu.memory_space<vmem>>, vector<1x16xf32>,
    }
    %scan3A_295 = arith.constant 200 : i32
    %add3A_296 = arith.constant 31 : i32
    %add3A_297 = arith.addi %mul3A_2, %add3A_296 : i32
    %dma_start3A_298 = arith.constant 0 : i32
    %dma_start3A_299 = arith.constant 0 : i32
    %dma_start3A_300 = tpu.memref_slice %arg6[%add3A_297, %dma_start3A_298, %dma_start3A_299] : memref<1024x200x128xf32, #tpu.memory_space<hbm>> -> memref<1x200x128xf32, #tpu.memory_space<hbm>>
    %dma_start3A_301 = tpu.memref_squeeze %dma_start3A_300 : memref<1x200x128xf32, #tpu.memory_space<hbm>> -> memref<200x128xf32, #tpu.memory_space<hbm>>
    %dma_start3A_302 = arith.constant 0 : i32
    %dma_start3A_303 = arith.constant 0 : i32
    %dma_start3A_304 = tpu.memref_slice %arg6[%add3A_297, %dma_start3A_302, %dma_start3A_303] : memref<1024x200x128xf32, #tpu.memory_space<hbm>> -> memref<1x200x128xf32, #tpu.memory_space<hbm>>
    %dma_start3A_305 = tpu.memref_squeeze %dma_start3A_304 : memref<1x200x128xf32, #tpu.memory_space<hbm>> -> memref<200x128xf32, #tpu.memory_space<hbm>>
    tpu.enqueue_dma source(%arg9 : memref<200x128xf32, #tpu.memory_space<vmem>>) target(%dma_start3A_305 : memref<200x128xf32, #tpu.memory_space<hbm>>) target_semaphore(%arg17 : memref<!tpu.dma_semaphore, #tpu.memory_space<semaphore_mem>>)
    %dma_wait3A_306 = arith.constant 0 : i32
    %dma_wait3A_307 = arith.constant 0 : i32
    %dma_wait3A_308 = tpu.memref_slice %arg6[%mul3A_2, %dma_wait3A_306, %dma_wait3A_307] : memref<1024x200x128xf32, #tpu.memory_space<hbm>> -> memref<1x200x128xf32, #tpu.memory_space<hbm>>
    %dma_wait3A_309 = tpu.memref_squeeze %dma_wait3A_308 : memref<1x200x128xf32, #tpu.memory_space<hbm>> -> memref<200x128xf32, #tpu.memory_space<hbm>>
    %dma_wait3A_310 = arith.constant 0 : i32
    %dma_wait3A_311 = arith.constant 0 : i32
    %dma_wait3A_312 = tpu.memref_slice %arg6[%mul3A_2, %dma_wait3A_310, %dma_wait3A_311] : memref<1024x200x128xf32, #tpu.memory_space<hbm>> -> memref<1x200x128xf32, #tpu.memory_space<hbm>>
    %dma_wait3A_313 = tpu.memref_squeeze %dma_wait3A_312 : memref<1x200x128xf32, #tpu.memory_space<hbm>> -> memref<200x128xf32, #tpu.memory_space<hbm>>
    tpu.wait_dma2 semaphore(%arg18 : memref<!tpu.dma_semaphore, #tpu.memory_space<semaphore_mem>>) src(%arg10 : memref<200x128xf32, #tpu.memory_space<vmem>>) dst(%dma_wait3A_313 : memref<200x128xf32, #tpu.memory_space<hbm>>)
    %dma_wait3A_314 = arith.constant 0 : i32
    %dma_wait3A_315 = arith.constant 0 : i32
    %dma_wait3A_316 = tpu.memref_slice %arg6[%mul3A_2, %dma_wait3A_314, %dma_wait3A_315] : memref<1024x200x128xf32, #tpu.memory_space<hbm>> -> memref<1x200x128xf32, #tpu.memory_space<hbm>>
    %dma_wait3A_317 = tpu.memref_squeeze %dma_wait3A_316 : memref<1x200x128xf32, #tpu.memory_space<hbm>> -> memref<200x128xf32, #tpu.memory_space<hbm>>
    %dma_wait3A_318 = arith.constant 0 : i32
    %dma_wait3A_319 = arith.constant 0 : i32
    %dma_wait3A_320 = tpu.memref_slice %arg6[%mul3A_2, %dma_wait3A_318, %dma_wait3A_319] : memref<1024x200x128xf32, #tpu.memory_space<hbm>> -> memref<1x200x128xf32, #tpu.memory_space<hbm>>
    %dma_wait3A_321 = tpu.memref_squeeze %dma_wait3A_320 : memref<1x200x128xf32, #tpu.memory_space<hbm>> -> memref<200x128xf32, #tpu.memory_space<hbm>>
    tpu.wait_dma2 semaphore(%arg16 : memref<!tpu.dma_semaphore, #tpu.memory_space<semaphore_mem>>) src(%arg8 : memref<200x128xf32, #tpu.memory_space<vmem>>) dst(%dma_wait3A_321 : memref<200x128xf32, #tpu.memory_space<hbm>>)
    %dma_wait3A_322 = arith.constant 0 : i32
    %dma_wait3A_323 = arith.constant 0 : i32
    %dma_wait3A_324 = tpu.memref_slice %arg6[%mul3A_2, %dma_wait3A_322, %dma_wait3A_323] : memref<1024x200x128xf32, #tpu.memory_space<hbm>> -> memref<1x200x128xf32, #tpu.memory_space<hbm>>
    %dma_wait3A_325 = tpu.memref_squeeze %dma_wait3A_324 : memref<1x200x128xf32, #tpu.memory_space<hbm>> -> memref<200x128xf32, #tpu.memory_space<hbm>>
    %dma_wait3A_326 = arith.constant 0 : i32
    %dma_wait3A_327 = arith.constant 0 : i32
    %dma_wait3A_328 = tpu.memref_slice %arg6[%mul3A_2, %dma_wait3A_326, %dma_wait3A_327] : memref<1024x200x128xf32, #tpu.memory_space<hbm>> -> memref<1x200x128xf32, #tpu.memory_space<hbm>>
    %dma_wait3A_329 = tpu.memref_squeeze %dma_wait3A_328 : memref<1x200x128xf32, #tpu.memory_space<hbm>> -> memref<200x128xf32, #tpu.memory_space<hbm>>
    tpu.wait_dma2 semaphore(%arg17 : memref<!tpu.dma_semaphore, #tpu.memory_space<semaphore_mem>>) src(%arg9 : memref<200x128xf32, #tpu.memory_space<vmem>>) dst(%dma_wait3A_329 : memref<200x128xf32, #tpu.memory_space<hbm>>)
    return
  }
}

module attributes {stable_mosaic.version = 14 : i64} {
  func.func @_prep_body(%arg0: i32, %arg1: memref<25000x128xf32, #tpu.memory_space<vmem>>, %arg2: memref<200x128xf32, #tpu.memory_space<vmem>>, %arg3: memref<8x128xf32, #tpu.memory_space<vmem>>, %arg4: memref<200x64xi32, #tpu.memory_space<vmem>>, %arg5: memref<8x128xf32, #tpu.memory_space<vmem>>) attributes {dimension_semantics = [#tpu.dimension_semantics<arbitrary>], iteration_bounds = array<i64: 4>, scalar_prefetch = 0 : i64, scratch_operands = 1 : i64, tpu.core_type = #tpu.core_type<tc>, window_params = [{transform_indices = @transform_0, window_bounds = array<i64: 25000, 128>}, {pipeline_mode = #tpu.pipeline_mode<synchronous>, transform_indices = @transform_1, window_bounds = array<i64: 200, 128>}, {pipeline_mode = #tpu.pipeline_mode<synchronous>, transform_indices = @transform_2, window_bounds = array<i64: 8, 128>}, {pipeline_mode = #tpu.pipeline_mode<synchronous>, transform_indices = @transform_3, window_bounds = array<i64: 200, 64>}]} {
    %eq3A = arith.constant 0 : i32
    %eq3A_0 = arith.cmpi eq, %arg0, %eq3A : i32
    %convert_element_type3A = arith.extui %eq3A_0 : i1 to i32
    %cond3A = arith.constant 0 : i32
    %cond3A_1 = arith.cmpi ne, %convert_element_type3A, %cond3A : i32
    scf.if %cond3A_1 {
      %broadcast_in_dim3A = arith.constant 0.000000e+00 : f32
      %broadcast_in_dim3A_15 = vector.broadcast %broadcast_in_dim3A : f32 to vector<8x128xf32>
      %swap3A_16 = arith.constant 0 : index
      %swap3A_17 = arith.constant 0 : index
      %swap3A_18 = vector.load %arg5[%swap3A_16, %swap3A_17] : memref<8x128xf32, #tpu.memory_space<vmem>>, vector<8x128xf32>
      tpu.vector_store %arg5[%swap3A_16, %swap3A_17], %broadcast_in_dim3A_15 {strides = array<i32>} : memref<8x128xf32, #tpu.memory_space<vmem>>, vector<8x128xf32>,
    } else {
    }
    %get3A = arith.constant 0 : index
    %get3A_2 = arith.constant 0 : index
    %get3A_3 = vector.load %arg5[%get3A, %get3A_2] : memref<8x128xf32, #tpu.memory_space<vmem>>, vector<8x128xf32>
    %get3A_4 = arith.constant 0 : index
    %get3A_5 = arith.constant 0 : index
    %get3A_6 = vector.load %arg1[%get3A_4, %get3A_5] : memref<25000x128xf32, #tpu.memory_space<vmem>>, vector<25000x128xf32>
    %reshape3A = vector.shape_cast %get3A_6 : vector<25000x128xf32> to vector<3125x8x128xf32>
    %reduce_sum3A = arith.constant dense<0.000000e+00> : vector<8x128xf32>
    %reduce_sum3A_7 = vector.multi_reduction <add>, %reshape3A, %reduce_sum3A [0] : vector<3125x8x128xf32> to vector<8x128xf32>
    %add3A = arith.addf %get3A_3, %reduce_sum3A_7 : vector<8x128xf32>
    %swap3A = arith.constant 0 : index
    %swap3A_8 = arith.constant 0 : index
    %swap3A_9 = vector.load %arg5[%swap3A, %swap3A_8] : memref<8x128xf32, #tpu.memory_space<vmem>>, vector<8x128xf32>
    tpu.vector_store %arg5[%swap3A, %swap3A_8], %add3A {strides = array<i32>} : memref<8x128xf32, #tpu.memory_space<vmem>>, vector<8x128xf32>,
    %eq3A_10 = arith.constant 3 : i32
    %eq3A_11 = arith.cmpi eq, %arg0, %eq3A_10 : i32
    %convert_element_type3A_12 = arith.extui %eq3A_11 : i1 to i32
    %cond3A_13 = arith.constant 0 : i32
    %cond3A_14 = arith.cmpi ne, %convert_element_type3A_12, %cond3A_13 : i32
    scf.if %cond3A_14 {
      %get3A_15 = arith.constant 0 : index
      %get3A_16 = arith.constant 0 : index
      %get3A_17 = vector.load %arg5[%get3A_15, %get3A_16] : memref<8x128xf32, #tpu.memory_space<vmem>>, vector<8x128xf32>
      %reduce_sum3A_18 = vector.shape_cast %get3A_17 : vector<8x128xf32> to vector<1x8x128xf32>
      %reduce_sum3A_19 = arith.constant dense<0.000000e+00> : vector<1xf32>
      %reduce_sum3A_20 = vector.multi_reduction <add>, %reduce_sum3A_18, %reduce_sum3A_19 [1, 2] : vector<1x8x128xf32> to vector<1xf32>
      %reduce_sum3A_21 = vector.shape_cast %reduce_sum3A_20 : vector<1xf32> to vector<1x1x1xf32>
      %reduce_sum3A_22 = vector.extract %reduce_sum3A_21[0, 0, 0] : f32 from vector<1x1x1xf32>
      %div3A = arith.constant 1.280000e+07 : f32
      %div3A_23 = arith.divf %reduce_sum3A_22, %div3A : f32
      %broadcast_in_dim3A = vector.broadcast %div3A_23 : f32 to vector<8x128xf32>
      %swap3A_24 = arith.constant 0 : index
      %swap3A_25 = arith.constant 0 : index
      %swap3A_26 = vector.load %arg3[%swap3A_24, %swap3A_25] : memref<8x128xf32, #tpu.memory_space<vmem>>, vector<8x128xf32>
      tpu.vector_store %arg3[%swap3A_24, %swap3A_25], %broadcast_in_dim3A {strides = array<i32>} : memref<8x128xf32, #tpu.memory_space<vmem>>, vector<8x128xf32>,
      %get3A_27 = arith.constant 0 : index
      %get3A_28 = arith.constant 0 : index
      %get3A_29 = vector.load %arg2[%get3A_27, %get3A_28] : memref<200x128xf32, #tpu.memory_space<vmem>>, vector<200x128xf32>
      %reduce_sum3A_30 = vector.shape_cast %get3A_29 : vector<200x128xf32> to vector<1x200x128xf32>
      %reduce_sum3A_31 = arith.constant dense<0.000000e+00> : vector<1xf32>
      %reduce_sum3A_32 = vector.multi_reduction <add>, %reduce_sum3A_30, %reduce_sum3A_31 [1, 2] : vector<1x200x128xf32> to vector<1xf32>
      %reduce_sum3A_33 = vector.shape_cast %reduce_sum3A_32 : vector<1xf32> to vector<1x1x1xf32>
      %reduce_sum3A_34 = vector.extract %reduce_sum3A_33[0, 0, 0] : f32 from vector<1x1x1xf32>
      %div3A_35 = arith.constant 2.560000e+04 : f32
      %div3A_36 = arith.divf %reduce_sum3A_34, %div3A_35 : f32
      %gt3A = vector.broadcast %div3A_36 : f32 to vector<200x128xf32>
      %gt3A_37 = arith.cmpf ogt, %get3A_29, %gt3A : vector<200x128xf32>
      %jit3A = arith.constant 16256 : i32
      %jit3A_38 = arith.constant 0 : i32
      %broadcast_in_dim3A_39 = vector.broadcast %jit3A : i32 to vector<200x128xi32>
      %broadcast_in_dim3A_40 = vector.broadcast %jit3A_38 : i32 to vector<200x128xi32>
      %select_n3A = arith.select %gt3A_37, %broadcast_in_dim3A_39, %broadcast_in_dim3A_40 : vector<200x128xi1>, vector<200x128xi32>
      %slice3A = vector.extract_strided_slice %select_n3A {offsets = [0, 0], sizes = [200, 64], strides = [1, 1]} : vector<200x128xi32> to vector<200x64xi32>
      %slice3A_41 = vector.extract_strided_slice %select_n3A {offsets = [0, 64], sizes = [200, 64], strides = [1, 1]} : vector<200x128xi32> to vector<200x64xi32>
      %shift_left3A = arith.constant 16 : i32
      %shift_left3A_42 = vector.broadcast %shift_left3A : i32 to vector<200x64xi32>
      %shift_left3A_43 = arith.shli %slice3A_41, %shift_left3A_42 : vector<200x64xi32>
      %or3A = arith.ori %slice3A, %shift_left3A_43 : vector<200x64xi32>
      %swap3A_44 = arith.constant 0 : index
      %swap3A_45 = arith.constant 0 : index
      %swap3A_46 = vector.load %arg4[%swap3A_44, %swap3A_45] : memref<200x64xi32, #tpu.memory_space<vmem>>, vector<200x64xi32>
      tpu.vector_store %arg4[%swap3A_44, %swap3A_45], %or3A {strides = array<i32>} : memref<200x64xi32, #tpu.memory_space<vmem>>, vector<200x64xi32>,
    } else {
    }
    return
  }
  func.func @transform_0(%arg0: i32) -> (i32, i32) {
    %c0_i32 = arith.constant 0 : i32
    %c0_i32_0 = arith.constant 0 : i32
    return %arg0, %c0_i32 : i32, i32
  }
  func.func @transform_1(%arg0: i32) -> (i32, i32) {
    %c0_i32 = arith.constant 0 : i32
    %c0_i32_0 = arith.constant 0 : i32
    %c0_i32_1 = arith.constant 0 : i32
    return %c0_i32, %c0_i32_0 : i32, i32
  }
  func.func @transform_2(%arg0: i32) -> (i32, i32) {
    %c0_i32 = arith.constant 0 : i32
    %c0_i32_0 = arith.constant 0 : i32
    %c0_i32_1 = arith.constant 0 : i32
    return %c0_i32, %c0_i32_0 : i32, i32
  }
  func.func @transform_3(%arg0: i32) -> (i32, i32) {
    %c0_i32 = arith.constant 0 : i32
    %c0_i32_0 = arith.constant 0 : i32
    %c0_i32_1 = arith.constant 0 : i32
    return %c0_i32, %c0_i32_0 : i32, i32
  }
}

</mosaic_0001>

<sc_bundles>
// kernel: kernel.4.cloned.1.call-start
scs
__scs_entry_jumppad:
0x0: {  	(pc) =	sbr.rel $0x88, $3  }
0x1: {  	(tag) =	ssettag $0x0;
	lr =	simm.s32 $0x1  }
0x2: {  	[smem:$0x3F9E] =	sst lr;
	_ =	strace $0xD0000000  }
0x3: {  	_ = 	snop  }
0x4: {  	_ = 	snop  }
0x5: {  	_ = 	snop  }
0x6: {  	_ = 	snop  }
0x7: {  	_ = 	snop  }
__scs_overlays_trampoline_lowered:
0x8: {  	[smem:$0x3FAD] =	sst s0  }
0x9: {  	[smem:$0x3FAE] =	sst s1  }
0xa: {  	[smem:$0x3FAF] =	sst s2  }
0xb: {  	[smem:$0x3FB0] =	sst s3  }
0xc: {  	[smem:$0x3FB1] =	sst s4  }
0xd: {  	[smem:$0x3FB2] =	sst s5  }
0xe: {  	[smem:$0x3FB3] =	sst s6  }
0xf: {  	[smem:$0x3FB4] =	sst s7  }
0x10: {  	[smem:$0x3FB5] =	sst s8  }
0x11: {  	[smem:$0x3FB6] =	sst s9;
	s0 =	simm.s32 @!p0 $0x0  }
0x12: {  	s1 =	sld [smem:$0x3F9C];
	s0 =	simm.s32 @p0 $0x1  }
0x13: {  	[smem:$0x3FB7] =	sst s0;
	s0 =	simm.s32 @!p1 $0x0  }
0x14: {  	s2 =	sld [smem:$0x3F9B];
	s0 =	simm.s32 @p1 $0x1  }
0x15: {  	[smem:$0x3FB8] =	sst s0;
	s0 =	simm.s32 @!p2 $0x0  }
0x16: {  	s3 =	sld [smem:$0x3FDB];
	s0 =	simm.s32 @p2 $0x1  }
0x17: {  	s4 =	simm.s32 $0x1BF5;
	[smem:$0x3FBA] =	sst s0  }
0x18: {  	s0 =	sld [smem:$0x3F9D];
	_ =	swait.ge [sflag:s4], $0x0  }
0x19: {  	s7 =	sld [smem:$0x3F9E]  }
0x1a: {  	s8 =	sadd.s32 $0xFFFFE003, lr  }
0x1b: {  	s9 =	sadd.s32 $0xFFFFFEF7, lr;
	s5 =	simm.s32 $0xFFFFFFFF;
	p2 =	slt.u32 s8, $0xFFFFF086  }
0x1c: {  	p1 =	slt.u32 s9, $0xF7A;
	s5 =	simm.s32 @!p2 $0x0  }
0x1d: {  	s5 =	simm.s32 @p1 $0x1;
	p0 =	seq.s32 s7, s2  }
0x1e: {  	s7 =	smul.u32 @!p0 $0xF7A, s2;
	p2 =	seq.s32 @!p0 s5, $0x0  }
0x1f: {  	s9 =	smul.u32 $0xF7A, s1;
	s8 =	simm.s32 @!p0 $0x1BF5;
	p2 =	por !p2, p0  }
0x20: {  	[sflag:s8] =	ssyncset.s32 @!p0 $0xFFFFF086;
	s6 =	sadd.s32 @!p0 s3, s7;
	s7 =	simm.s32 @!p0 $0x108  }
0x21: {  	s3 =	sadd.s32 s3, s9;
	s6 =	sadd.s32 @!p0 $0x88, s6;
	s7 =	simm.s32 @p2 $0x1082  }
0x22: {  	[simem:s7], [sflag:s8] =	dma.local @!p0 [hbm:s6], $0xF7A  }
0x23: {  	s9 =	sor.u32 $0xD0000000, s2;
	s6 =	simm.s32 $0x108;
	_ =	swait.ge @!p0 [sflag:s8], $0x0  }
0x24: {  	s3 =	sadd.s32 $0x88, s3;
	s6 =	simm.s32 @!p1 $0x1082;
	[sflag:s4] =	ssyncset.s32 $0xFFFFF086  }
0x25: {  	[simem:s6], [sflag:s4] =	dma.local [hbm:s3], $0xF7A  }
0x26: {  	[smem:$0x3F9E] =	sst s1;
	(tag) =	ssettag s2;
	_ =	strace s9  }
0x27: {  	s1 =	sld [smem:$0x3FAE]  }
0x28: {  	s2 =	sld [smem:$0x3FAF]  }
0x29: {  	s4 =	sld [smem:$0x3FB1]  }
0x2a: {  	p0 =	seq.s32 s5, $0x0;
	s5 =	sld [smem:$0x3FB2]  }
0x2b: {  	s6 =	sld [smem:$0x3FB3]  }
0x2c: {  	s7 =	sld [smem:$0x3FB4]  }
0x2d: {  	s3 =	simm.s32 $0x108;
	s8 =	sld [smem:$0x3FB5]  }
0x2e: {  	s3 =	simm.s32 @!p0 $0x1082;
	s9 =	sld [smem:$0x3FB6]  }
0x2f: {  	lr =	sadd.s32 s0, s3;
	s0 =	sld [smem:$0x3FAD]  }
0x30: {  	s3 =	sld [smem:$0x3FB0]  }
0x31: {  	[smem:$0x3FB9] =	sst s10  }
0x32: {  	s10 =	sld [smem:$0x3FB7];
	_ =	sdelay $0x3  }
0x33: {  	p0 =	seq.s32 s10, $0x1;
	s10 =	sld [smem:$0x3FB9];
	_ =	sdelay $0x3  }
0x34: {  	[smem:$0x3FB9] =	sst s10  }
0x35: {  	s10 =	sld [smem:$0x3FB8];
	_ =	sdelay $0x3  }
0x36: {  	p1 =	seq.s32 s10, $0x1;
	s10 =	sld [smem:$0x3FB9];
	_ =	sdelay $0x3  }
0x37: {  	[smem:$0x3FB9] =	sst s10  }
0x38: {  	s10 =	sld [smem:$0x3FBA]  }
0x39: {  	_ = 	snop;
	(pc) =	sbr.ind lr, $3  }
0x3a: {  	_ = 	snop  }
0x3b: {  	_ = 	snop  }
0x3c: {  	p2 =	seq.s32 s10, $0x1;
	s10 =	sld [smem:$0x3FB9]  }
0x3d: {  	_ =	shalt  }
0x3e: {  	_ =	shalt  }
0x3f: {  	_ =	shalt  }
0x40: {  	_ =	shalt  }
0x41: {  	_ =	shalt  }
0x42: {  	_ =	shalt  }
0x43: {  	_ =	shalt  }
0x44: {  	_ =	shalt  }
0x45: {  	_ =	shalt  }
0x46: {  	_ =	shalt  }
0x47: {  	_ =	shalt  }
0x48: {  	_ =	shalt  }
0x49: {  	_ =	shalt  }
0x4a: {  	_ =	shalt  }
0x4b: {  	_ =	shalt  }
0x4c: {  	_ =	shalt  }
0x4d: {  	_ =	shalt  }
0x4e: {  	_ =	shalt  }
0x4f: {  	_ =	shalt  }
0x50: {  	_ =	shalt  }
0x51: {  	_ =	shalt  }
0x52: {  	_ =	shalt  }
0x53: {  	_ =	shalt  }
0x54: {  	_ =	shalt  }
0x55: {  	_ =	shalt  }
0x56: {  	_ =	shalt  }
0x57: {  	_ =	shalt  }
0x58: {  	_ =	shalt  }
0x59: {  	_ =	shalt  }
0x5a: {  	_ =	shalt  }
0x5b: {  	_ =	shalt  }
0x5c: {  	_ =	shalt  }
0x5d: {  	_ =	shalt  }
0x5e: {  	_ =	shalt  }
0x5f: {  	_ =	shalt  }
0x60: {  	_ =	shalt  }
0x61: {  	_ =	shalt  }
0x62: {  	_ =	shalt  }
0x63: {  	_ =	shalt  }
0x64: {  	_ =	shalt  }
0x65: {  	_ =	shalt  }
0x66: {  	_ =	shalt  }
0x67: {  	_ =	shalt  }
0x68: {  	_ =	shalt  }
0x69: {  	_ =	shalt  }
0x6a: {  	_ =	shalt  }
0x6b: {  	_ =	shalt  }
0x6c: {  	_ =	shalt  }
0x6d: {  	_ =	shalt  }
0x6e: {  	_ =	shalt  }
0x6f: {  	_ =	shalt  }
0x70: {  	_ =	shalt  }
0x71: {  	_ =	shalt  }
0x72: {  	_ =	shalt  }
0x73: {  	_ =	shalt  }
0x74: {  	_ =	shalt  }
0x75: {  	_ =	shalt  }
0x76: {  	_ =	shalt  }
0x77: {  	_ =	shalt  }
0x78: {  	_ =	shalt  }
0x79: {  	_ =	shalt  }
0x7a: {  	_ =	shalt  }
0x7b: {  	_ =	shalt  }
0x7c: {  	_ =	shalt  }
0x7d: {  	_ =	shalt  }
0x7e: {  	_ =	shalt  }
0x7f: {  	_ =	shalt  }
0x80: {  	_ =	shalt  }
0x81: {  	_ =	shalt  }
0x82: {  	_ =	shalt  }
0x83: {  	_ =	shalt  }
0x84: {  	_ =	shalt  }
0x85: {  	_ =	shalt  }
0x86: {  	_ =	shalt  }
0x87: {  	_ =	shalt  }
.Lfunc_end0:
.L_simem_size_0:
called_computation_lowered:
.L_overlay_start_0:
0x88: {  	s2 =	sld [smem:$0x3FD9]  }
0x89: {  	s3 =	sld [smem:$0x3FFE];
	_ =	sdelay $0x1  }
0x8a: {  	s1 =	srdreg.scid  }
0x8b: {  	s0 =	sand.u32 $0x1, s1  }
0x8c: {  	s17 =	sshll.u32 s0, $0xA;
	s2 =	sadd.s32 s3, s2  }
0x8d: {  	s2 =	sadd.s32 s2, s17  }
0x8e: {  	[smem:$0x3FC5] =	sst s2  }
0x8f: {  	_ = 	snop  }
0x90: {  	s2 =	sld [smem:$0x3FC8]  }
0x91: {  	s18 =	sld [smem:$0x3FD0];
	(tm) =	ssettm $0x1  }
0x92: {  	s4 =	sld [smem:$0x3FFB];
	_ =	sdelay $0x3  }
0x93: {  	_ =	strace s4  }
0x94: {  	s4 =	sld [smem:$0x3FFC];
	_ =	sdelay $0x3  }
0x95: {  	_ =	strace s4  }
0x96: {  	s4 =	sld [smem:$0x3FFD];
	_ =	sdelay $0x3  }
0x97: {  	_ =	strace s4  }
0x98: {  	_ =	strace $0x8FFFFFFF  }
0x99: {  	s19 =	sld [smem:$0x3FDB];
	_ =	sdelay $0x1  }
0x9a: {  	s5 =	simm.s32 $_scs_section_size  }
0x9b: {  	s6 =	simm.s32 $_size__tile_overlayer_lowered;
	s7 =	simm.s32 $_tile_overlayer_lowered  }
0x9c: {  	s22 =	simm.s32 $0x1BFF;
	s21 =	sshll.u32 s7, $0x1;
	s4 =	sadd.s32 s5, s19  }
0x9d: {  	s8 =	simm.s32 $0x0;
	s20 =	sshll.u32 s6, $0x1;
	s6 =	sadd.s32 s21, s4  }
0x9e: {  	[timem:s8], [sflag:s22] =	dma.local [hbm:s6], s20  }
0x9f: {  	_ =	swait.ge [sflag:s22], s20  }
0xa0: {  	s5 =	ssub.s32 $0x0, s20;
	[sflag:s22] =	ssyncset.done $0x0  }
0xa1: {  	[sflag:s22] =	ssyncadd.s32 s5;
	_ =	sdelay $0x1  }
0xa2: {  	s23 =	simm.s32 $0x1B8B  }
0xa3: {  	_ =	swait.ge [sflag:s23], $0x1  }
0xa4: {  	[sflag:s23] =	ssyncset.done $0x0  }
0xa5: {  	s25 =	simm.s32 $0x1B8E;
	s24 =	sld [smem:$0x3FFE];
	[sflag:s23] =	ssyncadd.s32 $0xFFFFFFFF  }
0xa6: {  	s26 =	simm.s32 $execute0_lowered;
	[smem:$0x3FD2] =	sst s25  }
0xa7: {  	s6 =	sshll.u32 s26, $0x1;
	_ =	strace $0x80000046;
	[dreg:$0x1] =	wrdreg $0xFFFFFFFF  }
0xa8: {  	s28 =	simm.s32 $_size_execute0_lowered;
	s4 =	sadd.s32 s4, s6;
	[dreg:$0x0] =	wrdreg $0x0  }
0xa9: {  	s6 =	sshll.u32 s28, $0x1;
	[dreg:$0x2] =	wrdreg s4  }
0xaa: {  	[dreg:$0x3] =	wrdreg s6  }
0xab: {  	[dreg:$0x4] =	wrdreg $0xC0  }
0xac: {  	_ =	task [dreg:s8], $0x5FFFF  }
0xad: {  	[dreg:$0x1] =	wrdreg $0xFFFFFFFF  }
0xae: {  	[dreg:$0x0] =	wrdreg $0x60  }
0xaf: {  	[dreg:$0x2] =	wrdreg s24  }
0xb0: {  	[dreg:$0x3] =	wrdreg s2  }
0xb1: {  	[dreg:$0x4] =	wrdreg s18  }
0xb2: {  	[dreg:$0x5] =	wrdreg $0x9  }
0xb3: {  	_ =	task.clear_ibuf [dreg:s8], $0x6FFFF;
	_ =	strace $0x90000046  }
0xb4: {  	s29 =	simm.s32 $0x9;
	_ =	strace $0x80000048  }
0xb5: {  	_ =	swait.ge [sflag:s29], $0x1  }
0xb6: {  	[sflag:s29] =	ssyncadd.s32 $0xFFFFFFFF  }
0xb7: {  	_ =	strace $0x90000048  }
0xb8: {  	_ =	sfence  }
0xb9: {  	s30 =	sld [smem:$0x0];
	_ =	sdelay $0x2  }
0xba: {  	s31 =	sshll.u32 s1, $0xD;
	s1 =	sshrl.u32 s1, $0x2  }
0xbb: {  	s3 =	sand.u32 $0x4000, s31;
	s1 =	sadd.s32 s1, s30  }
0xbc: {  	s0 =	sor.u32 s3, s0;
	s1 =	sshll.u32 s1, $0x11  }
0xbd: {  	s0 =	sor.u32 s1, s0  }
0xbe: {  	s0 =	sadd.s32 $0x8F2B, s0  }
0xbf: {  	[sflag:s0] =	ssyncadd.remote.s32 $0x1  }
0xc0: {  	_ =	sfence.sel $0xFFFF  }
0xc1: {  	[dreg:$0x0] =	wrdreg $0xFFFFFFFF;
	(pc) =	sbr.abs _section_cstart, $3  }
0xc2: {  	[dreg:$0x1] =	wrdreg $0xFFFFFFFF  }
0xc3: {  	_ =	task.clear_ibuf [dreg:s8], $0x2FFFF;
	_ =	strace $0x9FFFFFFF  }
0xc4: {  	(tm) =	ssettm $0x7FFFFFFF  }
0xc5: {  	_ =	shalt  }
tec
execute0_lowered:
.L_overlay_start_1:
0x0: {  	(tag) =	ssettag $0x1  }
0x1: {  	s0 =	rddreg [dreg:$0x0]  }
0x2: {  	s2 =	rddreg [dreg:$0x1]  }
0x3: {  	s3 =	rddreg [dreg:$0x2]  }
0x4: {  	s1 =	srdreg.scid;
	s5 =	stileid.u32  }
0x5: {  	s4 =	simm.s32 $0x0;
	s16 =	simm.s32 $0x7;
	s19 =	simm.s32 $0x68  }
0x6: {  	s20 =	simm.s32 $0x2000;
	s22 =	simm.s32 $0x5000;
	s28 =	simm.s32 $0x1  }
0x7: {  	s30 =	simm.s32 $0xE800;
	s17 =	simm.s32 $0x4;
	s18 =	simm.s32 $0x3  }
0x8: {  	s21 =	simm.s32 $0x5;
	s29 =	simm.s32 $0x0;
	s1 =	sand.u32 $0x1, s1  }
0x9: {  	s5 =	sshll.u32 s5, $0x1;
	[smem:$0x7FF] =	sst s4;
	s7 =	sadd.s32 $0x1A00, s0  }
0xa: {  	s5 =	sor.u32 s1, s5;
	_ =	strace $0x80000047;
	s1 =	ssub.s32 $0x2, s1  }
0xb: {  	[dreg:$0x4] =	wrdreg s7;
	s6 =	sshll.u32 s5, $0xA;
	s8 =	smul.u32 $0x19000, s5  }
0xc: {  	s23 =	sshrl.u32 s1, $0x1;
	s10 =	smul.u32 $0xC8000, s5;
	s7 =	sshll.u32 s5, $0x5  }
0xd: {  	s6 =	sadd.s32 s6, s0;
	s0 =	sadd.s32 $0xC00, s0;
	s24 =	ssub.s32 s1, s23  }
0xe: {  	s11 =	sor.u32 $0x2, s7;
	s23 =	simm.s32 $0x6;
	[dreg:$0x5] =	wrdreg s0  }
0xf: {  	s25 =	sadd.s32 $0x1C00, s6;
	s9 =	sadd.s32 s3, s8;
	s26 =	sshrl.u32 s10, $0x3  }
0x10: {  	s15 =	smax.u32 s24, $0x1;
	s24 =	simm.s32 $0x8400;
	s0 =	simm.s32 $0x11800  }
0x11: {  	[dreg:$0x6] =	wrdreg s25;
	s31 =	sadd.s32 $0xC80, s9;
	s1 =	sadd.s32 s3, s26  }
0x12: {  	s26 =	simm.s32 $0xB400;
	[dreg:$0x7] =	wrdreg s31;
	s12 =	sadd.s32 $0x16A80, s1  }
0x13: {  	v0 =	vimm.f32 $0.0e+00;
	s13 =	sadd.s32 $0x17700, s1;
	s14 =	sadd.s32 $0x18380, s1;
	s1 =	simm.s32 $0x2  }
.LBB2_1:
0x14: {  	s5 =	rddreg [dreg:$0x6]  }
0x15: {  	[tilespmem:s4], [sflag:$0x7] =	stream.linear.gather [hbm4b:s5+s4], $0x2000, $0x38;
	[tilespmem:$0x1B080] =	vst v63  }
0x16: {  	_ =	swait.ge [sflag:s16], $0x2000  }
0x17: {  	[sflag:s16] =	ssyncset.done $0x0  }
0x18: {  	s6 =	simm.s32 $0x14C00;
	s31 =	rddreg [dreg:$0x5];
	[sflag:s16] =	ssyncadd.s32 $0xFFFFE000  }
0x19: {  	[tilespmem:s6], [sflag:$0x7] =	stream.linear.gather [hbm4b:s31+s4], $0x6400, $0x38;
	[tilespmem:$0x1B080] =	vst v63  }
0x1a: {  	_ =	swait.ge [sflag:s16], $0x6400  }
0x1b: {  	[sflag:s16] =	ssyncset.done $0x0  }
0x1c: {  	s8 =	simm.s32 $0x1B000;
	s6 =	rddreg [dreg:$0x4];
	[sflag:s16] =	ssyncadd.s32 $0xFFFF9C00  }
0x1d: {  	[tilespmem:s8], [sflag:$0x7] =	stream.linear.gather [hbm4b:s6+s4], $0x80, $0x38;
	[tilespmem:$0x1B080] =	vst v63  }
0x1e: {  	_ =	swait.ge [sflag:s16], $0x80  }
0x1f: {  	[sflag:s16] =	ssyncset.done $0x0  }
0x20: {  	[sflag:s16] =	ssyncadd.s32 $0xFFFFFF80  }
0x21: {  	v1 =	vld [tilespmem:$0x1B000];
	[tilespmem:s20], [sflag:$0x1] =	stream.indirect.gather [hbm4b:s2+s19], $0x80, s4, s19, $0xb8  }
0x22: {  	s10 =	simm.s32 $0x80  }
0x23: {  	[tilespmem:s22], [sflag:$0x1] =	stream.indirect.gather [hbm4b:s2+s19], $0x80, s10, s19, $0xb8;
	[tilespmem:$0x1B080] =	vst v63  }
0x24: {  	s25 =	simm.s32 $0x100  }
0x25: {  	[tilespmem:s24], [sflag:$0x2] =	stream.indirect.gather [hbm4b:s2+s19], $0x80, s25, s19, $0xb8;
	[tilespmem:$0x1B080] =	vst v63  }
0x26: {  	s31 =	simm.s32 $0x180  }
0x27: {  	[tilespmem:s26], [sflag:$0x2] =	stream.indirect.gather [hbm4b:s2+s19], $0x80, s31, s19, $0xb8;
	[tilespmem:$0x1B080] =	vst v63  }
0x28: {  	_ =	swait.ge [sflag:s28], $0x3400  }
0x29: {  	[sflag:s28] =	ssyncset.done $0x0  }
0x2a: {  	[sflag:s28] =	ssyncadd.s32 $0xFFFFCC00  }
0x2b: {  	_ =	swait.ge [sflag:s28], $0x3400  }
0x2c: {  	[sflag:s28] =	ssyncset.done $0x0  }
0x2d: {  	s5 =	simm.s32 $0x0;
	[sflag:s28] =	ssyncadd.s32 $0xFFFFCC00  }
0x2e: {  	v3 =	vld [tilespmem:s5+$0x14C00]  }
0x2f: {  	v4 =	vld [tilespmem:s5+$0x14C10]  }
0x30: {  	v10 =	vld [tilespmem:s5+$0x14C20]  }
0x31: {  	v2 =	vld [tilespmem:s5+$0x14C30]  }
0x32: {  	v6 =	vld [tilespmem:s5+$0x2000]  }
0x33: {  	v16 =	vld [tilespmem:s5+$0x2040]  }
0x34: {  	v12 =	vld [tilespmem:s5+$0x2010]  }
0x35: {  	v7 =	vld [tilespmem:s5+$0x2050];
	v14 =	vshll.u32 v3, $0x10  }
0x36: {  	v9 =	vld [tilespmem:s5+$0x2020];
	v13 =	vand.u32 $0xFFFF0000, v3;
	v8 =	vshll.u32 v4, $0x10;
	v5 =	vand.u32 $0xFFFF0000, v4  }
0x37: {  	v11 =	vld [tilespmem:s5+$0x2060];
	vm0 =	vgt.f32 v6, v1;
	v6 =	vshll.u32 v10, $0x10;
	v4 =	vand.u32 $0xFFFF0000, v10  }
0x38: {  	s6 =	simm.s32 $0x200;
	v3 =	vshll.u32 v2, $0x10;
	v10 =	vld [tilespmem:s5+$0x2030];
	v15 =	vsel vm0, $0x3F800000, v0;
	vm0 =	vgt.f32 v16, v1  }
.LBB2_2:
0x39: {  	s8 =	sshra.s32 s6, $0x2;
	p0 =	sne.s32 s6, $0x18E00;
	v14 =	vadd.f32 v14, v15;
	v15 =	vsel vm0, $0x3F800000, v0;
	vm0 =	vgt.f32 v12, v1;
	v12 =	vld [tilespmem:s5+$0x2070]  }
0x3a: {  	v16 =	vld [tilespmem:s8+$0x14C00];
	v13 =	vadd.f32 v13, v15;
	v15 =	vsel vm0, $0x3F800000, v0;
	vm0 =	vgt.f32 v7, v1  }
0x3b: {  	v17 =	vld [tilespmem:s8+$0x14C10];
	[tilespmem:s5+$0x2000] =	vst v14;
	v7 =	vadd.f32 v8, v15;
	v8 =	vsel vm0, $0x3F800000, v0;
	vm0 =	vgt.f32 v9, v1  }
0x3c: {  	v15 =	vld [tilespmem:s8+$0x14C20];
	[tilespmem:s5+$0x2040] =	vst v13;
	v5 =	vadd.f32 v5, v8;
	v8 =	vsel vm0, $0x3F800000, v0;
	vm0 =	vgt.f32 v11, v1  }
0x3d: {  	v11 =	vld [tilespmem:s8+$0x14C30];
	[tilespmem:s5+$0x2010] =	vst v7;
	v6 =	vadd.f32 v6, v8;
	v7 =	vsel vm0, $0x3F800000, v0;
	vm0 =	vgt.f32 v10, v1  }
0x3e: {  	v10 =	vld [tilespmem:s8+$0x2000];
	[tilespmem:s5+$0x2050] =	vst v5;
	v4 =	vadd.f32 v4, v7;
	v5 =	vsel vm0, $0x3F800000, v0;
	vm0 =	vgt.f32 v12, v1  }
0x3f: {  	v2 =	vand.u32 $0xFFFF0000, v2;
	v18 =	vld [tilespmem:s8+$0x2040];
	[tilespmem:s5+$0x2020] =	vst v6;
	v3 =	vadd.f32 v3, v5;
	v5 =	vsel vm0, $0x3F800000, v0  }
.Ltmp0:
0x40: {  	v12 =	vld [tilespmem:s8+$0x2010];
	[tilespmem:s5+$0x2060] =	vst v4;
	v4 =	vadd.f32 v2, v5;
	(pc) =	sbr.rel @p0 .LBB2_2-.Ltmp0, $4  }
0x41: {  	v14 =	vshll.u32 v16, $0x10;
	v7 =	vld [tilespmem:s8+$0x2050];
	[tilespmem:s5+$0x2030] =	vst v3  }
0x42: {  	v13 =	vand.u32 $0xFFFF0000, v16;
	v8 =	vshll.u32 v17, $0x10;
	v5 =	vand.u32 $0xFFFF0000, v17;
	v9 =	vld [tilespmem:s8+$0x2020];
	[tilespmem:s5+$0x2070] =	vst v4;
	v2 =	vmovc v11;
	s5 =	smov.u32 s8  }
0x43: {  	v6 =	vshll.u32 v15, $0x10;
	v4 =	vand.u32 $0xFFFF0000, v15;
	vm0 =	vgt.f32 v10, v1;
	v11 =	vld [tilespmem:s5+$0x2060]  }
0x44: {  	s6 =	sadd.s32 $0x200, s6;
	v3 =	vshll.u32 v2, $0x10;
	v15 =	vsel vm0, $0x3F800000, v0;
	vm0 =	vgt.f32 v18, v1;
	v10 =	vld [tilespmem:s5+$0x2030]  }
0x45: {  	v14 =	vadd.f32 v14, v15;
	v15 =	vsel vm0, $0x3F800000, v0;
	vm0 =	vgt.f32 v12, v1;
	v12 =	vld [tilespmem:s5+$0x2070]  }
0x46: {  	v13 =	vadd.f32 v13, v15;
	v15 =	vsel vm0, $0x3F800000, v0;
	vm0 =	vgt.f32 v7, v1  }
0x47: {  	[tilespmem:s5+$0x2000] =	vst v14;
	v7 =	vadd.f32 v8, v15;
	v8 =	vsel vm0, $0x3F800000, v0;
	vm0 =	vgt.f32 v9, v1  }
0x48: {  	[tilespmem:s5+$0x2040] =	vst v13;
	v5 =	vadd.f32 v5, v8;
	v8 =	vsel vm0, $0x3F800000, v0;
	vm0 =	vgt.f32 v11, v1  }
0x49: {  	[tilespmem:s5+$0x2010] =	vst v7;
	v6 =	vadd.f32 v6, v8;
	v7 =	vsel vm0, $0x3F800000, v0;
	vm0 =	vgt.f32 v10, v1  }
0x4a: {  	[tilespmem:s5+$0x2050] =	vst v5;
	v4 =	vadd.f32 v4, v7;
	v5 =	vsel vm0, $0x3F800000, v0;
	vm0 =	vgt.f32 v12, v1  }
0x4b: {  	v2 =	vand.u32 $0xFFFF0000, v2;
	[tilespmem:s5+$0x2020] =	vst v6;
	v3 =	vadd.f32 v3, v5;
	v5 =	vsel vm0, $0x3F800000, v0  }
0x4c: {  	[tilespmem:s5+$0x2060] =	vst v4;
	v2 =	vadd.f32 v2, v5  }
0x4d: {  	[tilespmem:s5+$0x2030] =	vst v3  }
0x4e: {  	s10 =	simm.s32 $0x0;
	[tilespmem:s5+$0x2070] =	vst v2  }
0x4f: {  	[hbm4b:s9+s10] =	stream.linear.scatter [tilespmem:s20], [sflag:$0x4], $0x6400, $0x38;
	[tilespmem:$0x1B080] =	vst v63  }
0x50: {  	s25 =	simm.s32 $0x200  }
0x51: {  	[tilespmem:s30], [sflag:$0x3] =	stream.indirect.gather [hbm4b:s2+s19], $0x80, s25, s19, $0xb8;
	[tilespmem:$0x1B080] =	vst v63  }
0x52: {  	s31 =	simm.s32 $0x280  }
0x53: {  	[tilespmem:s0], [sflag:$0x3] =	stream.indirect.gather [hbm4b:s2+s19], $0x80, s31, s19, $0xb8;
	[tilespmem:$0x1B080] =	vst v63  }
0x54: {  	_ =	swait.ge [sflag:s1], $0x3400  }
0x55: {  	[sflag:s1] =	ssyncset.done $0x0  }
0x56: {  	[sflag:s1] =	ssyncadd.s32 $0xFFFFCC00  }
0x57: {  	_ =	swait.ge [sflag:s1], $0x3400  }
0x58: {  	[sflag:s1] =	ssyncset.done $0x0  }
0x59: {  	s5 =	simm.s32 $0x0;
	[sflag:s1] =	ssyncadd.s32 $0xFFFFCC00  }
0x5a: {  	v3 =	vld [tilespmem:s5+$0x14C00]  }
0x5b: {  	v4 =	vld [tilespmem:s5+$0x14C10]  }
0x5c: {  	v10 =	vld [tilespmem:s5+$0x14C20]  }
0x5d: {  	v2 =	vld [tilespmem:s5+$0x14C30]  }
0x5e: {  	v6 =	vld [tilespmem:s5+$0x8400]  }
0x5f: {  	v16 =	vld [tilespmem:s5+$0x8440]  }
0x60: {  	v12 =	vld [tilespmem:s5+$0x8410]  }
0x61: {  	v7 =	vld [tilespmem:s5+$0x8450];
	v14 =	vshll.u32 v3, $0x10  }
0x62: {  	v9 =	vld [tilespmem:s5+$0x8420];
	v13 =	vand.u32 $0xFFFF0000, v3;
	v8 =	vshll.u32 v4, $0x10;
	v5 =	vand.u32 $0xFFFF0000, v4  }
0x63: {  	v11 =	vld [tilespmem:s5+$0x8460];
	vm0 =	vgt.f32 v6, v1;
	v6 =	vshll.u32 v10, $0x10;
	v4 =	vand.u32 $0xFFFF0000, v10  }
0x64: {  	s6 =	simm.s32 $0x200;
	v3 =	vshll.u32 v2, $0x10;
	v10 =	vld [tilespmem:s5+$0x8430];
	v15 =	vsel vm0, $0x3F800000, v0;
	vm0 =	vgt.f32 v16, v1  }
.LBB2_4:
0x65: {  	s8 =	sshra.s32 s6, $0x2;
	p0 =	sne.s32 s6, $0x18E00;
	v14 =	vadd.f32 v14, v15;
	v15 =	vsel vm0, $0x3F800000, v0;
	vm0 =	vgt.f32 v12, v1;
	v12 =	vld [tilespmem:s5+$0x8470]  }
0x66: {  	v16 =	vld [tilespmem:s8+$0x14C00];
	v13 =	vadd.f32 v13, v15;
	v15 =	vsel vm0, $0x3F800000, v0;
	vm0 =	vgt.f32 v7, v1  }
0x67: {  	v17 =	vld [tilespmem:s8+$0x14C10];
	[tilespmem:s5+$0x8400] =	vst v14;
	v7 =	vadd.f32 v8, v15;
	v8 =	vsel vm0, $0x3F800000, v0;
	vm0 =	vgt.f32 v9, v1  }
0x68: {  	v15 =	vld [tilespmem:s8+$0x14C20];
	[tilespmem:s5+$0x8440] =	vst v13;
	v5 =	vadd.f32 v5, v8;
	v8 =	vsel vm0, $0x3F800000, v0;
	vm0 =	vgt.f32 v11, v1  }
0x69: {  	v11 =	vld [tilespmem:s8+$0x14C30];
	[tilespmem:s5+$0x8410] =	vst v7;
	v6 =	vadd.f32 v6, v8;
	v7 =	vsel vm0, $0x3F800000, v0;
	vm0 =	vgt.f32 v10, v1  }
0x6a: {  	v10 =	vld [tilespmem:s8+$0x8400];
	[tilespmem:s5+$0x8450] =	vst v5;
	v4 =	vadd.f32 v4, v7;
	v5 =	vsel vm0, $0x3F800000, v0;
	vm0 =	vgt.f32 v12, v1  }
0x6b: {  	v2 =	vand.u32 $0xFFFF0000, v2;
	v18 =	vld [tilespmem:s8+$0x8440];
	[tilespmem:s5+$0x8420] =	vst v6;
	v3 =	vadd.f32 v3, v5;
	v5 =	vsel vm0, $0x3F800000, v0  }
.Ltmp1:
0x6c: {  	v12 =	vld [tilespmem:s8+$0x8410];
	[tilespmem:s5+$0x8460] =	vst v4;
	v4 =	vadd.f32 v2, v5;
	(pc) =	sbr.rel @p0 .LBB2_4-.Ltmp1, $4  }
0x6d: {  	v14 =	vshll.u32 v16, $0x10;
	v7 =	vld [tilespmem:s8+$0x8450];
	[tilespmem:s5+$0x8430] =	vst v3  }
0x6e: {  	v13 =	vand.u32 $0xFFFF0000, v16;
	v8 =	vshll.u32 v17, $0x10;
	v5 =	vand.u32 $0xFFFF0000, v17;
	v9 =	vld [tilespmem:s8+$0x8420];
	[tilespmem:s5+$0x8470] =	vst v4;
	v2 =	vmovc v11;
	s5 =	smov.u32 s8  }
0x6f: {  	v6 =	vshll.u32 v15, $0x10;
	v4 =	vand.u32 $0xFFFF0000, v15;
	vm0 =	vgt.f32 v10, v1;
	v11 =	vld [tilespmem:s5+$0x8460]  }
0x70: {  	s6 =	sadd.s32 $0x200, s6;
	v3 =	vshll.u32 v2, $0x10;
	v15 =	vsel vm0, $0x3F800000, v0;
	vm0 =	vgt.f32 v18, v1;
	v10 =	vld [tilespmem:s5+$0x8430]  }
0x71: {  	v14 =	vadd.f32 v14, v15;
	v55 =	vsel vm0, $0x3F800000, v0;
	vm10 =	vgt.f32 v12, v1;
	v56 =	vld [tilespmem:s5+$0x8470]  }
0x72: {  	v13 =	vadd.f32 v13, v55;
	v57 =	vsel vm10, $0x3F800000, v0;
	vm11 =	vgt.f32 v7, v1  }
0x73: {  	[tilespmem:s5+$0x8400] =	vst v14;
	v58 =	vadd.f32 v8, v57;
	v59 =	vsel vm11, $0x3F800000, v0;
	vm12 =	vgt.f32 v9, v1  }
0x74: {  	[tilespmem:s5+$0x8440] =	vst v13;
	v5 =	vadd.f32 v5, v59;
	v60 =	vsel vm12, $0x3F800000, v0;
	vm13 =	vgt.f32 v11, v1  }
0x75: {  	[tilespmem:s5+$0x8410] =	vst v58;
	v6 =	vadd.f32 v6, v60;
	v61 =	vsel vm13, $0x3F800000, v0;
	vm14 =	vgt.f32 v10, v1  }
0x76: {  	[tilespmem:s5+$0x8450] =	vst v5;
	v4 =	vadd.f32 v4, v61;
	v62 =	vsel vm14, $0x3F800000, v0;
	vm15 =	vgt.f32 v56, v1  }
0x77: {  	v2 =	vand.u32 $0xFFFF0000, v2;
	[tilespmem:s5+$0x8420] =	vst v6;
	v3 =	vadd.f32 v3, v62;
	v63 =	vsel vm15, $0x3F800000, v0  }
0x78: {  	[tilespmem:s5+$0x8460] =	vst v4;
	v2 =	vadd.f32 v2, v63  }
0x79: {  	[tilespmem:s5+$0x8430] =	vst v3  }
0x7a: {  	s31 =	simm.s32 $0x0;
	s25 =	rddreg [dreg:$0x7];
	[tilespmem:s5+$0x8470] =	vst v2  }
0x7b: {  	[hbm4b:s25+s31] =	stream.linear.scatter [tilespmem:s24], [sflag:$0x5], $0x6400, $0x38;
	[tilespmem:$0x1B080] =	vst v63  }
.LBB2_6:
0x7c: {  	s5 =	smul.u32 $0x3, s31;
	_ =	sdelay $0x1  }
0x7d: {  	_ =	swait.ge [sflag:s17], $0x6400;
	s25 =	sadd.s32 $0x3, s5  }
0x7e: {  	[sflag:s17] =	ssyncset.done $0x0;
	s6 =	sshll.u32 s25, $0x8  }
0x7f: {  	[sflag:s17] =	ssyncadd.s32 $0xFFFF9C00;
	s6 =	sand.u32 $0x3FFFFF00, s6  }
0x80: {  	[tilespmem:s20], [sflag:$0x1] =	stream.indirect.gather [hbm4b:s2+s19], $0x80, s6, s19, $0xb8;
	[tilespmem:$0x1B080] =	vst v63  }
0x81: {  	s6 =	sor.u32 $0x80, s6  }
0x82: {  	[tilespmem:s22], [sflag:$0x1] =	stream.indirect.gather [hbm4b:s2+s19], $0x80, s6, s19, $0xb8;
	[tilespmem:$0x1B080] =	vst v63  }
0x83: {  	_ =	swait.ge [sflag:s18], $0x3400  }
0x84: {  	[sflag:s18] =	ssyncset.done $0x0  }
0x85: {  	[sflag:s18] =	ssyncadd.s32 $0xFFFFCC00  }
0x86: {  	_ =	swait.ge [sflag:s18], $0x3400  }
0x87: {  	[sflag:s18] =	ssyncset.done $0x0  }
0x88: {  	s6 =	simm.s32 $0x0;
	[sflag:s18] =	ssyncadd.s32 $0xFFFFCC00  }
0x89: {  	v3 =	vld [tilespmem:s6+$0x14C00]  }
0x8a: {  	v4 =	vld [tilespmem:s6+$0x14C10]  }
0x8b: {  	v10 =	vld [tilespmem:s6+$0x14C20]  }
0x8c: {  	v2 =	vld [tilespmem:s6+$0x14C30]  }
0x8d: {  	v6 =	vld [tilespmem:s6+$0xE800]  }
0x8e: {  	v16 =	vld [tilespmem:s6+$0xE840]  }
0x8f: {  	v12 =	vld [tilespmem:s6+$0xE810]  }
0x90: {  	v7 =	vld [tilespmem:s6+$0xE850];
	v14 =	vshll.u32 v3, $0x10  }
0x91: {  	v9 =	vld [tilespmem:s6+$0xE820];
	v13 =	vand.u32 $0xFFFF0000, v3;
	v8 =	vshll.u32 v4, $0x10;
	v5 =	vand.u32 $0xFFFF0000, v4  }
0x92: {  	v11 =	vld [tilespmem:s6+$0xE860];
	vm0 =	vgt.f32 v6, v1;
	v6 =	vshll.u32 v10, $0x10;
	v4 =	vand.u32 $0xFFFF0000, v10  }
0x93: {  	s8 =	simm.s32 $0x200;
	v3 =	vshll.u32 v2, $0x10;
	v10 =	vld [tilespmem:s6+$0xE830];
	v15 =	vsel vm0, $0x3F800000, v0;
	vm0 =	vgt.f32 v16, v1  }
.LBB2_7:
0x94: {  	s10 =	sshra.s32 s8, $0x2;
	p0 =	sne.s32 s8, $0x18E00;
	v14 =	vadd.f32 v14, v15;
	v15 =	vsel vm0, $0x3F800000, v0;
	vm0 =	vgt.f32 v12, v1;
	v12 =	vld [tilespmem:s6+$0xE870]  }
0x95: {  	v16 =	vld [tilespmem:s10+$0x14C00];
	v13 =	vadd.f32 v13, v15;
	v15 =	vsel vm0, $0x3F800000, v0;
	vm0 =	vgt.f32 v7, v1  }
0x96: {  	v17 =	vld [tilespmem:s10+$0x14C10];
	[tilespmem:s6+$0xE800] =	vst v14;
	v7 =	vadd.f32 v8, v15;
	v8 =	vsel vm0, $0x3F800000, v0;
	vm0 =	vgt.f32 v9, v1  }
0x97: {  	v15 =	vld [tilespmem:s10+$0x14C20];
	[tilespmem:s6+$0xE840] =	vst v13;
	v5 =	vadd.f32 v5, v8;
	v8 =	vsel vm0, $0x3F800000, v0;
	vm0 =	vgt.f32 v11, v1  }
0x98: {  	v11 =	vld [tilespmem:s10+$0x14C30];
	[tilespmem:s6+$0xE810] =	vst v7;
	v6 =	vadd.f32 v6, v8;
	v7 =	vsel vm0, $0x3F800000, v0;
	vm0 =	vgt.f32 v10, v1  }
0x99: {  	v10 =	vld [tilespmem:s10+$0xE800];
	[tilespmem:s6+$0xE850] =	vst v5;
	v4 =	vadd.f32 v4, v7;
	v5 =	vsel vm0, $0x3F800000, v0;
	vm0 =	vgt.f32 v12, v1  }
0x9a: {  	v2 =	vand.u32 $0xFFFF0000, v2;
	v18 =	vld [tilespmem:s10+$0xE840];
	[tilespmem:s6+$0xE820] =	vst v6;
	v3 =	vadd.f32 v3, v5;
	v5 =	vsel vm0, $0x3F800000, v0  }
.Ltmp2:
0x9b: {  	v12 =	vld [tilespmem:s10+$0xE810];
	[tilespmem:s6+$0xE860] =	vst v4;
	v4 =	vadd.f32 v2, v5;
	(pc) =	sbr.rel @p0 .LBB2_7-.Ltmp2, $4  }
0x9c: {  	v14 =	vshll.u32 v16, $0x10;
	v7 =	vld [tilespmem:s10+$0xE850];
	[tilespmem:s6+$0xE830] =	vst v3  }
0x9d: {  	v13 =	vand.u32 $0xFFFF0000, v16;
	v8 =	vshll.u32 v17, $0x10;
	v5 =	vand.u32 $0xFFFF0000, v17;
	v9 =	vld [tilespmem:s10+$0xE820];
	[tilespmem:s6+$0xE870] =	vst v4;
	v2 =	vmovc v11;
	s6 =	smov.u32 s10  }
0x9e: {  	v6 =	vshll.u32 v15, $0x10;
	v4 =	vand.u32 $0xFFFF0000, v15;
	vm0 =	vgt.f32 v10, v1;
	v11 =	vld [tilespmem:s6+$0xE860]  }
0x9f: {  	s8 =	sadd.s32 $0x200, s8;
	v3 =	vshll.u32 v2, $0x10;
	v15 =	vsel vm0, $0x3F800000, v0;
	vm0 =	vgt.f32 v18, v1;
	v10 =	vld [tilespmem:s6+$0xE830]  }
0xa0: {  	v14 =	vadd.f32 v14, v15;
	v15 =	vsel vm0, $0x3F800000, v0;
	vm0 =	vgt.f32 v12, v1;
	v12 =	vld [tilespmem:s6+$0xE870]  }
0xa1: {  	v13 =	vadd.f32 v13, v15;
	v15 =	vsel vm0, $0x3F800000, v0;
	vm0 =	vgt.f32 v7, v1  }
0xa2: {  	[tilespmem:s6+$0xE800] =	vst v14;
	v7 =	vadd.f32 v8, v15;
	v8 =	vsel vm0, $0x3F800000, v0;
	vm0 =	vgt.f32 v9, v1  }
0xa3: {  	[tilespmem:s6+$0xE840] =	vst v13;
	v5 =	vadd.f32 v5, v8;
	v8 =	vsel vm0, $0x3F800000, v0;
	vm0 =	vgt.f32 v11, v1  }
0xa4: {  	[tilespmem:s6+$0xE810] =	vst v7;
	v6 =	vadd.f32 v6, v8;
	v7 =	vsel vm0, $0x3F800000, v0;
	vm0 =	vgt.f32 v10, v1  }
0xa5: {  	[tilespmem:s6+$0xE850] =	vst v5;
	v4 =	vadd.f32 v4, v7;
	v5 =	vsel vm0, $0x3F800000, v0;
	vm0 =	vgt.f32 v12, v1  }
0xa6: {  	v2 =	vand.u32 $0xFFFF0000, v2;
	s8 =	sadd.s32 s5, s11;
	[tilespmem:s6+$0xE820] =	vst v6;
	v3 =	vadd.f32 v3, v5;
	v5 =	vsel vm0, $0x3F800000, v0  }
0xa7: {  	s8 =	smul.u32 $0xC80, s8;
	[tilespmem:s6+$0xE860] =	vst v4;
	v2 =	vadd.f32 v2, v5  }
0xa8: {  	[tilespmem:s6+$0xE830] =	vst v3  }
0xa9: {  	s10 =	simm.s32 $0x0;
	s8 =	sadd.s32 s3, s8;
	[tilespmem:s6+$0xE870] =	vst v2  }
0xaa: {  	[hbm4b:s8+s10] =	stream.linear.scatter [tilespmem:s30], [sflag:$0x6], $0x6400, $0x38;
	[tilespmem:$0x1B080] =	vst v63  }
0xab: {  	s5 =	sadd.s32 $0x4, s5;
	_ =	swait.ge [sflag:s21], $0x6400  }
0xac: {  	s10 =	sshll.u32 s5, $0x8;
	[sflag:s21] =	ssyncset.done $0x0  }
0xad: {  	s6 =	sand.u32 $0x3FFFFF00, s10;
	[sflag:s21] =	ssyncadd.s32 $0xFFFF9C00  }
0xae: {  	[tilespmem:s24], [sflag:$0x2] =	stream.indirect.gather [hbm4b:s2+s19], $0x80, s6, s19, $0xb8;
	[tilespmem:$0x1B080] =	vst v63  }
0xaf: {  	s6 =	sor.u32 $0x80, s6  }
0xb0: {  	[tilespmem:s26], [sflag:$0x2] =	stream.indirect.gather [hbm4b:s2+s19], $0x80, s6, s19, $0xb8;
	[tilespmem:$0x1B080] =	vst v63  }
0xb1: {  	_ =	swait.ge [sflag:s28], $0x3400  }
0xb2: {  	[sflag:s28] =	ssyncset.done $0x0  }
0xb3: {  	[sflag:s28] =	ssyncadd.s32 $0xFFFFCC00  }
0xb4: {  	_ =	swait.ge [sflag:s28], $0x3400  }
0xb5: {  	[sflag:s28] =	ssyncset.done $0x0  }
0xb6: {  	s6 =	simm.s32 $0x0;
	[sflag:s28] =	ssyncadd.s32 $0xFFFFCC00  }
0xb7: {  	v3 =	vld [tilespmem:s6+$0x14C00]  }
0xb8: {  	v4 =	vld [tilespmem:s6+$0x14C10]  }
0xb9: {  	v10 =	vld [tilespmem:s6+$0x14C20]  }
0xba: {  	v2 =	vld [tilespmem:s6+$0x14C30]  }
0xbb: {  	v6 =	vld [tilespmem:s6+$0x2000]  }
0xbc: {  	v16 =	vld [tilespmem:s6+$0x2040]  }
0xbd: {  	v12 =	vld [tilespmem:s6+$0x2010]  }
0xbe: {  	v7 =	vld [tilespmem:s6+$0x2050];
	v14 =	vshll.u32 v3, $0x10  }
0xbf: {  	v9 =	vld [tilespmem:s6+$0x2020];
	v13 =	vand.u32 $0xFFFF0000, v3;
	v8 =	vshll.u32 v4, $0x10;
	v5 =	vand.u32 $0xFFFF0000, v4  }
0xc0: {  	v11 =	vld [tilespmem:s6+$0x2060];
	vm0 =	vgt.f32 v6, v1;
	v6 =	vshll.u32 v10, $0x10;
	v4 =	vand.u32 $0xFFFF0000, v10  }
0xc1: {  	s8 =	simm.s32 $0x200;
	v3 =	vshll.u32 v2, $0x10;
	v10 =	vld [tilespmem:s6+$0x2030];
	v15 =	vsel vm0, $0x3F800000, v0;
	vm0 =	vgt.f32 v16, v1  }
.LBB2_9:
0xc2: {  	s10 =	sshra.s32 s8, $0x2;
	p0 =	sne.s32 s8, $0x18E00;
	v14 =	vadd.f32 v14, v15;
	v15 =	vsel vm0, $0x3F800000, v0;
	vm0 =	vgt.f32 v12, v1;
	v12 =	vld [tilespmem:s6+$0x2070]  }
0xc3: {  	v16 =	vld [tilespmem:s10+$0x14C00];
	v13 =	vadd.f32 v13, v15;
	v15 =	vsel vm0, $0x3F800000, v0;
	vm0 =	vgt.f32 v7, v1  }
0xc4: {  	v17 =	vld [tilespmem:s10+$0x14C10];
	[tilespmem:s6+$0x2000] =	vst v14;
	v7 =	vadd.f32 v8, v15;
	v8 =	vsel vm0, $0x3F800000, v0;
	vm0 =	vgt.f32 v9, v1  }
0xc5: {  	v15 =	vld [tilespmem:s10+$0x14C20];
	[tilespmem:s6+$0x2040] =	vst v13;
	v5 =	vadd.f32 v5, v8;
	v8 =	vsel vm0, $0x3F800000, v0;
	vm0 =	vgt.f32 v11, v1  }
0xc6: {  	v11 =	vld [tilespmem:s10+$0x14C30];
	[tilespmem:s6+$0x2010] =	vst v7;
	v6 =	vadd.f32 v6, v8;
	v7 =	vsel vm0, $0x3F800000, v0;
	vm0 =	vgt.f32 v10, v1  }
0xc7: {  	v10 =	vld [tilespmem:s10+$0x2000];
	[tilespmem:s6+$0x2050] =	vst v5;
	v4 =	vadd.f32 v4, v7;
	v5 =	vsel vm0, $0x3F800000, v0;
	vm0 =	vgt.f32 v12, v1  }
0xc8: {  	v2 =	vand.u32 $0xFFFF0000, v2;
	v18 =	vld [tilespmem:s10+$0x2040];
	[tilespmem:s6+$0x2020] =	vst v6;
	v3 =	vadd.f32 v3, v5;
	v5 =	vsel vm0, $0x3F800000, v0  }
.Ltmp3:
0xc9: {  	v12 =	vld [tilespmem:s10+$0x2010];
	[tilespmem:s6+$0x2060] =	vst v4;
	v4 =	vadd.f32 v2, v5;
	(pc) =	sbr.rel @p0 .LBB2_9-.Ltmp3, $4  }
0xca: {  	v14 =	vshll.u32 v16, $0x10;
	v7 =	vld [tilespmem:s10+$0x2050];
	[tilespmem:s6+$0x2030] =	vst v3  }
0xcb: {  	v13 =	vand.u32 $0xFFFF0000, v16;
	v8 =	vshll.u32 v17, $0x10;
	v5 =	vand.u32 $0xFFFF0000, v17;
	v9 =	vld [tilespmem:s10+$0x2020];
	[tilespmem:s6+$0x2070] =	vst v4;
	v2 =	vmovc v11;
	s6 =	smov.u32 s10  }
0xcc: {  	v6 =	vshll.u32 v15, $0x10;
	v4 =	vand.u32 $0xFFFF0000, v15;
	vm0 =	vgt.f32 v10, v1;
	v11 =	vld [tilespmem:s6+$0x2060]  }
0xcd: {  	s8 =	sadd.s32 $0x200, s8;
	v3 =	vshll.u32 v2, $0x10;
	v15 =	vsel vm0, $0x3F800000, v0;
	vm0 =	vgt.f32 v18, v1;
	v10 =	vld [tilespmem:s6+$0x2030]  }
0xce: {  	v14 =	vadd.f32 v14, v15;
	v15 =	vsel vm0, $0x3F800000, v0;
	vm0 =	vgt.f32 v12, v1;
	v12 =	vld [tilespmem:s6+$0x2070]  }
0xcf: {  	v13 =	vadd.f32 v13, v15;
	v15 =	vsel vm0, $0x3F800000, v0;
	vm0 =	vgt.f32 v7, v1  }
0xd0: {  	[tilespmem:s6+$0x2000] =	vst v14;
	v7 =	vadd.f32 v8, v15;
	v8 =	vsel vm0, $0x3F800000, v0;
	vm0 =	vgt.f32 v9, v1  }
0xd1: {  	[tilespmem:s6+$0x2040] =	vst v13;
	v5 =	vadd.f32 v5, v8;
	v8 =	vsel vm0, $0x3F800000, v0;
	vm0 =	vgt.f32 v11, v1  }
0xd2: {  	[tilespmem:s6+$0x2010] =	vst v7;
	v6 =	vadd.f32 v6, v8;
	v7 =	vsel vm0, $0x3F800000, v0;
	vm0 =	vgt.f32 v10, v1  }
0xd3: {  	[tilespmem:s6+$0x2050] =	vst v5;
	v4 =	vadd.f32 v4, v7;
	v5 =	vsel vm0, $0x3F800000, v0;
	vm0 =	vgt.f32 v12, v1  }
0xd4: {  	v2 =	vand.u32 $0xFFFF0000, v2;
	s8 =	sadd.s32 s7, s25;
	[tilespmem:s6+$0x2020] =	vst v6;
	v3 =	vadd.f32 v3, v5;
	v5 =	vsel vm0, $0x3F800000, v0  }
0xd5: {  	s8 =	smul.u32 $0xC80, s8;
	[tilespmem:s6+$0x2060] =	vst v4;
	v2 =	vadd.f32 v2, v5  }
0xd6: {  	[tilespmem:s6+$0x2030] =	vst v3  }
0xd7: {  	s25 =	simm.s32 $0x0;
	s10 =	sadd.s32 s3, s8;
	[tilespmem:s6+$0x2070] =	vst v2  }
0xd8: {  	[hbm4b:s10+s25] =	stream.linear.scatter [tilespmem:s20], [sflag:$0x4], $0x6400, $0x38;
	[tilespmem:$0x1B080] =	vst v63  }
0xd9: {  	s10 =	smul.u32 $0xC00, s31  }
0xda: {  	_ =	swait.ge [sflag:s23], $0x6400  }
0xdb: {  	[sflag:s23] =	ssyncset.done $0x0;
	s6 =	sshra.s32 s10, $0x2  }
0xdc: {  	[sflag:s23] =	ssyncadd.s32 $0xFFFF9C00;
	s25 =	sadd.s32 $0x500, s6  }
0xdd: {  	[tilespmem:s30], [sflag:$0x3] =	stream.indirect.gather [hbm4b:s2+s19], $0x80, s25, s19, $0xb8;
	[tilespmem:$0x1B080] =	vst v63  }
0xde: {  	s6 =	sadd.s32 $0x580, s6  }
0xdf: {  	[tilespmem:s0], [sflag:$0x3] =	stream.indirect.gather [hbm4b:s2+s19], $0x80, s6, s19, $0xb8;
	[tilespmem:$0x1B080] =	vst v63  }
0xe0: {  	_ =	swait.ge [sflag:s1], $0x3400  }
0xe1: {  	[sflag:s1] =	ssyncset.done $0x0  }
0xe2: {  	[sflag:s1] =	ssyncadd.s32 $0xFFFFCC00  }
0xe3: {  	_ =	swait.ge [sflag:s1], $0x3400  }
0xe4: {  	[sflag:s1] =	ssyncset.done $0x0  }
0xe5: {  	s6 =	simm.s32 $0x0;
	[sflag:s1] =	ssyncadd.s32 $0xFFFFCC00  }
0xe6: {  	v3 =	vld [tilespmem:s6+$0x14C00]  }
0xe7: {  	v4 =	vld [tilespmem:s6+$0x14C10]  }
0xe8: {  	v10 =	vld [tilespmem:s6+$0x14C20]  }
0xe9: {  	v2 =	vld [tilespmem:s6+$0x14C30]  }
0xea: {  	v6 =	vld [tilespmem:s6+$0x8400]  }
0xeb: {  	v16 =	vld [tilespmem:s6+$0x8440]  }
0xec: {  	v12 =	vld [tilespmem:s6+$0x8410]  }
0xed: {  	v7 =	vld [tilespmem:s6+$0x8450];
	v14 =	vshll.u32 v3, $0x10  }
0xee: {  	v9 =	vld [tilespmem:s6+$0x8420];
	v13 =	vand.u32 $0xFFFF0000, v3;
	v8 =	vshll.u32 v4, $0x10;
	v5 =	vand.u32 $0xFFFF0000, v4  }
0xef: {  	v11 =	vld [tilespmem:s6+$0x8460];
	vm0 =	vgt.f32 v6, v1;
	v6 =	vshll.u32 v10, $0x10;
	v4 =	vand.u32 $0xFFFF0000, v10  }
0xf0: {  	s8 =	simm.s32 $0x200;
	v3 =	vshll.u32 v2, $0x10;
	v10 =	vld [tilespmem:s6+$0x8430];
	v15 =	vsel vm0, $0x3F800000, v0;
	vm0 =	vgt.f32 v16, v1  }
.LBB2_11:
0xf1: {  	s10 =	sshra.s32 s8, $0x2;
	p0 =	sne.s32 s8, $0x18E00;
	v14 =	vadd.f32 v14, v15;
	v15 =	vsel vm0, $0x3F800000, v0;
	vm0 =	vgt.f32 v12, v1;
	v12 =	vld [tilespmem:s6+$0x8470]  }
0xf2: {  	v16 =	vld [tilespmem:s10+$0x14C00];
	v13 =	vadd.f32 v13, v15;
	v15 =	vsel vm0, $0x3F800000, v0;
	vm0 =	vgt.f32 v7, v1  }
0xf3: {  	v17 =	vld [tilespmem:s10+$0x14C10];
	[tilespmem:s6+$0x8400] =	vst v14;
	v7 =	vadd.f32 v8, v15;
	v8 =	vsel vm0, $0x3F800000, v0;
	vm0 =	vgt.f32 v9, v1  }
0xf4: {  	v15 =	vld [tilespmem:s10+$0x14C20];
	[tilespmem:s6+$0x8440] =	vst v13;
	v5 =	vadd.f32 v5, v8;
	v8 =	vsel vm0, $0x3F800000, v0;
	vm0 =	vgt.f32 v11, v1  }
0xf5: {  	v11 =	vld [tilespmem:s10+$0x14C30];
	[tilespmem:s6+$0x8410] =	vst v7;
	v6 =	vadd.f32 v6, v8;
	v7 =	vsel vm0, $0x3F800000, v0;
	vm0 =	vgt.f32 v10, v1  }
0xf6: {  	v10 =	vld [tilespmem:s10+$0x8400];
	[tilespmem:s6+$0x8450] =	vst v5;
	v4 =	vadd.f32 v4, v7;
	v5 =	vsel vm0, $0x3F800000, v0;
	vm0 =	vgt.f32 v12, v1  }
0xf7: {  	v2 =	vand.u32 $0xFFFF0000, v2;
	v18 =	vld [tilespmem:s10+$0x8440];
	[tilespmem:s6+$0x8420] =	vst v6;
	v3 =	vadd.f32 v3, v5;
	v5 =	vsel vm0, $0x3F800000, v0  }
.Ltmp4:
0xf8: {  	v12 =	vld [tilespmem:s10+$0x8410];
	[tilespmem:s6+$0x8460] =	vst v4;
	v4 =	vadd.f32 v2, v5;
	(pc) =	sbr.rel @p0 .LBB2_11-.Ltmp4, $4  }
0xf9: {  	v14 =	vshll.u32 v16, $0x10;
	v7 =	vld [tilespmem:s10+$0x8450];
	[tilespmem:s6+$0x8430] =	vst v3  }
0xfa: {  	v13 =	vand.u32 $0xFFFF0000, v16;
	v8 =	vshll.u32 v17, $0x10;
	v5 =	vand.u32 $0xFFFF0000, v17;
	v9 =	vld [tilespmem:s10+$0x8420];
	[tilespmem:s6+$0x8470] =	vst v4;
	v2 =	vmovc v11;
	s6 =	smov.u32 s10  }
0xfb: {  	v6 =	vshll.u32 v15, $0x10;
	v4 =	vand.u32 $0xFFFF0000, v15;
	vm0 =	vgt.f32 v10, v1;
	v11 =	vld [tilespmem:s6+$0x8460]  }
0xfc: {  	s8 =	sadd.s32 $0x200, s8;
	v3 =	vshll.u32 v2, $0x10;
	v15 =	vsel vm0, $0x3F800000, v0;
	vm0 =	vgt.f32 v18, v1;
	v10 =	vld [tilespmem:s6+$0x8430]  }
0xfd: {  	v14 =	vadd.f32 v14, v15;
	v55 =	vsel vm0, $0x3F800000, v0;
	vm10 =	vgt.f32 v12, v1;
	v56 =	vld [tilespmem:s6+$0x8470]  }
0xfe: {  	v13 =	vadd.f32 v13, v55;
	v57 =	vsel vm10, $0x3F800000, v0;
	vm11 =	vgt.f32 v7, v1  }
0xff: {  	[tilespmem:s6+$0x8400] =	vst v14;
	v58 =	vadd.f32 v8, v57;
	v59 =	vsel vm11, $0x3F800000, v0;
	vm12 =	vgt.f32 v9, v1  }
0x100: {  	[tilespmem:s6+$0x8440] =	vst v13;
	v5 =	vadd.f32 v5, v59;
	v60 =	vsel vm12, $0x3F800000, v0;
	vm13 =	vgt.f32 v11, v1  }
0x101: {  	s31 =	sadd.s32 $0x1, s31;
	[tilespmem:s6+$0x8410] =	vst v58;
	v6 =	vadd.f32 v6, v60;
	v61 =	vsel vm13, $0x3F800000, v0;
	vm14 =	vgt.f32 v10, v1  }
0x102: {  	p0 =	sne.s32 s31, $0x9;
	[tilespmem:s6+$0x8450] =	vst v5;
	v4 =	vadd.f32 v4, v61;
	v62 =	vsel vm14, $0x3F800000, v0;
	vm15 =	vgt.f32 v56, v1  }
.Ltmp5:
0x103: {  	v2 =	vand.u32 $0xFFFF0000, v2;
	s5 =	sadd.s32 s7, s5;
	[tilespmem:s6+$0x8420] =	vst v6;
	v3 =	vadd.f32 v3, v62;
	v63 =	vsel vm15, $0x3F800000, v0;
	(pc) =	sbr.rel @p0 .LBB2_6-.Ltmp5, $4  }
0x104: {  	s5 =	smul.u32 $0xC80, s5;
	[tilespmem:s6+$0x8460] =	vst v4;
	v2 =	vadd.f32 v2, v63  }
0x105: {  	[tilespmem:s6+$0x8430] =	vst v3  }
0x106: {  	s5 =	sadd.s32 s3, s5;
	[tilespmem:s6+$0x8470] =	vst v2  }
0x107: {  	[hbm4b:s5+s4] =	stream.linear.scatter [tilespmem:s24], [sflag:$0x5], $0x6400, $0x38;
	[tilespmem:$0x1B080] =	vst v63  }
0x108: {  	_ =	swait.ge [sflag:s17], $0x6400  }
0x109: {  	[sflag:s17] =	ssyncset.done $0x0  }
0x10a: {  	s5 =	simm.s32 $0x1E00;
	[sflag:s17] =	ssyncadd.s32 $0xFFFF9C00  }
0x10b: {  	[tilespmem:s20], [sflag:$0x1] =	stream.indirect.gather [hbm4b:s2+s19], $0x80, s5, s19, $0xb8;
	[tilespmem:$0x1B080] =	vst v63  }
0x10c: {  	s31 =	simm.s32 $0x1E80  }
0x10d: {  	[tilespmem:s22], [sflag:$0x1] =	stream.indirect.gather [hbm4b:s2+s19], $0x80, s31, s19, $0xb8;
	[tilespmem:$0x1B080] =	vst v63  }
0x10e: {  	_ =	swait.ge [sflag:s18], $0x3400  }
0x10f: {  	[sflag:s18] =	ssyncset.done $0x0  }
0x110: {  	[sflag:s18] =	ssyncadd.s32 $0xFFFFCC00  }
0x111: {  	_ =	swait.ge [sflag:s18], $0x3400  }
0x112: {  	[sflag:s18] =	ssyncset.done $0x0  }
0x113: {  	s5 =	simm.s32 $0x0;
	[sflag:s18] =	ssyncadd.s32 $0xFFFFCC00  }
0x114: {  	v3 =	vld [tilespmem:s5+$0x14C00]  }
0x115: {  	v4 =	vld [tilespmem:s5+$0x14C10]  }
0x116: {  	v10 =	vld [tilespmem:s5+$0x14C20]  }
0x117: {  	v2 =	vld [tilespmem:s5+$0x14C30]  }
0x118: {  	v6 =	vld [tilespmem:s5+$0xE800]  }
0x119: {  	v16 =	vld [tilespmem:s5+$0xE840]  }
0x11a: {  	v12 =	vld [tilespmem:s5+$0xE810]  }
0x11b: {  	v7 =	vld [tilespmem:s5+$0xE850];
	v14 =	vshll.u32 v3, $0x10  }
0x11c: {  	v9 =	vld [tilespmem:s5+$0xE820];
	v13 =	vand.u32 $0xFFFF0000, v3;
	v8 =	vshll.u32 v4, $0x10;
	v5 =	vand.u32 $0xFFFF0000, v4  }
0x11d: {  	v11 =	vld [tilespmem:s5+$0xE860];
	vm0 =	vgt.f32 v6, v1;
	v6 =	vshll.u32 v10, $0x10;
	v4 =	vand.u32 $0xFFFF0000, v10  }
0x11e: {  	s6 =	simm.s32 $0x200;
	v3 =	vshll.u32 v2, $0x10;
	v10 =	vld [tilespmem:s5+$0xE830];
	v15 =	vsel vm0, $0x3F800000, v0;
	vm0 =	vgt.f32 v16, v1  }
.LBB2_14:
0x11f: {  	s8 =	sshra.s32 s6, $0x2;
	p0 =	sne.s32 s6, $0x18E00;
	v14 =	vadd.f32 v14, v15;
	v15 =	vsel vm0, $0x3F800000, v0;
	vm0 =	vgt.f32 v12, v1;
	v12 =	vld [tilespmem:s5+$0xE870]  }
0x120: {  	v16 =	vld [tilespmem:s8+$0x14C00];
	v13 =	vadd.f32 v13, v15;
	v15 =	vsel vm0, $0x3F800000, v0;
	vm0 =	vgt.f32 v7, v1  }
0x121: {  	v17 =	vld [tilespmem:s8+$0x14C10];
	[tilespmem:s5+$0xE800] =	vst v14;
	v7 =	vadd.f32 v8, v15;
	v8 =	vsel vm0, $0x3F800000, v0;
	vm0 =	vgt.f32 v9, v1  }
0x122: {  	v15 =	vld [tilespmem:s8+$0x14C20];
	[tilespmem:s5+$0xE840] =	vst v13;
	v5 =	vadd.f32 v5, v8;
	v8 =	vsel vm0, $0x3F800000, v0;
	vm0 =	vgt.f32 v11, v1  }
0x123: {  	v11 =	vld [tilespmem:s8+$0x14C30];
	[tilespmem:s5+$0xE810] =	vst v7;
	v6 =	vadd.f32 v6, v8;
	v7 =	vsel vm0, $0x3F800000, v0;
	vm0 =	vgt.f32 v10, v1  }
0x124: {  	v10 =	vld [tilespmem:s8+$0xE800];
	[tilespmem:s5+$0xE850] =	vst v5;
	v4 =	vadd.f32 v4, v7;
	v5 =	vsel vm0, $0x3F800000, v0;
	vm0 =	vgt.f32 v12, v1  }
0x125: {  	v2 =	vand.u32 $0xFFFF0000, v2;
	v18 =	vld [tilespmem:s8+$0xE840];
	[tilespmem:s5+$0xE820] =	vst v6;
	v3 =	vadd.f32 v3, v5;
	v5 =	vsel vm0, $0x3F800000, v0  }
.Ltmp6:
0x126: {  	v12 =	vld [tilespmem:s8+$0xE810];
	[tilespmem:s5+$0xE860] =	vst v4;
	v4 =	vadd.f32 v2, v5;
	(pc) =	sbr.rel @p0 .LBB2_14-.Ltmp6, $4  }
0x127: {  	v14 =	vshll.u32 v16, $0x10;
	v7 =	vld [tilespmem:s8+$0xE850];
	[tilespmem:s5+$0xE830] =	vst v3  }
0x128: {  	v13 =	vand.u32 $0xFFFF0000, v16;
	v8 =	vshll.u32 v17, $0x10;
	v5 =	vand.u32 $0xFFFF0000, v17;
	v9 =	vld [tilespmem:s8+$0xE820];
	[tilespmem:s5+$0xE870] =	vst v4;
	v2 =	vmovc v11;
	s5 =	smov.u32 s8  }
0x129: {  	v6 =	vshll.u32 v15, $0x10;
	v4 =	vand.u32 $0xFFFF0000, v15;
	vm0 =	vgt.f32 v10, v1;
	v11 =	vld [tilespmem:s5+$0xE860]  }
0x12a: {  	s6 =	sadd.s32 $0x200, s6;
	v3 =	vshll.u32 v2, $0x10;
	v15 =	vsel vm0, $0x3F800000, v0;
	vm0 =	vgt.f32 v18, v1;
	v10 =	vld [tilespmem:s5+$0xE830]  }
0x12b: {  	v14 =	vadd.f32 v14, v15;
	v15 =	vsel vm0, $0x3F800000, v0;
	vm0 =	vgt.f32 v12, v1;
	v12 =	vld [tilespmem:s5+$0xE870]  }
0x12c: {  	v13 =	vadd.f32 v13, v15;
	v15 =	vsel vm0, $0x3F800000, v0;
	vm0 =	vgt.f32 v7, v1  }
0x12d: {  	[tilespmem:s5+$0xE800] =	vst v14;
	v7 =	vadd.f32 v8, v15;
	v8 =	vsel vm0, $0x3F800000, v0;
	vm0 =	vgt.f32 v9, v1  }
0x12e: {  	[tilespmem:s5+$0xE840] =	vst v13;
	v5 =	vadd.f32 v5, v8;
	v8 =	vsel vm0, $0x3F800000, v0;
	vm0 =	vgt.f32 v11, v1  }
0x12f: {  	[tilespmem:s5+$0xE810] =	vst v7;
	v6 =	vadd.f32 v6, v8;
	v7 =	vsel vm0, $0x3F800000, v0;
	vm0 =	vgt.f32 v10, v1  }
0x130: {  	[tilespmem:s5+$0xE850] =	vst v5;
	v4 =	vadd.f32 v4, v7;
	v5 =	vsel vm0, $0x3F800000, v0;
	vm0 =	vgt.f32 v12, v1  }
0x131: {  	v2 =	vand.u32 $0xFFFF0000, v2;
	[tilespmem:s5+$0xE820] =	vst v6;
	v3 =	vadd.f32 v3, v5;
	v5 =	vsel vm0, $0x3F800000, v0  }
0x132: {  	[tilespmem:s5+$0xE860] =	vst v4;
	v2 =	vadd.f32 v2, v5  }
0x133: {  	[tilespmem:s5+$0xE830] =	vst v3  }
0x134: {  	s10 =	simm.s32 $0x0;
	[tilespmem:s5+$0xE870] =	vst v2  }
0x135: {  	[hbm4b:s12+s10] =	stream.linear.scatter [tilespmem:s30], [sflag:$0x6], $0x6400, $0x38;
	[tilespmem:$0x1B080] =	vst v63  }
0x136: {  	_ =	swait.ge [sflag:s21], $0x6400  }
0x137: {  	[sflag:s21] =	ssyncset.done $0x0  }
0x138: {  	s25 =	simm.s32 $0x1F00;
	[sflag:s21] =	ssyncadd.s32 $0xFFFF9C00  }
0x139: {  	[tilespmem:s24], [sflag:$0x2] =	stream.indirect.gather [hbm4b:s2+s19], $0x80, s25, s19, $0xb8;
	[tilespmem:$0x1B080] =	vst v63  }
0x13a: {  	s31 =	simm.s32 $0x1F80  }
0x13b: {  	[tilespmem:s26], [sflag:$0x2] =	stream.indirect.gather [hbm4b:s2+s19], $0x80, s31, s19, $0xb8;
	[tilespmem:$0x1B080] =	vst v63  }
0x13c: {  	_ =	swait.ge [sflag:s28], $0x3400  }
0x13d: {  	[sflag:s28] =	ssyncset.done $0x0  }
0x13e: {  	[sflag:s28] =	ssyncadd.s32 $0xFFFFCC00  }
0x13f: {  	_ =	swait.ge [sflag:s28], $0x3400  }
0x140: {  	[sflag:s28] =	ssyncset.done $0x0  }
0x141: {  	s5 =	simm.s32 $0x0;
	[sflag:s28] =	ssyncadd.s32 $0xFFFFCC00  }
0x142: {  	v3 =	vld [tilespmem:s5+$0x14C00]  }
0x143: {  	v4 =	vld [tilespmem:s5+$0x14C10]  }
0x144: {  	v10 =	vld [tilespmem:s5+$0x14C20]  }
0x145: {  	v2 =	vld [tilespmem:s5+$0x14C30]  }
0x146: {  	v6 =	vld [tilespmem:s5+$0x2000]  }
0x147: {  	v16 =	vld [tilespmem:s5+$0x2040]  }
0x148: {  	v12 =	vld [tilespmem:s5+$0x2010]  }
0x149: {  	v7 =	vld [tilespmem:s5+$0x2050];
	v14 =	vshll.u32 v3, $0x10  }
0x14a: {  	v9 =	vld [tilespmem:s5+$0x2020];
	v13 =	vand.u32 $0xFFFF0000, v3;
	v8 =	vshll.u32 v4, $0x10;
	v5 =	vand.u32 $0xFFFF0000, v4  }
0x14b: {  	v11 =	vld [tilespmem:s5+$0x2060];
	vm0 =	vgt.f32 v6, v1;
	v6 =	vshll.u32 v10, $0x10;
	v4 =	vand.u32 $0xFFFF0000, v10  }
0x14c: {  	s6 =	simm.s32 $0x200;
	v3 =	vshll.u32 v2, $0x10;
	v10 =	vld [tilespmem:s5+$0x2030];
	v15 =	vsel vm0, $0x3F800000, v0;
	vm0 =	vgt.f32 v16, v1  }
.LBB2_16:
0x14d: {  	s8 =	sshra.s32 s6, $0x2;
	p0 =	sne.s32 s6, $0x18E00;
	v14 =	vadd.f32 v14, v15;
	v15 =	vsel vm0, $0x3F800000, v0;
	vm0 =	vgt.f32 v12, v1;
	v12 =	vld [tilespmem:s5+$0x2070]  }
0x14e: {  	v16 =	vld [tilespmem:s8+$0x14C00];
	v13 =	vadd.f32 v13, v15;
	v15 =	vsel vm0, $0x3F800000, v0;
	vm0 =	vgt.f32 v7, v1  }
0x14f: {  	v17 =	vld [tilespmem:s8+$0x14C10];
	[tilespmem:s5+$0x2000] =	vst v14;
	v7 =	vadd.f32 v8, v15;
	v8 =	vsel vm0, $0x3F800000, v0;
	vm0 =	vgt.f32 v9, v1  }
0x150: {  	v15 =	vld [tilespmem:s8+$0x14C20];
	[tilespmem:s5+$0x2040] =	vst v13;
	v5 =	vadd.f32 v5, v8;
	v8 =	vsel vm0, $0x3F800000, v0;
	vm0 =	vgt.f32 v11, v1  }
0x151: {  	v11 =	vld [tilespmem:s8+$0x14C30];
	[tilespmem:s5+$0x2010] =	vst v7;
	v6 =	vadd.f32 v6, v8;
	v7 =	vsel vm0, $0x3F800000, v0;
	vm0 =	vgt.f32 v10, v1  }
0x152: {  	v10 =	vld [tilespmem:s8+$0x2000];
	[tilespmem:s5+$0x2050] =	vst v5;
	v4 =	vadd.f32 v4, v7;
	v5 =	vsel vm0, $0x3F800000, v0;
	vm0 =	vgt.f32 v12, v1  }
0x153: {  	v2 =	vand.u32 $0xFFFF0000, v2;
	v18 =	vld [tilespmem:s8+$0x2040];
	[tilespmem:s5+$0x2020] =	vst v6;
	v3 =	vadd.f32 v3, v5;
	v5 =	vsel vm0, $0x3F800000, v0  }
.Ltmp7:
0x154: {  	v12 =	vld [tilespmem:s8+$0x2010];
	[tilespmem:s5+$0x2060] =	vst v4;
	v4 =	vadd.f32 v2, v5;
	(pc) =	sbr.rel @p0 .LBB2_16-.Ltmp7, $4  }
0x155: {  	v14 =	vshll.u32 v16, $0x10;
	v7 =	vld [tilespmem:s8+$0x2050];
	[tilespmem:s5+$0x2030] =	vst v3  }
0x156: {  	v13 =	vand.u32 $0xFFFF0000, v16;
	v8 =	vshll.u32 v17, $0x10;
	v5 =	vand.u32 $0xFFFF0000, v17;
	v9 =	vld [tilespmem:s8+$0x2020];
	[tilespmem:s5+$0x2070] =	vst v4;
	v2 =	vmovc v11;
	s5 =	smov.u32 s8  }
0x157: {  	v6 =	vshll.u32 v15, $0x10;
	v4 =	vand.u32 $0xFFFF0000, v15;
	vm0 =	vgt.f32 v10, v1;
	v11 =	vld [tilespmem:s5+$0x2060]  }
0x158: {  	s6 =	sadd.s32 $0x200, s6;
	v3 =	vshll.u32 v2, $0x10;
	v15 =	vsel vm0, $0x3F800000, v0;
	vm0 =	vgt.f32 v18, v1;
	v10 =	vld [tilespmem:s5+$0x2030]  }
0x159: {  	v14 =	vadd.f32 v14, v15;
	v15 =	vsel vm0, $0x3F800000, v0;
	vm0 =	vgt.f32 v12, v1;
	v12 =	vld [tilespmem:s5+$0x2070]  }
0x15a: {  	v13 =	vadd.f32 v13, v15;
	v15 =	vsel vm0, $0x3F800000, v0;
	vm0 =	vgt.f32 v7, v1  }
0x15b: {  	[tilespmem:s5+$0x2000] =	vst v14;
	v7 =	vadd.f32 v8, v15;
	v8 =	vsel vm0, $0x3F800000, v0;
	vm0 =	vgt.f32 v9, v1  }
0x15c: {  	[tilespmem:s5+$0x2040] =	vst v13;
	v5 =	vadd.f32 v5, v8;
	v8 =	vsel vm0, $0x3F800000, v0;
	vm0 =	vgt.f32 v11, v1  }
0x15d: {  	[tilespmem:s5+$0x2010] =	vst v7;
	v6 =	vadd.f32 v6, v8;
	v7 =	vsel vm0, $0x3F800000, v0;
	vm0 =	vgt.f32 v10, v1  }
0x15e: {  	[tilespmem:s5+$0x2050] =	vst v5;
	v4 =	vadd.f32 v4, v7;
	v5 =	vsel vm0, $0x3F800000, v0;
	vm0 =	vgt.f32 v12, v1  }
0x15f: {  	v2 =	vand.u32 $0xFFFF0000, v2;
	[tilespmem:s5+$0x2020] =	vst v6;
	v3 =	vadd.f32 v3, v5;
	v5 =	vsel vm0, $0x3F800000, v0  }
0x160: {  	[tilespmem:s5+$0x2060] =	vst v4;
	v2 =	vadd.f32 v2, v5  }
0x161: {  	[tilespmem:s5+$0x2030] =	vst v3  }
0x162: {  	s31 =	simm.s32 $0x0;
	[tilespmem:s5+$0x2070] =	vst v2  }
0x163: {  	[hbm4b:s13+s31] =	stream.linear.scatter [tilespmem:s20], [sflag:$0x4], $0x6400, $0x38;
	[tilespmem:$0x1B080] =	vst v63  }
0x164: {  	_ =	swait.ge [sflag:s1], $0x3400  }
0x165: {  	[sflag:s1] =	ssyncset.done $0x0  }
0x166: {  	[sflag:s1] =	ssyncadd.s32 $0xFFFFCC00  }
0x167: {  	_ =	swait.ge [sflag:s1], $0x3400  }
0x168: {  	[sflag:s1] =	ssyncset.done $0x0  }
0x169: {  	s5 =	simm.s32 $0x0;
	[sflag:s1] =	ssyncadd.s32 $0xFFFFCC00  }
0x16a: {  	v3 =	vld [tilespmem:s5+$0x14C00]  }
0x16b: {  	v4 =	vld [tilespmem:s5+$0x14C10]  }
0x16c: {  	v10 =	vld [tilespmem:s5+$0x14C20]  }
0x16d: {  	v2 =	vld [tilespmem:s5+$0x14C30]  }
0x16e: {  	v6 =	vld [tilespmem:s5+$0x8400]  }
0x16f: {  	v16 =	vld [tilespmem:s5+$0x8440]  }
0x170: {  	v12 =	vld [tilespmem:s5+$0x8410]  }
0x171: {  	v7 =	vld [tilespmem:s5+$0x8450];
	v14 =	vshll.u32 v3, $0x10  }
0x172: {  	v9 =	vld [tilespmem:s5+$0x8420];
	v13 =	vand.u32 $0xFFFF0000, v3;
	v8 =	vshll.u32 v4, $0x10;
	v5 =	vand.u32 $0xFFFF0000, v4  }
0x173: {  	v11 =	vld [tilespmem:s5+$0x8460];
	vm0 =	vgt.f32 v6, v1;
	v6 =	vshll.u32 v10, $0x10;
	v4 =	vand.u32 $0xFFFF0000, v10  }
0x174: {  	s6 =	simm.s32 $0x200;
	v3 =	vshll.u32 v2, $0x10;
	v10 =	vld [tilespmem:s5+$0x8430];
	v15 =	vsel vm0, $0x3F800000, v0;
	vm0 =	vgt.f32 v16, v1  }
.LBB2_18:
0x175: {  	s8 =	sshra.s32 s6, $0x2;
	p0 =	sne.s32 s6, $0x18E00;
	v14 =	vadd.f32 v14, v15;
	v15 =	vsel vm0, $0x3F800000, v0;
	vm0 =	vgt.f32 v12, v1;
	v12 =	vld [tilespmem:s5+$0x8470]  }
0x176: {  	v16 =	vld [tilespmem:s8+$0x14C00];
	v13 =	vadd.f32 v13, v15;
	v15 =	vsel vm0, $0x3F800000, v0;
	vm0 =	vgt.f32 v7, v1  }
0x177: {  	v17 =	vld [tilespmem:s8+$0x14C10];
	[tilespmem:s5+$0x8400] =	vst v14;
	v7 =	vadd.f32 v8, v15;
	v8 =	vsel vm0, $0x3F800000, v0;
	vm0 =	vgt.f32 v9, v1  }
0x178: {  	v15 =	vld [tilespmem:s8+$0x14C20];
	[tilespmem:s5+$0x8440] =	vst v13;
	v5 =	vadd.f32 v5, v8;
	v8 =	vsel vm0, $0x3F800000, v0;
	vm0 =	vgt.f32 v11, v1  }
0x179: {  	v11 =	vld [tilespmem:s8+$0x14C30];
	[tilespmem:s5+$0x8410] =	vst v7;
	v6 =	vadd.f32 v6, v8;
	v7 =	vsel vm0, $0x3F800000, v0;
	vm0 =	vgt.f32 v10, v1  }
0x17a: {  	v10 =	vld [tilespmem:s8+$0x8400];
	[tilespmem:s5+$0x8450] =	vst v5;
	v4 =	vadd.f32 v4, v7;
	v5 =	vsel vm0, $0x3F800000, v0;
	vm0 =	vgt.f32 v12, v1  }
0x17b: {  	v2 =	vand.u32 $0xFFFF0000, v2;
	v18 =	vld [tilespmem:s8+$0x8440];
	[tilespmem:s5+$0x8420] =	vst v6;
	v3 =	vadd.f32 v3, v5;
	v5 =	vsel vm0, $0x3F800000, v0  }
.Ltmp8:
0x17c: {  	v12 =	vld [tilespmem:s8+$0x8410];
	[tilespmem:s5+$0x8460] =	vst v4;
	v4 =	vadd.f32 v2, v5;
	(pc) =	sbr.rel @p0 .LBB2_18-.Ltmp8, $4  }
0x17d: {  	v14 =	vshll.u32 v16, $0x10;
	v7 =	vld [tilespmem:s8+$0x8450];
	[tilespmem:s5+$0x8430] =	vst v3  }
0x17e: {  	v13 =	vand.u32 $0xFFFF0000, v16;
	v8 =	vshll.u32 v17, $0x10;
	v5 =	vand.u32 $0xFFFF0000, v17;
	v9 =	vld [tilespmem:s8+$0x8420];
	[tilespmem:s5+$0x8470] =	vst v4;
	v2 =	vmovc v11;
	s5 =	smov.u32 s8  }
0x17f: {  	v6 =	vshll.u32 v15, $0x10;
	v4 =	vand.u32 $0xFFFF0000, v15;
	vm0 =	vgt.f32 v10, v1;
	v11 =	vld [tilespmem:s5+$0x8460]  }
0x180: {  	s6 =	sadd.s32 $0x200, s6;
	v3 =	vshll.u32 v2, $0x10;
	v15 =	vsel vm0, $0x3F800000, v0;
	vm0 =	vgt.f32 v18, v1;
	v10 =	vld [tilespmem:s5+$0x8430]  }
0x181: {  	v14 =	vadd.f32 v14, v15;
	v56 =	vsel vm0, $0x3F800000, v0;
	vm10 =	vgt.f32 v12, v1;
	v57 =	vld [tilespmem:s5+$0x8470]  }
0x182: {  	v13 =	vadd.f32 v13, v56;
	v58 =	vsel vm10, $0x3F800000, v0;
	vm11 =	vgt.f32 v7, v1  }
0x183: {  	[tilespmem:s5+$0x8400] =	vst v14;
	v59 =	vadd.f32 v8, v58;
	v60 =	vsel vm11, $0x3F800000, v0;
	vm12 =	vgt.f32 v9, v1  }
0x184: {  	[tilespmem:s5+$0x8440] =	vst v13;
	v5 =	vadd.f32 v5, v60;
	v61 =	vsel vm12, $0x3F800000, v0;
	vm13 =	vgt.f32 v11, v1  }
0x185: {  	[tilespmem:s5+$0x8410] =	vst v59;
	v6 =	vadd.f32 v6, v61;
	v62 =	vsel vm13, $0x3F800000, v0;
	vm14 =	vgt.f32 v10, v1  }
0x186: {  	[tilespmem:s5+$0x8450] =	vst v5;
	v4 =	vadd.f32 v4, v62;
	v63 =	vsel vm14, $0x3F800000, v0;
	vm15 =	vgt.f32 v57, v1  }
0x187: {  	v1 =	vand.u32 $0xFFFF0000, v2;
	[tilespmem:s5+$0x8420] =	vst v6;
	v2 =	vadd.f32 v3, v63;
	v3 =	vsel vm15, $0x3F800000, v0  }
0x188: {  	[tilespmem:s5+$0x8460] =	vst v4;
	v1 =	vadd.f32 v1, v3  }
0x189: {  	[tilespmem:s5+$0x8430] =	vst v2  }
0x18a: {  	[tilespmem:s5+$0x8470] =	vst v1  }
0x18b: {  	[hbm4b:s14+s4] =	stream.linear.scatter [tilespmem:s24], [sflag:$0x5], $0x6400, $0x38;
	[tilespmem:$0x1B080] =	vst v63  }
0x18c: {  	_ =	swait.ge [sflag:s23], $0x6400  }
0x18d: {  	[sflag:s23] =	ssyncset.done $0x0  }
0x18e: {  	s29 =	sadd.s32 $0x1, s29;
	[sflag:s23] =	ssyncadd.s32 $0xFFFF9C00  }
0x18f: {  	p0 =	sne.s32 s29, s15;
	_ =	swait.ge [sflag:s17], $0x6400  }
.Ltmp9:
0x190: {  	[sflag:s17] =	ssyncset.done $0x0;
	(pc) =	sbr.rel @p0 .LBB2_1-.Ltmp9, $4  }
0x191: {  	[sflag:s17] =	ssyncadd.s32 $0xFFFF9C00  }
0x192: {  	_ =	swait.ge [sflag:s21], $0x6400  }
0x193: {  	[sflag:s21] =	ssyncset.done $0x0  }
0x194: {  	[sflag:s21] =	ssyncadd.s32 $0xFFFF9C00  }
0x195: {  	_ =	sfence.sel $0x180000  }
0x196: {  	[bflag:$0x0] =	sbarrier.arrive $0xFFFF  }
0x197: {  	_ =	strace $0x90000047  }
0x198: {  	s0 =	stileid.u32;
	[bflag:$0x2] =	sbarrier.arrive $0xFFFF  }
0x199: {  	p0 =	sne.s32 s0, $0x0;
	s0 =	rddreg [dreg:$0x3]  }
0x19a: {  	s0 =	sadd.s32 @!p0 $0x100000, s0  }
0x19b: {  	[sflag:s0] =	ssyncadd.tile.s32 @!p0 $0x1;
	_ =	shalt  }
.Lfunc_end2:
_tile_overlayer_lowered:
.L_overlay_start_2:
0x19c: {  	(tag) =	ssettag $0x2  }
0x19d: {  	s0 =	rddreg [dreg:$0x0];
	s2 =	stileid.u32  }
0x19e: {  	s1 =	rddreg [dreg:$0x1];
	p0 =	sne.s32 s2, $0x0  }
0x19f: {  	s3 =	rddreg [dreg:$0x2];
	[bflag:$0x3] =	sbarrier.arrive $0xFFFF;
	s2 =	simm.s32 @!p0 $0x1C07  }
0x1a0: {  	[timem:s3], [sflag:s2] =	dma.local @!p0 [hbm:s0], s1  }
0x1a1: {  	s0 =	simm.s32 @!p0 $0x7  }
0x1a2: {  	_ =	swait.ge @!p0 [sflag:s0], s1  }
0x1a3: {  	s1 =	ssub.s32 @!p0 $0x0, s1;
	[sflag:s0] =	ssyncset.done @!p0 $0x0  }
0x1a4: {  	[sflag:s0] =	ssyncadd.s32 @!p0 s1  }
0x1a5: {  	[bflag:$0x3] =	sbarrier.arrive $0xFFFF  }
0x1a6: {  	_ =	shalt  }

</sc_bundles>
